<compile_context>
chip_gen: v7x
topology: tpu7x:2x2x1
jax: 0.10.2.dev20260603
libtpu: 0.0.44.dev20260713+nightly
codegen_flags: <defaults>
</compile_context>

<pallas_src>
import functools

import jax
import jax.numpy as jnp
from jax import lax
from jax.experimental import pallas as pl
from jax.experimental.pallas import tpu as pltpu
from jax.experimental.pallas import tpu_sc as plsc

BATCH = 4096
EMBED_DIM = 64
LANES = 16

_info = plsc.get_sparse_core_info()
NUM_CORES = _info.num_cores
NUM_SUBCORES = _info.num_subcores
NUM_WORKERS = NUM_CORES * NUM_SUBCORES
B_PER_W = BATCH // NUM_WORKERS
GROUPS = B_PER_W // LANES


@functools.partial(
    pl.kernel,
    mesh=plsc.VectorSubcoreMesh(core_axis_name="c", subcore_axis_name="s"),
    compiler_params=pltpu.CompilerParams(needs_layout_passes=False),
    out_type=jax.ShapeDtypeStruct((BATCH,), jnp.float32),
    scratch_types=[
        pltpu.VMEM((B_PER_W,), jnp.int32),
        pltpu.VMEM((B_PER_W,), jnp.int32),
        pltpu.VMEM((B_PER_W, EMBED_DIM), jnp.float32),
        pltpu.VMEM((B_PER_W, EMBED_DIM), jnp.float32),
        pltpu.VMEM((B_PER_W,), jnp.float32),
        pltpu.SemaphoreType.DMA,
        pltpu.SemaphoreType.DMA,
    ],
)
def _mf_dot_kernel(uidx_hbm, iidx_hbm, utab_hbm, itab_hbm, out_hbm,
                   uidx_v, iidx_v, urows_v, irows_v, out_v, usem, isem):
    wid = lax.axis_index("s") * NUM_CORES + lax.axis_index("c")
    base = wid * B_PER_W

    pltpu.sync_copy(uidx_hbm.at[pl.ds(base, B_PER_W)], uidx_v)
    pltpu.sync_copy(iidx_hbm.at[pl.ds(base, B_PER_W)], iidx_v)

    def fire_body(g, _):
        uvec = uidx_v[pl.ds(g * LANES, LANES)]
        ivec = iidx_v[pl.ds(g * LANES, LANES)]
        for r in range(LANES):
            b = g * LANES + r
            pltpu.async_copy(utab_hbm.at[uvec[r]], urows_v.at[b], usem)
            pltpu.async_copy(itab_hbm.at[ivec[r]], irows_v.at[b], isem)
        return _

    lax.fori_loop(0, GROUPS, fire_body, 0)
    pltpu.make_async_copy(utab_hbm.at[pl.ds(0, B_PER_W)], urows_v, usem).wait()
    pltpu.make_async_copy(itab_hbm.at[pl.ds(0, B_PER_W)], irows_v, isem).wait()

    lane = lax.iota(jnp.int32, LANES)

    def group_body(g, _):
        res = jnp.zeros((LANES,), jnp.float32)
        for r in range(LANES):
            b = g * LANES + r
            acc = jnp.zeros((LANES,), jnp.float32)
            for c in range(EMBED_DIM // LANES):
                uv = urows_v[b, pl.ds(c * LANES, LANES)]
                iv = irows_v[b, pl.ds(c * LANES, LANES)]
                acc = acc + uv * iv
            res = jnp.where(lane == r, jnp.sum(acc), res)
        out_v[pl.ds(g * LANES, LANES)] = res
        return _

    lax.fori_loop(0, GROUPS, group_body, 0)

    pltpu.sync_copy(out_v, out_hbm.at[pl.ds(base, B_PER_W)])


def kernel(user_indices, item_indices, user_table, item_table):
    uidx = jnp.asarray(user_indices, jnp.int32)
    iidx = jnp.asarray(item_indices, jnp.int32)
    return _mf_dot_kernel(uidx, iidx, user_table, item_table)

# --- scband reference (transcript-rebuilt; emitter-appended) ---
"""Pipeline reference for scband-simple-mfmodel-26302379720725 (READ-ONLY COPY).

The authoritative reference and input builder live on the scoring server;
editing this copy changes nothing except your own understanding.
"""

import jax, jax.numpy as jnp
import numpy as np

NUM_USERS = 100000
NUM_ITEMS = 100000
EMBED_DIM = 64
BATCH = 4096

def setup_inputs(seed: int = 0) -> dict:
    key = jax.random.key(seed)
    k1, k2, k3, k4 = jax.random.split(key, 4)
    user_indices = jax.random.randint(k1, (BATCH,), 0, NUM_USERS, dtype=jnp.int64) if jax.config.jax_enable_x64 else jax.random.randint(k1, (BATCH,), 0, NUM_USERS, dtype=jnp.int32)
    item_indices = jax.random.randint(k2, (BATCH,), 0, NUM_ITEMS, dtype=jnp.int32)
    user_table = jax.random.normal(k3, (NUM_USERS, EMBED_DIM), dtype=jnp.float32)
    item_table = jax.random.normal(k4, (NUM_ITEMS, EMBED_DIM), dtype=jnp.float32)
    return {"user_indices": user_indices, "item_indices": item_indices, "user_table": user_table, "item_table": item_table}

def reference(user_indices, item_indices, user_table, item_table):
    user_emb = jnp.take(user_table, user_indices, axis=0)
    item_emb = jnp.take(item_table, item_indices, axis=0)
    dot_product = jnp.sum(user_emb * item_emb, axis=1)
    return dot_product

if __name__ == "__main__":
    import jax
    _d = setup_inputs()
    print(jax.jit(kernel)(*tuple(_d.values())))

</pallas_src>

<mosaic_0001>
#map = affine_map<(d0, d1) -> (0)>
#map1 = affine_map<(d0, d1) -> (0, 0)>
module attributes {stable_mosaic.version = 14 : i64} {
  func.func @_mf_dot_kernel(%arg0: i32, %arg1: i32, %arg2: memref<4096xi32, #tpu.memory_space<hbm>>, %arg3: memref<4096xi32, #tpu.memory_space<hbm>>, %arg4: memref<100000x64xf32, #tpu.memory_space<hbm>>, %arg5: memref<100000x64xf32, #tpu.memory_space<hbm>>, %arg6: memref<4096xf32, #tpu.memory_space<hbm>>, %arg7: memref<128xi32, #tpu.memory_space<vmem>>, %arg8: memref<128xi32, #tpu.memory_space<vmem>>, %arg9: memref<128x64xf32, #tpu.memory_space<vmem>>, %arg10: memref<128x64xf32, #tpu.memory_space<vmem>>, %arg11: memref<128xf32, #tpu.memory_space<vmem>>, %arg12: memref<!tpu.dma_semaphore, #tpu.memory_space<semaphore_mem>>, %arg13: memref<!tpu.dma_semaphore, #tpu.memory_space<semaphore_mem>>) attributes {dimension_semantics = [#tpu.dimension_semantics<core_parallel>, #tpu.dimension_semantics<subcore_parallel>], iteration_bounds = array<i64: 2, 16>, scalar_prefetch = 0 : i64, scratch_operands = 7 : i64, tpu.core_type = #tpu.core_type<sc_vector_subcore>, window_params = [{transform_indices = #map}, {transform_indices = #map}, {transform_indices = #map1}, {transform_indices = #map1}, {transform_indices = #map}]} {
    %mul3A = arith.constant 2 : i32
    %mul3A_0 = arith.muli %arg1, %mul3A : i32
    %add3A = arith.addi %mul3A_0, %arg0 : i32
    %mul3A_1 = arith.constant 128 : i32
    %mul3A_2 = arith.muli %add3A, %mul3A_1 : i32
    "tpu.region"() ({
      %run_scoped3A = tpu.sem_alloc : memref<!tpu.dma_semaphore, #tpu.memory_space<semaphore_mem>>
      %dma_start3A = tpu.memref_slice %arg2[%mul3A_2] : memref<4096xi32, #tpu.memory_space<hbm>> -> memref<128xi32, #tpu.memory_space<hbm>>
      %dma_start3A_25 = tpu.memref_slice %arg2[%mul3A_2] : memref<4096xi32, #tpu.memory_space<hbm>> -> memref<128xi32, #tpu.memory_space<hbm>>
      tpu.enqueue_dma source(%dma_start3A_25 : memref<128xi32, #tpu.memory_space<hbm>>) target(%arg7 : memref<128xi32, #tpu.memory_space<vmem>>) target_semaphore(%run_scoped3A : memref<!tpu.dma_semaphore, #tpu.memory_space<semaphore_mem>>)
      %dma_wait3A_26 = tpu.memref_slice %arg2[%mul3A_2] : memref<4096xi32, #tpu.memory_space<hbm>> -> memref<128xi32, #tpu.memory_space<hbm>>
      %dma_wait3A_27 = tpu.memref_slice %arg2[%mul3A_2] : memref<4096xi32, #tpu.memory_space<hbm>> -> memref<128xi32, #tpu.memory_space<hbm>>
      tpu.wait_dma2 semaphore(%run_scoped3A : memref<!tpu.dma_semaphore, #tpu.memory_space<semaphore_mem>>) src(%dma_wait3A_27 : memref<128xi32, #tpu.memory_space<hbm>>) dst(%arg7 : memref<128xi32, #tpu.memory_space<vmem>>)
      tpu.yield
    }) : () -> ()
    "tpu.region"() ({
      %run_scoped3A = tpu.sem_alloc : memref<!tpu.dma_semaphore, #tpu.memory_space<semaphore_mem>>
      %dma_start3A = tpu.memref_slice %arg3[%mul3A_2] : memref<4096xi32, #tpu.memory_space<hbm>> -> memref<128xi32, #tpu.memory_space<hbm>>
      %dma_start3A_25 = tpu.memref_slice %arg3[%mul3A_2] : memref<4096xi32, #tpu.memory_space<hbm>> -> memref<128xi32, #tpu.memory_space<hbm>>
      tpu.enqueue_dma source(%dma_start3A_25 : memref<128xi32, #tpu.memory_space<hbm>>) target(%arg8 : memref<128xi32, #tpu.memory_space<vmem>>) target_semaphore(%run_scoped3A : memref<!tpu.dma_semaphore, #tpu.memory_space<semaphore_mem>>)
      %dma_wait3A_26 = tpu.memref_slice %arg3[%mul3A_2] : memref<4096xi32, #tpu.memory_space<hbm>> -> memref<128xi32, #tpu.memory_space<hbm>>
      %dma_wait3A_27 = tpu.memref_slice %arg3[%mul3A_2] : memref<4096xi32, #tpu.memory_space<hbm>> -> memref<128xi32, #tpu.memory_space<hbm>>
      tpu.wait_dma2 semaphore(%run_scoped3A : memref<!tpu.dma_semaphore, #tpu.memory_space<semaphore_mem>>) src(%dma_wait3A_27 : memref<128xi32, #tpu.memory_space<hbm>>) dst(%arg8 : memref<128xi32, #tpu.memory_space<vmem>>)
      tpu.yield
    }) : () -> ()
    %scan3A = arith.constant 0 : i32
    %scan3A_3 = arith.constant 0 : i32
    %scan3A_4 = arith.constant 8 : i32
    %scan3A_5 = arith.addi %scan3A_3, %scan3A_4 : i32
    %scan3A_6 = arith.constant 1 : i32
    scf.for %scan3A_25 = %scan3A_3 to %scan3A_5 step %scan3A_6  : i32 {
      %mul3A_26 = arith.constant 16 : i32
      %mul3A_27 = arith.muli %scan3A_25, %mul3A_26 : i32
      %get3A = arith.index_cast %mul3A_27 : i32 to index
      %get3A_28 = tpu.vector_load %arg7[%get3A] {strides = array<i32>} : memref<128xi32, #tpu.memory_space<vmem>>, vector<16xi32>,
      %mul3A_29 = arith.constant 16 : i32
      %mul3A_30 = arith.muli %scan3A_25, %mul3A_29 : i32
      %get3A_31 = arith.index_cast %mul3A_30 : i32 to index
      %get3A_32 = tpu.vector_load %arg8[%get3A_31] {strides = array<i32>} : memref<128xi32, #tpu.memory_space<vmem>>, vector<16xi32>,
      %mul3A_33 = arith.constant 16 : i32
      %mul3A_34 = arith.muli %scan3A_25, %mul3A_33 : i32
      %add3A_35 = arith.constant 0 : i32
      %add3A_36 = arith.addi %mul3A_34, %add3A_35 : i32
      %slice3A = vector.extract_strided_slice %get3A_28 {offsets = [0], sizes = [1], strides = [1]} : vector<16xi32> to vector<1xi32>
      %squeeze3A = vector.extract %slice3A[0] : i32 from vector<1xi32>
      %dma_start3A = arith.constant 0 : i32
      %dma_start3A_37 = tpu.memref_slice %arg9[%add3A_36, %dma_start3A] : memref<128x64xf32, #tpu.memory_space<vmem>> -> memref<1x64xf32, #tpu.memory_space<vmem>>
      %dma_start3A_38 = tpu.memref_squeeze %dma_start3A_37 : memref<1x64xf32, #tpu.memory_space<vmem>> -> memref<64xf32, #tpu.memory_space<vmem>>
      %dma_start3A_39 = arith.constant 0 : i32
      %dma_start3A_40 = tpu.memref_slice %arg4[%squeeze3A, %dma_start3A_39] : memref<100000x64xf32, #tpu.memory_space<hbm>> -> memref<1x64xf32, #tpu.memory_space<hbm>>
      %dma_start3A_41 = tpu.memref_squeeze %dma_start3A_40 : memref<1x64xf32, #tpu.memory_space<hbm>> -> memref<64xf32, #tpu.memory_space<hbm>>
      %dma_start3A_42 = arith.constant 0 : i32
      %dma_start3A_43 = tpu.memref_slice %arg9[%add3A_36, %dma_start3A_42] : memref<128x64xf32, #tpu.memory_space<vmem>> -> memref<1x64xf32, #tpu.memory_space<vmem>>
      %dma_start3A_44 = tpu.memref_squeeze %dma_start3A_43 : memref<1x64xf32, #tpu.memory_space<vmem>> -> memref<64xf32, #tpu.memory_space<vmem>>
      %dma_start3A_45 = arith.constant 0 : i32
      %dma_start3A_46 = tpu.memref_slice %arg4[%squeeze3A, %dma_start3A_45] : memref<100000x64xf32, #tpu.memory_space<hbm>> -> memref<1x64xf32, #tpu.memory_space<hbm>>
      %dma_start3A_47 = tpu.memref_squeeze %dma_start3A_46 : memref<1x64xf32, #tpu.memory_space<hbm>> -> memref<64xf32, #tpu.memory_space<hbm>>
      tpu.enqueue_dma source(%dma_start3A_47 : memref<64xf32, #tpu.memory_space<hbm>>) target(%dma_start3A_44 : memref<64xf32, #tpu.memory_space<vmem>>) target_semaphore(%arg12 : memref<!tpu.dma_semaphore, #tpu.memory_space<semaphore_mem>>)
      %slice3A_48 = vector.extract_strided_slice %get3A_32 {offsets = [0], sizes = [1], strides = [1]} : vector<16xi32> to vector<1xi32>
      %squeeze3A_49 = vector.extract %slice3A_48[0] : i32 from vector<1xi32>
      %dma_start3A_50 = arith.constant 0 : i32
      %dma_start3A_51 = tpu.memref_slice %arg10[%add3A_36, %dma_start3A_50] : memref<128x64xf32, #tpu.memory_space<vmem>> -> memref<1x64xf32, #tpu.memory_space<vmem>>
      %dma_start3A_52 = tpu.memref_squeeze %dma_start3A_51 : memref<1x64xf32, #tpu.memory_space<vmem>> -> memref<64xf32, #tpu.memory_space<vmem>>
      %dma_start3A_53 = arith.constant 0 : i32
      %dma_start3A_54 = tpu.memref_slice %arg5[%squeeze3A_49, %dma_start3A_53] : memref<100000x64xf32, #tpu.memory_space<hbm>> -> memref<1x64xf32, #tpu.memory_space<hbm>>
      %dma_start3A_55 = tpu.memref_squeeze %dma_start3A_54 : memref<1x64xf32, #tpu.memory_space<hbm>> -> memref<64xf32, #tpu.memory_space<hbm>>
      %dma_start3A_56 = arith.constant 0 : i32
      %dma_start3A_57 = tpu.memref_slice %arg10[%add3A_36, %dma_start3A_56] : memref<128x64xf32, #tpu.memory_space<vmem>> -> memref<1x64xf32, #tpu.memory_space<vmem>>
      %dma_start3A_58 = tpu.memref_squeeze %dma_start3A_57 : memref<1x64xf32, #tpu.memory_space<vmem>> -> memref<64xf32, #tpu.memory_space<vmem>>
      %dma_start3A_59 = arith.constant 0 : i32
      %dma_start3A_60 = tpu.memref_slice %arg5[%squeeze3A_49, %dma_start3A_59] : memref<100000x64xf32, #tpu.memory_space<hbm>> -> memref<1x64xf32, #tpu.memory_space<hbm>>
      %dma_start3A_61 = tpu.memref_squeeze %dma_start3A_60 : memref<1x64xf32, #tpu.memory_space<hbm>> -> memref<64xf32, #tpu.memory_space<hbm>>
      tpu.enqueue_dma source(%dma_start3A_61 : memref<64xf32, #tpu.memory_space<hbm>>) target(%dma_start3A_58 : memref<64xf32, #tpu.memory_space<vmem>>) target_semaphore(%arg13 : memref<!tpu.dma_semaphore, #tpu.memory_space<semaphore_mem>>)
      %mul3A_62 = arith.constant 16 : i32
      %mul3A_63 = arith.muli %scan3A_25, %mul3A_62 : i32
      %add3A_64 = arith.constant 1 : i32
      %add3A_65 = arith.addi %mul3A_63, %add3A_64 : i32
      %slice3A_66 = vector.extract_strided_slice %get3A_28 {offsets = [1], sizes = [1], strides = [1]} : vector<16xi32> to vector<1xi32>
      %squeeze3A_67 = vector.extract %slice3A_66[0] : i32 from vector<1xi32>
      %dma_start3A_68 = arith.constant 0 : i32
      %dma_start3A_69 = tpu.memref_slice %arg9[%add3A_65, %dma_start3A_68] : memref<128x64xf32, #tpu.memory_space<vmem>> -> memref<1x64xf32, #tpu.memory_space<vmem>>
      %dma_start3A_70 = tpu.memref_squeeze %dma_start3A_69 : memref<1x64xf32, #tpu.memory_space<vmem>> -> memref<64xf32, #tpu.memory_space<vmem>>
      %dma_start3A_71 = arith.constant 0 : i32
      %dma_start3A_72 = tpu.memref_slice %arg4[%squeeze3A_67, %dma_start3A_71] : memref<100000x64xf32, #tpu.memory_space<hbm>> -> memref<1x64xf32, #tpu.memory_space<hbm>>
      %dma_start3A_73 = tpu.memref_squeeze %dma_start3A_72 : memref<1x64xf32, #tpu.memory_space<hbm>> -> memref<64xf32, #tpu.memory_space<hbm>>
      %dma_start3A_74 = arith.constant 0 : i32
      %dma_start3A_75 = tpu.memref_slice %arg9[%add3A_65, %dma_start3A_74] : memref<128x64xf32, #tpu.memory_space<vmem>> -> memref<1x64xf32, #tpu.memory_space<vmem>>
      %dma_start3A_76 = tpu.memref_squeeze %dma_start3A_75 : memref<1x64xf32, #tpu.memory_space<vmem>> -> memref<64xf32, #tpu.memory_space<vmem>>
      %dma_start3A_77 = arith.constant 0 : i32
      %dma_start3A_78 = tpu.memref_slice %arg4[%squeeze3A_67, %dma_start3A_77] : memref<100000x64xf32, #tpu.memory_space<hbm>> -> memref<1x64xf32, #tpu.memory_space<hbm>>
      %dma_start3A_79 = tpu.memref_squeeze %dma_start3A_78 : memref<1x64xf32, #tpu.memory_space<hbm>> -> memref<64xf32, #tpu.memory_space<hbm>>
      tpu.enqueue_dma source(%dma_start3A_79 : memref<64xf32, #tpu.memory_space<hbm>>) target(%dma_start3A_76 : memref<64xf32, #tpu.memory_space<vmem>>) target_semaphore(%arg12 : memref<!tpu.dma_semaphore, #tpu.memory_space<semaphore_mem>>)
      %slice3A_80 = vector.extract_strided_slice %get3A_32 {offsets = [1], sizes = [1], strides = [1]} : vector<16xi32> to vector<1xi32>
      %squeeze3A_81 = vector.extract %slice3A_80[0] : i32 from vector<1xi32>
      %dma_start3A_82 = arith.constant 0 : i32
      %dma_start3A_83 = tpu.memref_slice %arg10[%add3A_65, %dma_start3A_82] : memref<128x64xf32, #tpu.memory_space<vmem>> -> memref<1x64xf32, #tpu.memory_space<vmem>>
      %dma_start3A_84 = tpu.memref_squeeze %dma_start3A_83 : memref<1x64xf32, #tpu.memory_space<vmem>> -> memref<64xf32, #tpu.memory_space<vmem>>
      %dma_start3A_85 = arith.constant 0 : i32
      %dma_start3A_86 = tpu.memref_slice %arg5[%squeeze3A_81, %dma_start3A_85] : memref<100000x64xf32, #tpu.memory_space<hbm>> -> memref<1x64xf32, #tpu.memory_space<hbm>>
      %dma_start3A_87 = tpu.memref_squeeze %dma_start3A_86 : memref<1x64xf32, #tpu.memory_space<hbm>> -> memref<64xf32, #tpu.memory_space<hbm>>
      %dma_start3A_88 = arith.constant 0 : i32
      %dma_start3A_89 = tpu.memref_slice %arg10[%add3A_65, %dma_start3A_88] : memref<128x64xf32, #tpu.memory_space<vmem>> -> memref<1x64xf32, #tpu.memory_space<vmem>>
      %dma_start3A_90 = tpu.memref_squeeze %dma_start3A_89 : memref<1x64xf32, #tpu.memory_space<vmem>> -> memref<64xf32, #tpu.memory_space<vmem>>
      %dma_start3A_91 = arith.constant 0 : i32
      %dma_start3A_92 = tpu.memref_slice %arg5[%squeeze3A_81, %dma_start3A_91] : memref<100000x64xf32, #tpu.memory_space<hbm>> -> memref<1x64xf32, #tpu.memory_space<hbm>>
      %dma_start3A_93 = tpu.memref_squeeze %dma_start3A_92 : memref<1x64xf32, #tpu.memory_space<hbm>> -> memref<64xf32, #tpu.memory_space<hbm>>
      tpu.enqueue_dma source(%dma_start3A_93 : memref<64xf32, #tpu.memory_space<hbm>>) target(%dma_start3A_90 : memref<64xf32, #tpu.memory_space<vmem>>) target_semaphore(%arg13 : memref<!tpu.dma_semaphore, #tpu.memory_space<semaphore_mem>>)
      %mul3A_94 = arith.constant 16 : i32
      %mul3A_95 = arith.muli %scan3A_25, %mul3A_94 : i32
      %add3A_96 = arith.constant 2 : i32
      %add3A_97 = arith.addi %mul3A_95, %add3A_96 : i32
      %slice3A_98 = vector.extract_strided_slice %get3A_28 {offsets = [2], sizes = [1], strides = [1]} : vector<16xi32> to vector<1xi32>
      %squeeze3A_99 = vector.extract %slice3A_98[0] : i32 from vector<1xi32>
      %dma_start3A_100 = arith.constant 0 : i32
      %dma_start3A_101 = tpu.memref_slice %arg9[%add3A_97, %dma_start3A_100] : memref<128x64xf32, #tpu.memory_space<vmem>> -> memref<1x64xf32, #tpu.memory_space<vmem>>
      %dma_start3A_102 = tpu.memref_squeeze %dma_start3A_101 : memref<1x64xf32, #tpu.memory_space<vmem>> -> memref<64xf32, #tpu.memory_space<vmem>>
      %dma_start3A_103 = arith.constant 0 : i32
      %dma_start3A_104 = tpu.memref_slice %arg4[%squeeze3A_99, %dma_start3A_103] : memref<100000x64xf32, #tpu.memory_space<hbm>> -> memref<1x64xf32, #tpu.memory_space<hbm>>
      %dma_start3A_105 = tpu.memref_squeeze %dma_start3A_104 : memref<1x64xf32, #tpu.memory_space<hbm>> -> memref<64xf32, #tpu.memory_space<hbm>>
      %dma_start3A_106 = arith.constant 0 : i32
      %dma_start3A_107 = tpu.memref_slice %arg9[%add3A_97, %dma_start3A_106] : memref<128x64xf32, #tpu.memory_space<vmem>> -> memref<1x64xf32, #tpu.memory_space<vmem>>
      %dma_start3A_108 = tpu.memref_squeeze %dma_start3A_107 : memref<1x64xf32, #tpu.memory_space<vmem>> -> memref<64xf32, #tpu.memory_space<vmem>>
      %dma_start3A_109 = arith.constant 0 : i32
      %dma_start3A_110 = tpu.memref_slice %arg4[%squeeze3A_99, %dma_start3A_109] : memref<100000x64xf32, #tpu.memory_space<hbm>> -> memref<1x64xf32, #tpu.memory_space<hbm>>
      %dma_start3A_111 = tpu.memref_squeeze %dma_start3A_110 : memref<1x64xf32, #tpu.memory_space<hbm>> -> memref<64xf32, #tpu.memory_space<hbm>>
      tpu.enqueue_dma source(%dma_start3A_111 : memref<64xf32, #tpu.memory_space<hbm>>) target(%dma_start3A_108 : memref<64xf32, #tpu.memory_space<vmem>>) target_semaphore(%arg12 : memref<!tpu.dma_semaphore, #tpu.memory_space<semaphore_mem>>)
      %slice3A_112 = vector.extract_strided_slice %get3A_32 {offsets = [2], sizes = [1], strides = [1]} : vector<16xi32> to vector<1xi32>
      %squeeze3A_113 = vector.extract %slice3A_112[0] : i32 from vector<1xi32>
      %dma_start3A_114 = arith.constant 0 : i32
      %dma_start3A_115 = tpu.memref_slice %arg10[%add3A_97, %dma_start3A_114] : memref<128x64xf32, #tpu.memory_space<vmem>> -> memref<1x64xf32, #tpu.memory_space<vmem>>
      %dma_start3A_116 = tpu.memref_squeeze %dma_start3A_115 : memref<1x64xf32, #tpu.memory_space<vmem>> -> memref<64xf32, #tpu.memory_space<vmem>>
      %dma_start3A_117 = arith.constant 0 : i32
      %dma_start3A_118 = tpu.memref_slice %arg5[%squeeze3A_113, %dma_start3A_117] : memref<100000x64xf32, #tpu.memory_space<hbm>> -> memref<1x64xf32, #tpu.memory_space<hbm>>
      %dma_start3A_119 = tpu.memref_squeeze %dma_start3A_118 : memref<1x64xf32, #tpu.memory_space<hbm>> -> memref<64xf32, #tpu.memory_space<hbm>>
      %dma_start3A_120 = arith.constant 0 : i32
      %dma_start3A_121 = tpu.memref_slice %arg10[%add3A_97, %dma_start3A_120] : memref<128x64xf32, #tpu.memory_space<vmem>> -> memref<1x64xf32, #tpu.memory_space<vmem>>
      %dma_start3A_122 = tpu.memref_squeeze %dma_start3A_121 : memref<1x64xf32, #tpu.memory_space<vmem>> -> memref<64xf32, #tpu.memory_space<vmem>>
      %dma_start3A_123 = arith.constant 0 : i32
      %dma_start3A_124 = tpu.memref_slice %arg5[%squeeze3A_113, %dma_start3A_123] : memref<100000x64xf32, #tpu.memory_space<hbm>> -> memref<1x64xf32, #tpu.memory_space<hbm>>
      %dma_start3A_125 = tpu.memref_squeeze %dma_start3A_124 : memref<1x64xf32, #tpu.memory_space<hbm>> -> memref<64xf32, #tpu.memory_space<hbm>>
      tpu.enqueue_dma source(%dma_start3A_125 : memref<64xf32, #tpu.memory_space<hbm>>) target(%dma_start3A_122 : memref<64xf32, #tpu.memory_space<vmem>>) target_semaphore(%arg13 : memref<!tpu.dma_semaphore, #tpu.memory_space<semaphore_mem>>)
      %mul3A_126 = arith.constant 16 : i32
      %mul3A_127 = arith.muli %scan3A_25, %mul3A_126 : i32
      %add3A_128 = arith.constant 3 : i32
      %add3A_129 = arith.addi %mul3A_127, %add3A_128 : i32
      %slice3A_130 = vector.extract_strided_slice %get3A_28 {offsets = [3], sizes = [1], strides = [1]} : vector<16xi32> to vector<1xi32>
      %squeeze3A_131 = vector.extract %slice3A_130[0] : i32 from vector<1xi32>
      %dma_start3A_132 = arith.constant 0 : i32
      %dma_start3A_133 = tpu.memref_slice %arg9[%add3A_129, %dma_start3A_132] : memref<128x64xf32, #tpu.memory_space<vmem>> -> memref<1x64xf32, #tpu.memory_space<vmem>>
      %dma_start3A_134 = tpu.memref_squeeze %dma_start3A_133 : memref<1x64xf32, #tpu.memory_space<vmem>> -> memref<64xf32, #tpu.memory_space<vmem>>
      %dma_start3A_135 = arith.constant 0 : i32
      %dma_start3A_136 = tpu.memref_slice %arg4[%squeeze3A_131, %dma_start3A_135] : memref<100000x64xf32, #tpu.memory_space<hbm>> -> memref<1x64xf32, #tpu.memory_space<hbm>>
      %dma_start3A_137 = tpu.memref_squeeze %dma_start3A_136 : memref<1x64xf32, #tpu.memory_space<hbm>> -> memref<64xf32, #tpu.memory_space<hbm>>
      %dma_start3A_138 = arith.constant 0 : i32
      %dma_start3A_139 = tpu.memref_slice %arg9[%add3A_129, %dma_start3A_138] : memref<128x64xf32, #tpu.memory_space<vmem>> -> memref<1x64xf32, #tpu.memory_space<vmem>>
      %dma_start3A_140 = tpu.memref_squeeze %dma_start3A_139 : memref<1x64xf32, #tpu.memory_space<vmem>> -> memref<64xf32, #tpu.memory_space<vmem>>
      %dma_start3A_141 = arith.constant 0 : i32
      %dma_start3A_142 = tpu.memref_slice %arg4[%squeeze3A_131, %dma_start3A_141] : memref<100000x64xf32, #tpu.memory_space<hbm>> -> memref<1x64xf32, #tpu.memory_space<hbm>>
      %dma_start3A_143 = tpu.memref_squeeze %dma_start3A_142 : memref<1x64xf32, #tpu.memory_space<hbm>> -> memref<64xf32, #tpu.memory_space<hbm>>
      tpu.enqueue_dma source(%dma_start3A_143 : memref<64xf32, #tpu.memory_space<hbm>>) target(%dma_start3A_140 : memref<64xf32, #tpu.memory_space<vmem>>) target_semaphore(%arg12 : memref<!tpu.dma_semaphore, #tpu.memory_space<semaphore_mem>>)
      %slice3A_144 = vector.extract_strided_slice %get3A_32 {offsets = [3], sizes = [1], strides = [1]} : vector<16xi32> to vector<1xi32>
      %squeeze3A_145 = vector.extract %slice3A_144[0] : i32 from vector<1xi32>
      %dma_start3A_146 = arith.constant 0 : i32
      %dma_start3A_147 = tpu.memref_slice %arg10[%add3A_129, %dma_start3A_146] : memref<128x64xf32, #tpu.memory_space<vmem>> -> memref<1x64xf32, #tpu.memory_space<vmem>>
      %dma_start3A_148 = tpu.memref_squeeze %dma_start3A_147 : memref<1x64xf32, #tpu.memory_space<vmem>> -> memref<64xf32, #tpu.memory_space<vmem>>
      %dma_start3A_149 = arith.constant 0 : i32
      %dma_start3A_150 = tpu.memref_slice %arg5[%squeeze3A_145, %dma_start3A_149] : memref<100000x64xf32, #tpu.memory_space<hbm>> -> memref<1x64xf32, #tpu.memory_space<hbm>>
      %dma_start3A_151 = tpu.memref_squeeze %dma_start3A_150 : memref<1x64xf32, #tpu.memory_space<hbm>> -> memref<64xf32, #tpu.memory_space<hbm>>
      %dma_start3A_152 = arith.constant 0 : i32
      %dma_start3A_153 = tpu.memref_slice %arg10[%add3A_129, %dma_start3A_152] : memref<128x64xf32, #tpu.memory_space<vmem>> -> memref<1x64xf32, #tpu.memory_space<vmem>>
      %dma_start3A_154 = tpu.memref_squeeze %dma_start3A_153 : memref<1x64xf32, #tpu.memory_space<vmem>> -> memref<64xf32, #tpu.memory_space<vmem>>
      %dma_start3A_155 = arith.constant 0 : i32
      %dma_start3A_156 = tpu.memref_slice %arg5[%squeeze3A_145, %dma_start3A_155] : memref<100000x64xf32, #tpu.memory_space<hbm>> -> memref<1x64xf32, #tpu.memory_space<hbm>>
      %dma_start3A_157 = tpu.memref_squeeze %dma_start3A_156 : memref<1x64xf32, #tpu.memory_space<hbm>> -> memref<64xf32, #tpu.memory_space<hbm>>
      tpu.enqueue_dma source(%dma_start3A_157 : memref<64xf32, #tpu.memory_space<hbm>>) target(%dma_start3A_154 : memref<64xf32, #tpu.memory_space<vmem>>) target_semaphore(%arg13 : memref<!tpu.dma_semaphore, #tpu.memory_space<semaphore_mem>>)
      %mul3A_158 = arith.constant 16 : i32
      %mul3A_159 = arith.muli %scan3A_25, %mul3A_158 : i32
      %add3A_160 = arith.constant 4 : i32
      %add3A_161 = arith.addi %mul3A_159, %add3A_160 : i32
      %slice3A_162 = vector.extract_strided_slice %get3A_28 {offsets = [4], sizes = [1], strides = [1]} : vector<16xi32> to vector<1xi32>
      %squeeze3A_163 = vector.extract %slice3A_162[0] : i32 from vector<1xi32>
      %dma_start3A_164 = arith.constant 0 : i32
      %dma_start3A_165 = tpu.memref_slice %arg9[%add3A_161, %dma_start3A_164] : memref<128x64xf32, #tpu.memory_space<vmem>> -> memref<1x64xf32, #tpu.memory_space<vmem>>
      %dma_start3A_166 = tpu.memref_squeeze %dma_start3A_165 : memref<1x64xf32, #tpu.memory_space<vmem>> -> memref<64xf32, #tpu.memory_space<vmem>>
      %dma_start3A_167 = arith.constant 0 : i32
      %dma_start3A_168 = tpu.memref_slice %arg4[%squeeze3A_163, %dma_start3A_167] : memref<100000x64xf32, #tpu.memory_space<hbm>> -> memref<1x64xf32, #tpu.memory_space<hbm>>
      %dma_start3A_169 = tpu.memref_squeeze %dma_start3A_168 : memref<1x64xf32, #tpu.memory_space<hbm>> -> memref<64xf32, #tpu.memory_space<hbm>>
      %dma_start3A_170 = arith.constant 0 : i32
      %dma_start3A_171 = tpu.memref_slice %arg9[%add3A_161, %dma_start3A_170] : memref<128x64xf32, #tpu.memory_space<vmem>> -> memref<1x64xf32, #tpu.memory_space<vmem>>
      %dma_start3A_172 = tpu.memref_squeeze %dma_start3A_171 : memref<1x64xf32, #tpu.memory_space<vmem>> -> memref<64xf32, #tpu.memory_space<vmem>>
      %dma_start3A_173 = arith.constant 0 : i32
      %dma_start3A_174 = tpu.memref_slice %arg4[%squeeze3A_163, %dma_start3A_173] : memref<100000x64xf32, #tpu.memory_space<hbm>> -> memref<1x64xf32, #tpu.memory_space<hbm>>
      %dma_start3A_175 = tpu.memref_squeeze %dma_start3A_174 : memref<1x64xf32, #tpu.memory_space<hbm>> -> memref<64xf32, #tpu.memory_space<hbm>>
      tpu.enqueue_dma source(%dma_start3A_175 : memref<64xf32, #tpu.memory_space<hbm>>) target(%dma_start3A_172 : memref<64xf32, #tpu.memory_space<vmem>>) target_semaphore(%arg12 : memref<!tpu.dma_semaphore, #tpu.memory_space<semaphore_mem>>)
      %slice3A_176 = vector.extract_strided_slice %get3A_32 {offsets = [4], sizes = [1], strides = [1]} : vector<16xi32> to vector<1xi32>
      %squeeze3A_177 = vector.extract %slice3A_176[0] : i32 from vector<1xi32>
      %dma_start3A_178 = arith.constant 0 : i32
      %dma_start3A_179 = tpu.memref_slice %arg10[%add3A_161, %dma_start3A_178] : memref<128x64xf32, #tpu.memory_space<vmem>> -> memref<1x64xf32, #tpu.memory_space<vmem>>
      %dma_start3A_180 = tpu.memref_squeeze %dma_start3A_179 : memref<1x64xf32, #tpu.memory_space<vmem>> -> memref<64xf32, #tpu.memory_space<vmem>>
      %dma_start3A_181 = arith.constant 0 : i32
      %dma_start3A_182 = tpu.memref_slice %arg5[%squeeze3A_177, %dma_start3A_181] : memref<100000x64xf32, #tpu.memory_space<hbm>> -> memref<1x64xf32, #tpu.memory_space<hbm>>
      %dma_start3A_183 = tpu.memref_squeeze %dma_start3A_182 : memref<1x64xf32, #tpu.memory_space<hbm>> -> memref<64xf32, #tpu.memory_space<hbm>>
      %dma_start3A_184 = arith.constant 0 : i32
      %dma_start3A_185 = tpu.memref_slice %arg10[%add3A_161, %dma_start3A_184] : memref<128x64xf32, #tpu.memory_space<vmem>> -> memref<1x64xf32, #tpu.memory_space<vmem>>
      %dma_start3A_186 = tpu.memref_squeeze %dma_start3A_185 : memref<1x64xf32, #tpu.memory_space<vmem>> -> memref<64xf32, #tpu.memory_space<vmem>>
      %dma_start3A_187 = arith.constant 0 : i32
      %dma_start3A_188 = tpu.memref_slice %arg5[%squeeze3A_177, %dma_start3A_187] : memref<100000x64xf32, #tpu.memory_space<hbm>> -> memref<1x64xf32, #tpu.memory_space<hbm>>
      %dma_start3A_189 = tpu.memref_squeeze %dma_start3A_188 : memref<1x64xf32, #tpu.memory_space<hbm>> -> memref<64xf32, #tpu.memory_space<hbm>>
      tpu.enqueue_dma source(%dma_start3A_189 : memref<64xf32, #tpu.memory_space<hbm>>) target(%dma_start3A_186 : memref<64xf32, #tpu.memory_space<vmem>>) target_semaphore(%arg13 : memref<!tpu.dma_semaphore, #tpu.memory_space<semaphore_mem>>)
      %mul3A_190 = arith.constant 16 : i32
      %mul3A_191 = arith.muli %scan3A_25, %mul3A_190 : i32
      %add3A_192 = arith.constant 5 : i32
      %add3A_193 = arith.addi %mul3A_191, %add3A_192 : i32
      %slice3A_194 = vector.extract_strided_slice %get3A_28 {offsets = [5], sizes = [1], strides = [1]} : vector<16xi32> to vector<1xi32>
      %squeeze3A_195 = vector.extract %slice3A_194[0] : i32 from vector<1xi32>
      %dma_start3A_196 = arith.constant 0 : i32
      %dma_start3A_197 = tpu.memref_slice %arg9[%add3A_193, %dma_start3A_196] : memref<128x64xf32, #tpu.memory_space<vmem>> -> memref<1x64xf32, #tpu.memory_space<vmem>>
      %dma_start3A_198 = tpu.memref_squeeze %dma_start3A_197 : memref<1x64xf32, #tpu.memory_space<vmem>> -> memref<64xf32, #tpu.memory_space<vmem>>
      %dma_start3A_199 = arith.constant 0 : i32
      %dma_start3A_200 = tpu.memref_slice %arg4[%squeeze3A_195, %dma_start3A_199] : memref<100000x64xf32, #tpu.memory_space<hbm>> -> memref<1x64xf32, #tpu.memory_space<hbm>>
      %dma_start3A_201 = tpu.memref_squeeze %dma_start3A_200 : memref<1x64xf32, #tpu.memory_space<hbm>> -> memref<64xf32, #tpu.memory_space<hbm>>
      %dma_start3A_202 = arith.constant 0 : i32
      %dma_start3A_203 = tpu.memref_slice %arg9[%add3A_193, %dma_start3A_202] : memref<128x64xf32, #tpu.memory_space<vmem>> -> memref<1x64xf32, #tpu.memory_space<vmem>>
      %dma_start3A_204 = tpu.memref_squeeze %dma_start3A_203 : memref<1x64xf32, #tpu.memory_space<vmem>> -> memref<64xf32, #tpu.memory_space<vmem>>
      %dma_start3A_205 = arith.constant 0 : i32
      %dma_start3A_206 = tpu.memref_slice %arg4[%squeeze3A_195, %dma_start3A_205] : memref<100000x64xf32, #tpu.memory_space<hbm>> -> memref<1x64xf32, #tpu.memory_space<hbm>>
      %dma_start3A_207 = tpu.memref_squeeze %dma_start3A_206 : memref<1x64xf32, #tpu.memory_space<hbm>> -> memref<64xf32, #tpu.memory_space<hbm>>
      tpu.enqueue_dma source(%dma_start3A_207 : memref<64xf32, #tpu.memory_space<hbm>>) target(%dma_start3A_204 : memref<64xf32, #tpu.memory_space<vmem>>) target_semaphore(%arg12 : memref<!tpu.dma_semaphore, #tpu.memory_space<semaphore_mem>>)
      %slice3A_208 = vector.extract_strided_slice %get3A_32 {offsets = [5], sizes = [1], strides = [1]} : vector<16xi32> to vector<1xi32>
      %squeeze3A_209 = vector.extract %slice3A_208[0] : i32 from vector<1xi32>
      %dma_start3A_210 = arith.constant 0 : i32
      %dma_start3A_211 = tpu.memref_slice %arg10[%add3A_193, %dma_start3A_210] : memref<128x64xf32, #tpu.memory_space<vmem>> -> memref<1x64xf32, #tpu.memory_space<vmem>>
      %dma_start3A_212 = tpu.memref_squeeze %dma_start3A_211 : memref<1x64xf32, #tpu.memory_space<vmem>> -> memref<64xf32, #tpu.memory_space<vmem>>
      %dma_start3A_213 = arith.constant 0 : i32
      %dma_start3A_214 = tpu.memref_slice %arg5[%squeeze3A_209, %dma_start3A_213] : memref<100000x64xf32, #tpu.memory_space<hbm>> -> memref<1x64xf32, #tpu.memory_space<hbm>>
      %dma_start3A_215 = tpu.memref_squeeze %dma_start3A_214 : memref<1x64xf32, #tpu.memory_space<hbm>> -> memref<64xf32, #tpu.memory_space<hbm>>
      %dma_start3A_216 = arith.constant 0 : i32
      %dma_start3A_217 = tpu.memref_slice %arg10[%add3A_193, %dma_start3A_216] : memref<128x64xf32, #tpu.memory_space<vmem>> -> memref<1x64xf32, #tpu.memory_space<vmem>>
      %dma_start3A_218 = tpu.memref_squeeze %dma_start3A_217 : memref<1x64xf32, #tpu.memory_space<vmem>> -> memref<64xf32, #tpu.memory_space<vmem>>
      %dma_start3A_219 = arith.constant 0 : i32
      %dma_start3A_220 = tpu.memref_slice %arg5[%squeeze3A_209, %dma_start3A_219] : memref<100000x64xf32, #tpu.memory_space<hbm>> -> memref<1x64xf32, #tpu.memory_space<hbm>>
      %dma_start3A_221 = tpu.memref_squeeze %dma_start3A_220 : memref<1x64xf32, #tpu.memory_space<hbm>> -> memref<64xf32, #tpu.memory_space<hbm>>
      tpu.enqueue_dma source(%dma_start3A_221 : memref<64xf32, #tpu.memory_space<hbm>>) target(%dma_start3A_218 : memref<64xf32, #tpu.memory_space<vmem>>) target_semaphore(%arg13 : memref<!tpu.dma_semaphore, #tpu.memory_space<semaphore_mem>>)
      %mul3A_222 = arith.constant 16 : i32
      %mul3A_223 = arith.muli %scan3A_25, %mul3A_222 : i32
      %add3A_224 = arith.constant 6 : i32
      %add3A_225 = arith.addi %mul3A_223, %add3A_224 : i32
      %slice3A_226 = vector.extract_strided_slice %get3A_28 {offsets = [6], sizes = [1], strides = [1]} : vector<16xi32> to vector<1xi32>
      %squeeze3A_227 = vector.extract %slice3A_226[0] : i32 from vector<1xi32>
      %dma_start3A_228 = arith.constant 0 : i32
      %dma_start3A_229 = tpu.memref_slice %arg9[%add3A_225, %dma_start3A_228] : memref<128x64xf32, #tpu.memory_space<vmem>> -> memref<1x64xf32, #tpu.memory_space<vmem>>
      %dma_start3A_230 = tpu.memref_squeeze %dma_start3A_229 : memref<1x64xf32, #tpu.memory_space<vmem>> -> memref<64xf32, #tpu.memory_space<vmem>>
      %dma_start3A_231 = arith.constant 0 : i32
      %dma_start3A_232 = tpu.memref_slice %arg4[%squeeze3A_227, %dma_start3A_231] : memref<100000x64xf32, #tpu.memory_space<hbm>> -> memref<1x64xf32, #tpu.memory_space<hbm>>
      %dma_start3A_233 = tpu.memref_squeeze %dma_start3A_232 : memref<1x64xf32, #tpu.memory_space<hbm>> -> memref<64xf32, #tpu.memory_space<hbm>>
      %dma_start3A_234 = arith.constant 0 : i32
      %dma_start3A_235 = tpu.memref_slice %arg9[%add3A_225, %dma_start3A_234] : memref<128x64xf32, #tpu.memory_space<vmem>> -> memref<1x64xf32, #tpu.memory_space<vmem>>
      %dma_start3A_236 = tpu.memref_squeeze %dma_start3A_235 : memref<1x64xf32, #tpu.memory_space<vmem>> -> memref<64xf32, #tpu.memory_space<vmem>>
      %dma_start3A_237 = arith.constant 0 : i32
      %dma_start3A_238 = tpu.memref_slice %arg4[%squeeze3A_227, %dma_start3A_237] : memref<100000x64xf32, #tpu.memory_space<hbm>> -> memref<1x64xf32, #tpu.memory_space<hbm>>
      %dma_start3A_239 = tpu.memref_squeeze %dma_start3A_238 : memref<1x64xf32, #tpu.memory_space<hbm>> -> memref<64xf32, #tpu.memory_space<hbm>>
      tpu.enqueue_dma source(%dma_start3A_239 : memref<64xf32, #tpu.memory_space<hbm>>) target(%dma_start3A_236 : memref<64xf32, #tpu.memory_space<vmem>>) target_semaphore(%arg12 : memref<!tpu.dma_semaphore, #tpu.memory_space<semaphore_mem>>)
      %slice3A_240 = vector.extract_strided_slice %get3A_32 {offsets = [6], sizes = [1], strides = [1]} : vector<16xi32> to vector<1xi32>
      %squeeze3A_241 = vector.extract %slice3A_240[0] : i32 from vector<1xi32>
      %dma_start3A_242 = arith.constant 0 : i32
      %dma_start3A_243 = tpu.memref_slice %arg10[%add3A_225, %dma_start3A_242] : memref<128x64xf32, #tpu.memory_space<vmem>> -> memref<1x64xf32, #tpu.memory_space<vmem>>
      %dma_start3A_244 = tpu.memref_squeeze %dma_start3A_243 : memref<1x64xf32, #tpu.memory_space<vmem>> -> memref<64xf32, #tpu.memory_space<vmem>>
      %dma_start3A_245 = arith.constant 0 : i32
      %dma_start3A_246 = tpu.memref_slice %arg5[%squeeze3A_241, %dma_start3A_245] : memref<100000x64xf32, #tpu.memory_space<hbm>> -> memref<1x64xf32, #tpu.memory_space<hbm>>
      %dma_start3A_247 = tpu.memref_squeeze %dma_start3A_246 : memref<1x64xf32, #tpu.memory_space<hbm>> -> memref<64xf32, #tpu.memory_space<hbm>>
      %dma_start3A_248 = arith.constant 0 : i32
      %dma_start3A_249 = tpu.memref_slice %arg10[%add3A_225, %dma_start3A_248] : memref<128x64xf32, #tpu.memory_space<vmem>> -> memref<1x64xf32, #tpu.memory_space<vmem>>
      %dma_start3A_250 = tpu.memref_squeeze %dma_start3A_249 : memref<1x64xf32, #tpu.memory_space<vmem>> -> memref<64xf32, #tpu.memory_space<vmem>>
      %dma_start3A_251 = arith.constant 0 : i32
      %dma_start3A_252 = tpu.memref_slice %arg5[%squeeze3A_241, %dma_start3A_251] : memref<100000x64xf32, #tpu.memory_space<hbm>> -> memref<1x64xf32, #tpu.memory_space<hbm>>
      %dma_start3A_253 = tpu.memref_squeeze %dma_start3A_252 : memref<1x64xf32, #tpu.memory_space<hbm>> -> memref<64xf32, #tpu.memory_space<hbm>>
      tpu.enqueue_dma source(%dma_start3A_253 : memref<64xf32, #tpu.memory_space<hbm>>) target(%dma_start3A_250 : memref<64xf32, #tpu.memory_space<vmem>>) target_semaphore(%arg13 : memref<!tpu.dma_semaphore, #tpu.memory_space<semaphore_mem>>)
      %mul3A_254 = arith.constant 16 : i32
      %mul3A_255 = arith.muli %scan3A_25, %mul3A_254 : i32
      %add3A_256 = arith.constant 7 : i32
      %add3A_257 = arith.addi %mul3A_255, %add3A_256 : i32
      %slice3A_258 = vector.extract_strided_slice %get3A_28 {offsets = [7], sizes = [1], strides = [1]} : vector<16xi32> to vector<1xi32>
      %squeeze3A_259 = vector.extract %slice3A_258[0] : i32 from vector<1xi32>
      %dma_start3A_260 = arith.constant 0 : i32
      %dma_start3A_261 = tpu.memref_slice %arg9[%add3A_257, %dma_start3A_260] : memref<128x64xf32, #tpu.memory_space<vmem>> -> memref<1x64xf32, #tpu.memory_space<vmem>>
      %dma_start3A_262 = tpu.memref_squeeze %dma_start3A_261 : memref<1x64xf32, #tpu.memory_space<vmem>> -> memref<64xf32, #tpu.memory_space<vmem>>
      %dma_start3A_263 = arith.constant 0 : i32
      %dma_start3A_264 = tpu.memref_slice %arg4[%squeeze3A_259, %dma_start3A_263] : memref<100000x64xf32, #tpu.memory_space<hbm>> -> memref<1x64xf32, #tpu.memory_space<hbm>>
      %dma_start3A_265 = tpu.memref_squeeze %dma_start3A_264 : memref<1x64xf32, #tpu.memory_space<hbm>> -> memref<64xf32, #tpu.memory_space<hbm>>
      %dma_start3A_266 = arith.constant 0 : i32
      %dma_start3A_267 = tpu.memref_slice %arg9[%add3A_257, %dma_start3A_266] : memref<128x64xf32, #tpu.memory_space<vmem>> -> memref<1x64xf32, #tpu.memory_space<vmem>>
      %dma_start3A_268 = tpu.memref_squeeze %dma_start3A_267 : memref<1x64xf32, #tpu.memory_space<vmem>> -> memref<64xf32, #tpu.memory_space<vmem>>
      %dma_start3A_269 = arith.constant 0 : i32
      %dma_start3A_270 = tpu.memref_slice %arg4[%squeeze3A_259, %dma_start3A_269] : memref<100000x64xf32, #tpu.memory_space<hbm>> -> memref<1x64xf32, #tpu.memory_space<hbm>>
      %dma_start3A_271 = tpu.memref_squeeze %dma_start3A_270 : memref<1x64xf32, #tpu.memory_space<hbm>> -> memref<64xf32, #tpu.memory_space<hbm>>
      tpu.enqueue_dma source(%dma_start3A_271 : memref<64xf32, #tpu.memory_space<hbm>>) target(%dma_start3A_268 : memref<64xf32, #tpu.memory_space<vmem>>) target_semaphore(%arg12 : memref<!tpu.dma_semaphore, #tpu.memory_space<semaphore_mem>>)
      %slice3A_272 = vector.extract_strided_slice %get3A_32 {offsets = [7], sizes = [1], strides = [1]} : vector<16xi32> to vector<1xi32>
      %squeeze3A_273 = vector.extract %slice3A_272[0] : i32 from vector<1xi32>
      %dma_start3A_274 = arith.constant 0 : i32
      %dma_start3A_275 = tpu.memref_slice %arg10[%add3A_257, %dma_start3A_274] : memref<128x64xf32, #tpu.memory_space<vmem>> -> memref<1x64xf32, #tpu.memory_space<vmem>>
      %dma_start3A_276 = tpu.memref_squeeze %dma_start3A_275 : memref<1x64xf32, #tpu.memory_space<vmem>> -> memref<64xf32, #tpu.memory_space<vmem>>
      %dma_start3A_277 = arith.constant 0 : i32
      %dma_start3A_278 = tpu.memref_slice %arg5[%squeeze3A_273, %dma_start3A_277] : memref<100000x64xf32, #tpu.memory_space<hbm>> -> memref<1x64xf32, #tpu.memory_space<hbm>>
      %dma_start3A_279 = tpu.memref_squeeze %dma_start3A_278 : memref<1x64xf32, #tpu.memory_space<hbm>> -> memref<64xf32, #tpu.memory_space<hbm>>
      %dma_start3A_280 = arith.constant 0 : i32
      %dma_start3A_281 = tpu.memref_slice %arg10[%add3A_257, %dma_start3A_280] : memref<128x64xf32, #tpu.memory_space<vmem>> -> memref<1x64xf32, #tpu.memory_space<vmem>>
      %dma_start3A_282 = tpu.memref_squeeze %dma_start3A_281 : memref<1x64xf32, #tpu.memory_space<vmem>> -> memref<64xf32, #tpu.memory_space<vmem>>
      %dma_start3A_283 = arith.constant 0 : i32
      %dma_start3A_284 = tpu.memref_slice %arg5[%squeeze3A_273, %dma_start3A_283] : memref<100000x64xf32, #tpu.memory_space<hbm>> -> memref<1x64xf32, #tpu.memory_space<hbm>>
      %dma_start3A_285 = tpu.memref_squeeze %dma_start3A_284 : memref<1x64xf32, #tpu.memory_space<hbm>> -> memref<64xf32, #tpu.memory_space<hbm>>
      tpu.enqueue_dma source(%dma_start3A_285 : memref<64xf32, #tpu.memory_space<hbm>>) target(%dma_start3A_282 : memref<64xf32, #tpu.memory_space<vmem>>) target_semaphore(%arg13 : memref<!tpu.dma_semaphore, #tpu.memory_space<semaphore_mem>>)
      %mul3A_286 = arith.constant 16 : i32
      %mul3A_287 = arith.muli %scan3A_25, %mul3A_286 : i32
      %add3A_288 = arith.constant 8 : i32
      %add3A_289 = arith.addi %mul3A_287, %add3A_288 : i32
      %slice3A_290 = vector.extract_strided_slice %get3A_28 {offsets = [8], sizes = [1], strides = [1]} : vector<16xi32> to vector<1xi32>
      %squeeze3A_291 = vector.extract %slice3A_290[0] : i32 from vector<1xi32>
      %dma_start3A_292 = arith.constant 0 : i32
      %dma_start3A_293 = tpu.memref_slice %arg9[%add3A_289, %dma_start3A_292] : memref<128x64xf32, #tpu.memory_space<vmem>> -> memref<1x64xf32, #tpu.memory_space<vmem>>
      %dma_start3A_294 = tpu.memref_squeeze %dma_start3A_293 : memref<1x64xf32, #tpu.memory_space<vmem>> -> memref<64xf32, #tpu.memory_space<vmem>>
      %dma_start3A_295 = arith.constant 0 : i32
      %dma_start3A_296 = tpu.memref_slice %arg4[%squeeze3A_291, %dma_start3A_295] : memref<100000x64xf32, #tpu.memory_space<hbm>> -> memref<1x64xf32, #tpu.memory_space<hbm>>
      %dma_start3A_297 = tpu.memref_squeeze %dma_start3A_296 : memref<1x64xf32, #tpu.memory_space<hbm>> -> memref<64xf32, #tpu.memory_space<hbm>>
      %dma_start3A_298 = arith.constant 0 : i32
      %dma_start3A_299 = tpu.memref_slice %arg9[%add3A_289, %dma_start3A_298] : memref<128x64xf32, #tpu.memory_space<vmem>> -> memref<1x64xf32, #tpu.memory_space<vmem>>
      %dma_start3A_300 = tpu.memref_squeeze %dma_start3A_299 : memref<1x64xf32, #tpu.memory_space<vmem>> -> memref<64xf32, #tpu.memory_space<vmem>>
      %dma_start3A_301 = arith.constant 0 : i32
      %dma_start3A_302 = tpu.memref_slice %arg4[%squeeze3A_291, %dma_start3A_301] : memref<100000x64xf32, #tpu.memory_space<hbm>> -> memref<1x64xf32, #tpu.memory_space<hbm>>
      %dma_start3A_303 = tpu.memref_squeeze %dma_start3A_302 : memref<1x64xf32, #tpu.memory_space<hbm>> -> memref<64xf32, #tpu.memory_space<hbm>>
      tpu.enqueue_dma source(%dma_start3A_303 : memref<64xf32, #tpu.memory_space<hbm>>) target(%dma_start3A_300 : memref<64xf32, #tpu.memory_space<vmem>>) target_semaphore(%arg12 : memref<!tpu.dma_semaphore, #tpu.memory_space<semaphore_mem>>)
      %slice3A_304 = vector.extract_strided_slice %get3A_32 {offsets = [8], sizes = [1], strides = [1]} : vector<16xi32> to vector<1xi32>
      %squeeze3A_305 = vector.extract %slice3A_304[0] : i32 from vector<1xi32>
      %dma_start3A_306 = arith.constant 0 : i32
      %dma_start3A_307 = tpu.memref_slice %arg10[%add3A_289, %dma_start3A_306] : memref<128x64xf32, #tpu.memory_space<vmem>> -> memref<1x64xf32, #tpu.memory_space<vmem>>
      %dma_start3A_308 = tpu.memref_squeeze %dma_start3A_307 : memref<1x64xf32, #tpu.memory_space<vmem>> -> memref<64xf32, #tpu.memory_space<vmem>>
      %dma_start3A_309 = arith.constant 0 : i32
      %dma_start3A_310 = tpu.memref_slice %arg5[%squeeze3A_305, %dma_start3A_309] : memref<100000x64xf32, #tpu.memory_space<hbm>> -> memref<1x64xf32, #tpu.memory_space<hbm>>
      %dma_start3A_311 = tpu.memref_squeeze %dma_start3A_310 : memref<1x64xf32, #tpu.memory_space<hbm>> -> memref<64xf32, #tpu.memory_space<hbm>>
      %dma_start3A_312 = arith.constant 0 : i32
      %dma_start3A_313 = tpu.memref_slice %arg10[%add3A_289, %dma_start3A_312] : memref<128x64xf32, #tpu.memory_space<vmem>> -> memref<1x64xf32, #tpu.memory_space<vmem>>
      %dma_start3A_314 = tpu.memref_squeeze %dma_start3A_313 : memref<1x64xf32, #tpu.memory_space<vmem>> -> memref<64xf32, #tpu.memory_space<vmem>>
      %dma_start3A_315 = arith.constant 0 : i32
      %dma_start3A_316 = tpu.memref_slice %arg5[%squeeze3A_305, %dma_start3A_315] : memref<100000x64xf32, #tpu.memory_space<hbm>> -> memref<1x64xf32, #tpu.memory_space<hbm>>
      %dma_start3A_317 = tpu.memref_squeeze %dma_start3A_316 : memref<1x64xf32, #tpu.memory_space<hbm>> -> memref<64xf32, #tpu.memory_space<hbm>>
      tpu.enqueue_dma source(%dma_start3A_317 : memref<64xf32, #tpu.memory_space<hbm>>) target(%dma_start3A_314 : memref<64xf32, #tpu.memory_space<vmem>>) target_semaphore(%arg13 : memref<!tpu.dma_semaphore, #tpu.memory_space<semaphore_mem>>)
      %mul3A_318 = arith.constant 16 : i32
      %mul3A_319 = arith.muli %scan3A_25, %mul3A_318 : i32
      %add3A_320 = arith.constant 9 : i32
      %add3A_321 = arith.addi %mul3A_319, %add3A_320 : i32
      %slice3A_322 = vector.extract_strided_slice %get3A_28 {offsets = [9], sizes = [1], strides = [1]} : vector<16xi32> to vector<1xi32>
      %squeeze3A_323 = vector.extract %slice3A_322[0] : i32 from vector<1xi32>
      %dma_start3A_324 = arith.constant 0 : i32
      %dma_start3A_325 = tpu.memref_slice %arg9[%add3A_321, %dma_start3A_324] : memref<128x64xf32, #tpu.memory_space<vmem>> -> memref<1x64xf32, #tpu.memory_space<vmem>>
      %dma_start3A_326 = tpu.memref_squeeze %dma_start3A_325 : memref<1x64xf32, #tpu.memory_space<vmem>> -> memref<64xf32, #tpu.memory_space<vmem>>
      %dma_start3A_327 = arith.constant 0 : i32
      %dma_start3A_328 = tpu.memref_slice %arg4[%squeeze3A_323, %dma_start3A_327] : memref<100000x64xf32, #tpu.memory_space<hbm>> -> memref<1x64xf32, #tpu.memory_space<hbm>>
      %dma_start3A_329 = tpu.memref_squeeze %dma_start3A_328 : memref<1x64xf32, #tpu.memory_space<hbm>> -> memref<64xf32, #tpu.memory_space<hbm>>
      %dma_start3A_330 = arith.constant 0 : i32
      %dma_start3A_331 = tpu.memref_slice %arg9[%add3A_321, %dma_start3A_330] : memref<128x64xf32, #tpu.memory_space<vmem>> -> memref<1x64xf32, #tpu.memory_space<vmem>>
      %dma_start3A_332 = tpu.memref_squeeze %dma_start3A_331 : memref<1x64xf32, #tpu.memory_space<vmem>> -> memref<64xf32, #tpu.memory_space<vmem>>
      %dma_start3A_333 = arith.constant 0 : i32
      %dma_start3A_334 = tpu.memref_slice %arg4[%squeeze3A_323, %dma_start3A_333] : memref<100000x64xf32, #tpu.memory_space<hbm>> -> memref<1x64xf32, #tpu.memory_space<hbm>>
      %dma_start3A_335 = tpu.memref_squeeze %dma_start3A_334 : memref<1x64xf32, #tpu.memory_space<hbm>> -> memref<64xf32, #tpu.memory_space<hbm>>
      tpu.enqueue_dma source(%dma_start3A_335 : memref<64xf32, #tpu.memory_space<hbm>>) target(%dma_start3A_332 : memref<64xf32, #tpu.memory_space<vmem>>) target_semaphore(%arg12 : memref<!tpu.dma_semaphore, #tpu.memory_space<semaphore_mem>>)
      %slice3A_336 = vector.extract_strided_slice %get3A_32 {offsets = [9], sizes = [1], strides = [1]} : vector<16xi32> to vector<1xi32>
      %squeeze3A_337 = vector.extract %slice3A_336[0] : i32 from vector<1xi32>
      %dma_start3A_338 = arith.constant 0 : i32
      %dma_start3A_339 = tpu.memref_slice %arg10[%add3A_321, %dma_start3A_338] : memref<128x64xf32, #tpu.memory_space<vmem>> -> memref<1x64xf32, #tpu.memory_space<vmem>>
      %dma_start3A_340 = tpu.memref_squeeze %dma_start3A_339 : memref<1x64xf32, #tpu.memory_space<vmem>> -> memref<64xf32, #tpu.memory_space<vmem>>
      %dma_start3A_341 = arith.constant 0 : i32
      %dma_start3A_342 = tpu.memref_slice %arg5[%squeeze3A_337, %dma_start3A_341] : memref<100000x64xf32, #tpu.memory_space<hbm>> -> memref<1x64xf32, #tpu.memory_space<hbm>>
      %dma_start3A_343 = tpu.memref_squeeze %dma_start3A_342 : memref<1x64xf32, #tpu.memory_space<hbm>> -> memref<64xf32, #tpu.memory_space<hbm>>
      %dma_start3A_344 = arith.constant 0 : i32
      %dma_start3A_345 = tpu.memref_slice %arg10[%add3A_321, %dma_start3A_344] : memref<128x64xf32, #tpu.memory_space<vmem>> -> memref<1x64xf32, #tpu.memory_space<vmem>>
      %dma_start3A_346 = tpu.memref_squeeze %dma_start3A_345 : memref<1x64xf32, #tpu.memory_space<vmem>> -> memref<64xf32, #tpu.memory_space<vmem>>
      %dma_start3A_347 = arith.constant 0 : i32
      %dma_start3A_348 = tpu.memref_slice %arg5[%squeeze3A_337, %dma_start3A_347] : memref<100000x64xf32, #tpu.memory_space<hbm>> -> memref<1x64xf32, #tpu.memory_space<hbm>>
      %dma_start3A_349 = tpu.memref_squeeze %dma_start3A_348 : memref<1x64xf32, #tpu.memory_space<hbm>> -> memref<64xf32, #tpu.memory_space<hbm>>
      tpu.enqueue_dma source(%dma_start3A_349 : memref<64xf32, #tpu.memory_space<hbm>>) target(%dma_start3A_346 : memref<64xf32, #tpu.memory_space<vmem>>) target_semaphore(%arg13 : memref<!tpu.dma_semaphore, #tpu.memory_space<semaphore_mem>>)
      %mul3A_350 = arith.constant 16 : i32
      %mul3A_351 = arith.muli %scan3A_25, %mul3A_350 : i32
      %add3A_352 = arith.constant 10 : i32
      %add3A_353 = arith.addi %mul3A_351, %add3A_352 : i32
      %slice3A_354 = vector.extract_strided_slice %get3A_28 {offsets = [10], sizes = [1], strides = [1]} : vector<16xi32> to vector<1xi32>
      %squeeze3A_355 = vector.extract %slice3A_354[0] : i32 from vector<1xi32>
      %dma_start3A_356 = arith.constant 0 : i32
      %dma_start3A_357 = tpu.memref_slice %arg9[%add3A_353, %dma_start3A_356] : memref<128x64xf32, #tpu.memory_space<vmem>> -> memref<1x64xf32, #tpu.memory_space<vmem>>
      %dma_start3A_358 = tpu.memref_squeeze %dma_start3A_357 : memref<1x64xf32, #tpu.memory_space<vmem>> -> memref<64xf32, #tpu.memory_space<vmem>>
      %dma_start3A_359 = arith.constant 0 : i32
      %dma_start3A_360 = tpu.memref_slice %arg4[%squeeze3A_355, %dma_start3A_359] : memref<100000x64xf32, #tpu.memory_space<hbm>> -> memref<1x64xf32, #tpu.memory_space<hbm>>
      %dma_start3A_361 = tpu.memref_squeeze %dma_start3A_360 : memref<1x64xf32, #tpu.memory_space<hbm>> -> memref<64xf32, #tpu.memory_space<hbm>>
      %dma_start3A_362 = arith.constant 0 : i32
      %dma_start3A_363 = tpu.memref_slice %arg9[%add3A_353, %dma_start3A_362] : memref<128x64xf32, #tpu.memory_space<vmem>> -> memref<1x64xf32, #tpu.memory_space<vmem>>
      %dma_start3A_364 = tpu.memref_squeeze %dma_start3A_363 : memref<1x64xf32, #tpu.memory_space<vmem>> -> memref<64xf32, #tpu.memory_space<vmem>>
      %dma_start3A_365 = arith.constant 0 : i32
      %dma_start3A_366 = tpu.memref_slice %arg4[%squeeze3A_355, %dma_start3A_365] : memref<100000x64xf32, #tpu.memory_space<hbm>> -> memref<1x64xf32, #tpu.memory_space<hbm>>
      %dma_start3A_367 = tpu.memref_squeeze %dma_start3A_366 : memref<1x64xf32, #tpu.memory_space<hbm>> -> memref<64xf32, #tpu.memory_space<hbm>>
      tpu.enqueue_dma source(%dma_start3A_367 : memref<64xf32, #tpu.memory_space<hbm>>) target(%dma_start3A_364 : memref<64xf32, #tpu.memory_space<vmem>>) target_semaphore(%arg12 : memref<!tpu.dma_semaphore, #tpu.memory_space<semaphore_mem>>)
      %slice3A_368 = vector.extract_strided_slice %get3A_32 {offsets = [10], sizes = [1], strides = [1]} : vector<16xi32> to vector<1xi32>
      %squeeze3A_369 = vector.extract %slice3A_368[0] : i32 from vector<1xi32>
      %dma_start3A_370 = arith.constant 0 : i32
      %dma_start3A_371 = tpu.memref_slice %arg10[%add3A_353, %dma_start3A_370] : memref<128x64xf32, #tpu.memory_space<vmem>> -> memref<1x64xf32, #tpu.memory_space<vmem>>
      %dma_start3A_372 = tpu.memref_squeeze %dma_start3A_371 : memref<1x64xf32, #tpu.memory_space<vmem>> -> memref<64xf32, #tpu.memory_space<vmem>>
      %dma_start3A_373 = arith.constant 0 : i32
      %dma_start3A_374 = tpu.memref_slice %arg5[%squeeze3A_369, %dma_start3A_373] : memref<100000x64xf32, #tpu.memory_space<hbm>> -> memref<1x64xf32, #tpu.memory_space<hbm>>
      %dma_start3A_375 = tpu.memref_squeeze %dma_start3A_374 : memref<1x64xf32, #tpu.memory_space<hbm>> -> memref<64xf32, #tpu.memory_space<hbm>>
      %dma_start3A_376 = arith.constant 0 : i32
      %dma_start3A_377 = tpu.memref_slice %arg10[%add3A_353, %dma_start3A_376] : memref<128x64xf32, #tpu.memory_space<vmem>> -> memref<1x64xf32, #tpu.memory_space<vmem>>
      %dma_start3A_378 = tpu.memref_squeeze %dma_start3A_377 : memref<1x64xf32, #tpu.memory_space<vmem>> -> memref<64xf32, #tpu.memory_space<vmem>>
      %dma_start3A_379 = arith.constant 0 : i32
      %dma_start3A_380 = tpu.memref_slice %arg5[%squeeze3A_369, %dma_start3A_379] : memref<100000x64xf32, #tpu.memory_space<hbm>> -> memref<1x64xf32, #tpu.memory_space<hbm>>
      %dma_start3A_381 = tpu.memref_squeeze %dma_start3A_380 : memref<1x64xf32, #tpu.memory_space<hbm>> -> memref<64xf32, #tpu.memory_space<hbm>>
      tpu.enqueue_dma source(%dma_start3A_381 : memref<64xf32, #tpu.memory_space<hbm>>) target(%dma_start3A_378 : memref<64xf32, #tpu.memory_space<vmem>>) target_semaphore(%arg13 : memref<!tpu.dma_semaphore, #tpu.memory_space<semaphore_mem>>)
      %mul3A_382 = arith.constant 16 : i32
      %mul3A_383 = arith.muli %scan3A_25, %mul3A_382 : i32
      %add3A_384 = arith.constant 11 : i32
      %add3A_385 = arith.addi %mul3A_383, %add3A_384 : i32
      %slice3A_386 = vector.extract_strided_slice %get3A_28 {offsets = [11], sizes = [1], strides = [1]} : vector<16xi32> to vector<1xi32>
      %squeeze3A_387 = vector.extract %slice3A_386[0] : i32 from vector<1xi32>
      %dma_start3A_388 = arith.constant 0 : i32
      %dma_start3A_389 = tpu.memref_slice %arg9[%add3A_385, %dma_start3A_388] : memref<128x64xf32, #tpu.memory_space<vmem>> -> memref<1x64xf32, #tpu.memory_space<vmem>>
      %dma_start3A_390 = tpu.memref_squeeze %dma_start3A_389 : memref<1x64xf32, #tpu.memory_space<vmem>> -> memref<64xf32, #tpu.memory_space<vmem>>
      %dma_start3A_391 = arith.constant 0 : i32
      %dma_start3A_392 = tpu.memref_slice %arg4[%squeeze3A_387, %dma_start3A_391] : memref<100000x64xf32, #tpu.memory_space<hbm>> -> memref<1x64xf32, #tpu.memory_space<hbm>>
      %dma_start3A_393 = tpu.memref_squeeze %dma_start3A_392 : memref<1x64xf32, #tpu.memory_space<hbm>> -> memref<64xf32, #tpu.memory_space<hbm>>
      %dma_start3A_394 = arith.constant 0 : i32
      %dma_start3A_395 = tpu.memref_slice %arg9[%add3A_385, %dma_start3A_394] : memref<128x64xf32, #tpu.memory_space<vmem>> -> memref<1x64xf32, #tpu.memory_space<vmem>>
      %dma_start3A_396 = tpu.memref_squeeze %dma_start3A_395 : memref<1x64xf32, #tpu.memory_space<vmem>> -> memref<64xf32, #tpu.memory_space<vmem>>
      %dma_start3A_397 = arith.constant 0 : i32
      %dma_start3A_398 = tpu.memref_slice %arg4[%squeeze3A_387, %dma_start3A_397] : memref<100000x64xf32, #tpu.memory_space<hbm>> -> memref<1x64xf32, #tpu.memory_space<hbm>>
      %dma_start3A_399 = tpu.memref_squeeze %dma_start3A_398 : memref<1x64xf32, #tpu.memory_space<hbm>> -> memref<64xf32, #tpu.memory_space<hbm>>
      tpu.enqueue_dma source(%dma_start3A_399 : memref<64xf32, #tpu.memory_space<hbm>>) target(%dma_start3A_396 : memref<64xf32, #tpu.memory_space<vmem>>) target_semaphore(%arg12 : memref<!tpu.dma_semaphore, #tpu.memory_space<semaphore_mem>>)
      %slice3A_400 = vector.extract_strided_slice %get3A_32 {offsets = [11], sizes = [1], strides = [1]} : vector<16xi32> to vector<1xi32>
      %squeeze3A_401 = vector.extract %slice3A_400[0] : i32 from vector<1xi32>
      %dma_start3A_402 = arith.constant 0 : i32
      %dma_start3A_403 = tpu.memref_slice %arg10[%add3A_385, %dma_start3A_402] : memref<128x64xf32, #tpu.memory_space<vmem>> -> memref<1x64xf32, #tpu.memory_space<vmem>>
      %dma_start3A_404 = tpu.memref_squeeze %dma_start3A_403 : memref<1x64xf32, #tpu.memory_space<vmem>> -> memref<64xf32, #tpu.memory_space<vmem>>
      %dma_start3A_405 = arith.constant 0 : i32
      %dma_start3A_406 = tpu.memref_slice %arg5[%squeeze3A_401, %dma_start3A_405] : memref<100000x64xf32, #tpu.memory_space<hbm>> -> memref<1x64xf32, #tpu.memory_space<hbm>>
      %dma_start3A_407 = tpu.memref_squeeze %dma_start3A_406 : memref<1x64xf32, #tpu.memory_space<hbm>> -> memref<64xf32, #tpu.memory_space<hbm>>
      %dma_start3A_408 = arith.constant 0 : i32
      %dma_start3A_409 = tpu.memref_slice %arg10[%add3A_385, %dma_start3A_408] : memref<128x64xf32, #tpu.memory_space<vmem>> -> memref<1x64xf32, #tpu.memory_space<vmem>>
      %dma_start3A_410 = tpu.memref_squeeze %dma_start3A_409 : memref<1x64xf32, #tpu.memory_space<vmem>> -> memref<64xf32, #tpu.memory_space<vmem>>
      %dma_start3A_411 = arith.constant 0 : i32
      %dma_start3A_412 = tpu.memref_slice %arg5[%squeeze3A_401, %dma_start3A_411] : memref<100000x64xf32, #tpu.memory_space<hbm>> -> memref<1x64xf32, #tpu.memory_space<hbm>>
      %dma_start3A_413 = tpu.memref_squeeze %dma_start3A_412 : memref<1x64xf32, #tpu.memory_space<hbm>> -> memref<64xf32, #tpu.memory_space<hbm>>
      tpu.enqueue_dma source(%dma_start3A_413 : memref<64xf32, #tpu.memory_space<hbm>>) target(%dma_start3A_410 : memref<64xf32, #tpu.memory_space<vmem>>) target_semaphore(%arg13 : memref<!tpu.dma_semaphore, #tpu.memory_space<semaphore_mem>>)
      %mul3A_414 = arith.constant 16 : i32
      %mul3A_415 = arith.muli %scan3A_25, %mul3A_414 : i32
      %add3A_416 = arith.constant 12 : i32
      %add3A_417 = arith.addi %mul3A_415, %add3A_416 : i32
      %slice3A_418 = vector.extract_strided_slice %get3A_28 {offsets = [12], sizes = [1], strides = [1]} : vector<16xi32> to vector<1xi32>
      %squeeze3A_419 = vector.extract %slice3A_418[0] : i32 from vector<1xi32>
      %dma_start3A_420 = arith.constant 0 : i32
      %dma_start3A_421 = tpu.memref_slice %arg9[%add3A_417, %dma_start3A_420] : memref<128x64xf32, #tpu.memory_space<vmem>> -> memref<1x64xf32, #tpu.memory_space<vmem>>
      %dma_start3A_422 = tpu.memref_squeeze %dma_start3A_421 : memref<1x64xf32, #tpu.memory_space<vmem>> -> memref<64xf32, #tpu.memory_space<vmem>>
      %dma_start3A_423 = arith.constant 0 : i32
      %dma_start3A_424 = tpu.memref_slice %arg4[%squeeze3A_419, %dma_start3A_423] : memref<100000x64xf32, #tpu.memory_space<hbm>> -> memref<1x64xf32, #tpu.memory_space<hbm>>
      %dma_start3A_425 = tpu.memref_squeeze %dma_start3A_424 : memref<1x64xf32, #tpu.memory_space<hbm>> -> memref<64xf32, #tpu.memory_space<hbm>>
      %dma_start3A_426 = arith.constant 0 : i32
      %dma_start3A_427 = tpu.memref_slice %arg9[%add3A_417, %dma_start3A_426] : memref<128x64xf32, #tpu.memory_space<vmem>> -> memref<1x64xf32, #tpu.memory_space<vmem>>
      %dma_start3A_428 = tpu.memref_squeeze %dma_start3A_427 : memref<1x64xf32, #tpu.memory_space<vmem>> -> memref<64xf32, #tpu.memory_space<vmem>>
      %dma_start3A_429 = arith.constant 0 : i32
      %dma_start3A_430 = tpu.memref_slice %arg4[%squeeze3A_419, %dma_start3A_429] : memref<100000x64xf32, #tpu.memory_space<hbm>> -> memref<1x64xf32, #tpu.memory_space<hbm>>
      %dma_start3A_431 = tpu.memref_squeeze %dma_start3A_430 : memref<1x64xf32, #tpu.memory_space<hbm>> -> memref<64xf32, #tpu.memory_space<hbm>>
      tpu.enqueue_dma source(%dma_start3A_431 : memref<64xf32, #tpu.memory_space<hbm>>) target(%dma_start3A_428 : memref<64xf32, #tpu.memory_space<vmem>>) target_semaphore(%arg12 : memref<!tpu.dma_semaphore, #tpu.memory_space<semaphore_mem>>)
      %slice3A_432 = vector.extract_strided_slice %get3A_32 {offsets = [12], sizes = [1], strides = [1]} : vector<16xi32> to vector<1xi32>
      %squeeze3A_433 = vector.extract %slice3A_432[0] : i32 from vector<1xi32>
      %dma_start3A_434 = arith.constant 0 : i32
      %dma_start3A_435 = tpu.memref_slice %arg10[%add3A_417, %dma_start3A_434] : memref<128x64xf32, #tpu.memory_space<vmem>> -> memref<1x64xf32, #tpu.memory_space<vmem>>
      %dma_start3A_436 = tpu.memref_squeeze %dma_start3A_435 : memref<1x64xf32, #tpu.memory_space<vmem>> -> memref<64xf32, #tpu.memory_space<vmem>>
      %dma_start3A_437 = arith.constant 0 : i32
      %dma_start3A_438 = tpu.memref_slice %arg5[%squeeze3A_433, %dma_start3A_437] : memref<100000x64xf32, #tpu.memory_space<hbm>> -> memref<1x64xf32, #tpu.memory_space<hbm>>
      %dma_start3A_439 = tpu.memref_squeeze %dma_start3A_438 : memref<1x64xf32, #tpu.memory_space<hbm>> -> memref<64xf32, #tpu.memory_space<hbm>>
      %dma_start3A_440 = arith.constant 0 : i32
      %dma_start3A_441 = tpu.memref_slice %arg10[%add3A_417, %dma_start3A_440] : memref<128x64xf32, #tpu.memory_space<vmem>> -> memref<1x64xf32, #tpu.memory_space<vmem>>
      %dma_start3A_442 = tpu.memref_squeeze %dma_start3A_441 : memref<1x64xf32, #tpu.memory_space<vmem>> -> memref<64xf32, #tpu.memory_space<vmem>>
      %dma_start3A_443 = arith.constant 0 : i32
      %dma_start3A_444 = tpu.memref_slice %arg5[%squeeze3A_433, %dma_start3A_443] : memref<100000x64xf32, #tpu.memory_space<hbm>> -> memref<1x64xf32, #tpu.memory_space<hbm>>
      %dma_start3A_445 = tpu.memref_squeeze %dma_start3A_444 : memref<1x64xf32, #tpu.memory_space<hbm>> -> memref<64xf32, #tpu.memory_space<hbm>>
      tpu.enqueue_dma source(%dma_start3A_445 : memref<64xf32, #tpu.memory_space<hbm>>) target(%dma_start3A_442 : memref<64xf32, #tpu.memory_space<vmem>>) target_semaphore(%arg13 : memref<!tpu.dma_semaphore, #tpu.memory_space<semaphore_mem>>)
      %mul3A_446 = arith.constant 16 : i32
      %mul3A_447 = arith.muli %scan3A_25, %mul3A_446 : i32
      %add3A_448 = arith.constant 13 : i32
      %add3A_449 = arith.addi %mul3A_447, %add3A_448 : i32
      %slice3A_450 = vector.extract_strided_slice %get3A_28 {offsets = [13], sizes = [1], strides = [1]} : vector<16xi32> to vector<1xi32>
      %squeeze3A_451 = vector.extract %slice3A_450[0] : i32 from vector<1xi32>
      %dma_start3A_452 = arith.constant 0 : i32
      %dma_start3A_453 = tpu.memref_slice %arg9[%add3A_449, %dma_start3A_452] : memref<128x64xf32, #tpu.memory_space<vmem>> -> memref<1x64xf32, #tpu.memory_space<vmem>>
      %dma_start3A_454 = tpu.memref_squeeze %dma_start3A_453 : memref<1x64xf32, #tpu.memory_space<vmem>> -> memref<64xf32, #tpu.memory_space<vmem>>
      %dma_start3A_455 = arith.constant 0 : i32
      %dma_start3A_456 = tpu.memref_slice %arg4[%squeeze3A_451, %dma_start3A_455] : memref<100000x64xf32, #tpu.memory_space<hbm>> -> memref<1x64xf32, #tpu.memory_space<hbm>>
      %dma_start3A_457 = tpu.memref_squeeze %dma_start3A_456 : memref<1x64xf32, #tpu.memory_space<hbm>> -> memref<64xf32, #tpu.memory_space<hbm>>
      %dma_start3A_458 = arith.constant 0 : i32
      %dma_start3A_459 = tpu.memref_slice %arg9[%add3A_449, %dma_start3A_458] : memref<128x64xf32, #tpu.memory_space<vmem>> -> memref<1x64xf32, #tpu.memory_space<vmem>>
      %dma_start3A_460 = tpu.memref_squeeze %dma_start3A_459 : memref<1x64xf32, #tpu.memory_space<vmem>> -> memref<64xf32, #tpu.memory_space<vmem>>
      %dma_start3A_461 = arith.constant 0 : i32
      %dma_start3A_462 = tpu.memref_slice %arg4[%squeeze3A_451, %dma_start3A_461] : memref<100000x64xf32, #tpu.memory_space<hbm>> -> memref<1x64xf32, #tpu.memory_space<hbm>>
      %dma_start3A_463 = tpu.memref_squeeze %dma_start3A_462 : memref<1x64xf32, #tpu.memory_space<hbm>> -> memref<64xf32, #tpu.memory_space<hbm>>
      tpu.enqueue_dma source(%dma_start3A_463 : memref<64xf32, #tpu.memory_space<hbm>>) target(%dma_start3A_460 : memref<64xf32, #tpu.memory_space<vmem>>) target_semaphore(%arg12 : memref<!tpu.dma_semaphore, #tpu.memory_space<semaphore_mem>>)
      %slice3A_464 = vector.extract_strided_slice %get3A_32 {offsets = [13], sizes = [1], strides = [1]} : vector<16xi32> to vector<1xi32>
      %squeeze3A_465 = vector.extract %slice3A_464[0] : i32 from vector<1xi32>
      %dma_start3A_466 = arith.constant 0 : i32
      %dma_start3A_467 = tpu.memref_slice %arg10[%add3A_449, %dma_start3A_466] : memref<128x64xf32, #tpu.memory_space<vmem>> -> memref<1x64xf32, #tpu.memory_space<vmem>>
      %dma_start3A_468 = tpu.memref_squeeze %dma_start3A_467 : memref<1x64xf32, #tpu.memory_space<vmem>> -> memref<64xf32, #tpu.memory_space<vmem>>
      %dma_start3A_469 = arith.constant 0 : i32
      %dma_start3A_470 = tpu.memref_slice %arg5[%squeeze3A_465, %dma_start3A_469] : memref<100000x64xf32, #tpu.memory_space<hbm>> -> memref<1x64xf32, #tpu.memory_space<hbm>>
      %dma_start3A_471 = tpu.memref_squeeze %dma_start3A_470 : memref<1x64xf32, #tpu.memory_space<hbm>> -> memref<64xf32, #tpu.memory_space<hbm>>
      %dma_start3A_472 = arith.constant 0 : i32
      %dma_start3A_473 = tpu.memref_slice %arg10[%add3A_449, %dma_start3A_472] : memref<128x64xf32, #tpu.memory_space<vmem>> -> memref<1x64xf32, #tpu.memory_space<vmem>>
      %dma_start3A_474 = tpu.memref_squeeze %dma_start3A_473 : memref<1x64xf32, #tpu.memory_space<vmem>> -> memref<64xf32, #tpu.memory_space<vmem>>
      %dma_start3A_475 = arith.constant 0 : i32
      %dma_start3A_476 = tpu.memref_slice %arg5[%squeeze3A_465, %dma_start3A_475] : memref<100000x64xf32, #tpu.memory_space<hbm>> -> memref<1x64xf32, #tpu.memory_space<hbm>>
      %dma_start3A_477 = tpu.memref_squeeze %dma_start3A_476 : memref<1x64xf32, #tpu.memory_space<hbm>> -> memref<64xf32, #tpu.memory_space<hbm>>
      tpu.enqueue_dma source(%dma_start3A_477 : memref<64xf32, #tpu.memory_space<hbm>>) target(%dma_start3A_474 : memref<64xf32, #tpu.memory_space<vmem>>) target_semaphore(%arg13 : memref<!tpu.dma_semaphore, #tpu.memory_space<semaphore_mem>>)
      %mul3A_478 = arith.constant 16 : i32
      %mul3A_479 = arith.muli %scan3A_25, %mul3A_478 : i32
      %add3A_480 = arith.constant 14 : i32
      %add3A_481 = arith.addi %mul3A_479, %add3A_480 : i32
      %slice3A_482 = vector.extract_strided_slice %get3A_28 {offsets = [14], sizes = [1], strides = [1]} : vector<16xi32> to vector<1xi32>
      %squeeze3A_483 = vector.extract %slice3A_482[0] : i32 from vector<1xi32>
      %dma_start3A_484 = arith.constant 0 : i32
      %dma_start3A_485 = tpu.memref_slice %arg9[%add3A_481, %dma_start3A_484] : memref<128x64xf32, #tpu.memory_space<vmem>> -> memref<1x64xf32, #tpu.memory_space<vmem>>
      %dma_start3A_486 = tpu.memref_squeeze %dma_start3A_485 : memref<1x64xf32, #tpu.memory_space<vmem>> -> memref<64xf32, #tpu.memory_space<vmem>>
      %dma_start3A_487 = arith.constant 0 : i32
      %dma_start3A_488 = tpu.memref_slice %arg4[%squeeze3A_483, %dma_start3A_487] : memref<100000x64xf32, #tpu.memory_space<hbm>> -> memref<1x64xf32, #tpu.memory_space<hbm>>
      %dma_start3A_489 = tpu.memref_squeeze %dma_start3A_488 : memref<1x64xf32, #tpu.memory_space<hbm>> -> memref<64xf32, #tpu.memory_space<hbm>>
      %dma_start3A_490 = arith.constant 0 : i32
      %dma_start3A_491 = tpu.memref_slice %arg9[%add3A_481, %dma_start3A_490] : memref<128x64xf32, #tpu.memory_space<vmem>> -> memref<1x64xf32, #tpu.memory_space<vmem>>
      %dma_start3A_492 = tpu.memref_squeeze %dma_start3A_491 : memref<1x64xf32, #tpu.memory_space<vmem>> -> memref<64xf32, #tpu.memory_space<vmem>>
      %dma_start3A_493 = arith.constant 0 : i32
      %dma_start3A_494 = tpu.memref_slice %arg4[%squeeze3A_483, %dma_start3A_493] : memref<100000x64xf32, #tpu.memory_space<hbm>> -> memref<1x64xf32, #tpu.memory_space<hbm>>
      %dma_start3A_495 = tpu.memref_squeeze %dma_start3A_494 : memref<1x64xf32, #tpu.memory_space<hbm>> -> memref<64xf32, #tpu.memory_space<hbm>>
      tpu.enqueue_dma source(%dma_start3A_495 : memref<64xf32, #tpu.memory_space<hbm>>) target(%dma_start3A_492 : memref<64xf32, #tpu.memory_space<vmem>>) target_semaphore(%arg12 : memref<!tpu.dma_semaphore, #tpu.memory_space<semaphore_mem>>)
      %slice3A_496 = vector.extract_strided_slice %get3A_32 {offsets = [14], sizes = [1], strides = [1]} : vector<16xi32> to vector<1xi32>
      %squeeze3A_497 = vector.extract %slice3A_496[0] : i32 from vector<1xi32>
      %dma_start3A_498 = arith.constant 0 : i32
      %dma_start3A_499 = tpu.memref_slice %arg10[%add3A_481, %dma_start3A_498] : memref<128x64xf32, #tpu.memory_space<vmem>> -> memref<1x64xf32, #tpu.memory_space<vmem>>
      %dma_start3A_500 = tpu.memref_squeeze %dma_start3A_499 : memref<1x64xf32, #tpu.memory_space<vmem>> -> memref<64xf32, #tpu.memory_space<vmem>>
      %dma_start3A_501 = arith.constant 0 : i32
      %dma_start3A_502 = tpu.memref_slice %arg5[%squeeze3A_497, %dma_start3A_501] : memref<100000x64xf32, #tpu.memory_space<hbm>> -> memref<1x64xf32, #tpu.memory_space<hbm>>
      %dma_start3A_503 = tpu.memref_squeeze %dma_start3A_502 : memref<1x64xf32, #tpu.memory_space<hbm>> -> memref<64xf32, #tpu.memory_space<hbm>>
      %dma_start3A_504 = arith.constant 0 : i32
      %dma_start3A_505 = tpu.memref_slice %arg10[%add3A_481, %dma_start3A_504] : memref<128x64xf32, #tpu.memory_space<vmem>> -> memref<1x64xf32, #tpu.memory_space<vmem>>
      %dma_start3A_506 = tpu.memref_squeeze %dma_start3A_505 : memref<1x64xf32, #tpu.memory_space<vmem>> -> memref<64xf32, #tpu.memory_space<vmem>>
      %dma_start3A_507 = arith.constant 0 : i32
      %dma_start3A_508 = tpu.memref_slice %arg5[%squeeze3A_497, %dma_start3A_507] : memref<100000x64xf32, #tpu.memory_space<hbm>> -> memref<1x64xf32, #tpu.memory_space<hbm>>
      %dma_start3A_509 = tpu.memref_squeeze %dma_start3A_508 : memref<1x64xf32, #tpu.memory_space<hbm>> -> memref<64xf32, #tpu.memory_space<hbm>>
      tpu.enqueue_dma source(%dma_start3A_509 : memref<64xf32, #tpu.memory_space<hbm>>) target(%dma_start3A_506 : memref<64xf32, #tpu.memory_space<vmem>>) target_semaphore(%arg13 : memref<!tpu.dma_semaphore, #tpu.memory_space<semaphore_mem>>)
      %mul3A_510 = arith.constant 16 : i32
      %mul3A_511 = arith.muli %scan3A_25, %mul3A_510 : i32
      %add3A_512 = arith.constant 15 : i32
      %add3A_513 = arith.addi %mul3A_511, %add3A_512 : i32
      %slice3A_514 = vector.extract_strided_slice %get3A_28 {offsets = [15], sizes = [1], strides = [1]} : vector<16xi32> to vector<1xi32>
      %squeeze3A_515 = vector.extract %slice3A_514[0] : i32 from vector<1xi32>
      %dma_start3A_516 = arith.constant 0 : i32
      %dma_start3A_517 = tpu.memref_slice %arg9[%add3A_513, %dma_start3A_516] : memref<128x64xf32, #tpu.memory_space<vmem>> -> memref<1x64xf32, #tpu.memory_space<vmem>>
      %dma_start3A_518 = tpu.memref_squeeze %dma_start3A_517 : memref<1x64xf32, #tpu.memory_space<vmem>> -> memref<64xf32, #tpu.memory_space<vmem>>
      %dma_start3A_519 = arith.constant 0 : i32
      %dma_start3A_520 = tpu.memref_slice %arg4[%squeeze3A_515, %dma_start3A_519] : memref<100000x64xf32, #tpu.memory_space<hbm>> -> memref<1x64xf32, #tpu.memory_space<hbm>>
      %dma_start3A_521 = tpu.memref_squeeze %dma_start3A_520 : memref<1x64xf32, #tpu.memory_space<hbm>> -> memref<64xf32, #tpu.memory_space<hbm>>
      %dma_start3A_522 = arith.constant 0 : i32
      %dma_start3A_523 = tpu.memref_slice %arg9[%add3A_513, %dma_start3A_522] : memref<128x64xf32, #tpu.memory_space<vmem>> -> memref<1x64xf32, #tpu.memory_space<vmem>>
      %dma_start3A_524 = tpu.memref_squeeze %dma_start3A_523 : memref<1x64xf32, #tpu.memory_space<vmem>> -> memref<64xf32, #tpu.memory_space<vmem>>
      %dma_start3A_525 = arith.constant 0 : i32
      %dma_start3A_526 = tpu.memref_slice %arg4[%squeeze3A_515, %dma_start3A_525] : memref<100000x64xf32, #tpu.memory_space<hbm>> -> memref<1x64xf32, #tpu.memory_space<hbm>>
      %dma_start3A_527 = tpu.memref_squeeze %dma_start3A_526 : memref<1x64xf32, #tpu.memory_space<hbm>> -> memref<64xf32, #tpu.memory_space<hbm>>
      tpu.enqueue_dma source(%dma_start3A_527 : memref<64xf32, #tpu.memory_space<hbm>>) target(%dma_start3A_524 : memref<64xf32, #tpu.memory_space<vmem>>) target_semaphore(%arg12 : memref<!tpu.dma_semaphore, #tpu.memory_space<semaphore_mem>>)
      %slice3A_528 = vector.extract_strided_slice %get3A_32 {offsets = [15], sizes = [1], strides = [1]} : vector<16xi32> to vector<1xi32>
      %squeeze3A_529 = vector.extract %slice3A_528[0] : i32 from vector<1xi32>
      %dma_start3A_530 = arith.constant 0 : i32
      %dma_start3A_531 = tpu.memref_slice %arg10[%add3A_513, %dma_start3A_530] : memref<128x64xf32, #tpu.memory_space<vmem>> -> memref<1x64xf32, #tpu.memory_space<vmem>>
      %dma_start3A_532 = tpu.memref_squeeze %dma_start3A_531 : memref<1x64xf32, #tpu.memory_space<vmem>> -> memref<64xf32, #tpu.memory_space<vmem>>
      %dma_start3A_533 = arith.constant 0 : i32
      %dma_start3A_534 = tpu.memref_slice %arg5[%squeeze3A_529, %dma_start3A_533] : memref<100000x64xf32, #tpu.memory_space<hbm>> -> memref<1x64xf32, #tpu.memory_space<hbm>>
      %dma_start3A_535 = tpu.memref_squeeze %dma_start3A_534 : memref<1x64xf32, #tpu.memory_space<hbm>> -> memref<64xf32, #tpu.memory_space<hbm>>
      %dma_start3A_536 = arith.constant 0 : i32
      %dma_start3A_537 = tpu.memref_slice %arg10[%add3A_513, %dma_start3A_536] : memref<128x64xf32, #tpu.memory_space<vmem>> -> memref<1x64xf32, #tpu.memory_space<vmem>>
      %dma_start3A_538 = tpu.memref_squeeze %dma_start3A_537 : memref<1x64xf32, #tpu.memory_space<vmem>> -> memref<64xf32, #tpu.memory_space<vmem>>
      %dma_start3A_539 = arith.constant 0 : i32
      %dma_start3A_540 = tpu.memref_slice %arg5[%squeeze3A_529, %dma_start3A_539] : memref<100000x64xf32, #tpu.memory_space<hbm>> -> memref<1x64xf32, #tpu.memory_space<hbm>>
      %dma_start3A_541 = tpu.memref_squeeze %dma_start3A_540 : memref<1x64xf32, #tpu.memory_space<hbm>> -> memref<64xf32, #tpu.memory_space<hbm>>
      tpu.enqueue_dma source(%dma_start3A_541 : memref<64xf32, #tpu.memory_space<hbm>>) target(%dma_start3A_538 : memref<64xf32, #tpu.memory_space<vmem>>) target_semaphore(%arg13 : memref<!tpu.dma_semaphore, #tpu.memory_space<semaphore_mem>>)
    }
    %scan3A_7 = arith.constant 8 : i32
    %dma_wait3A = arith.constant 0 : i32
    %dma_wait3A_8 = arith.constant 0 : i32
    %dma_wait3A_9 = tpu.memref_slice %arg4[%dma_wait3A, %dma_wait3A_8] : memref<100000x64xf32, #tpu.memory_space<hbm>> -> memref<128x64xf32, #tpu.memory_space<hbm>>
    %dma_wait3A_10 = arith.constant 0 : i32
    %dma_wait3A_11 = arith.constant 0 : i32
    %dma_wait3A_12 = tpu.memref_slice %arg4[%dma_wait3A_10, %dma_wait3A_11] : memref<100000x64xf32, #tpu.memory_space<hbm>> -> memref<128x64xf32, #tpu.memory_space<hbm>>
    tpu.wait_dma2 semaphore(%arg12 : memref<!tpu.dma_semaphore, #tpu.memory_space<semaphore_mem>>) src(%dma_wait3A_12 : memref<128x64xf32, #tpu.memory_space<hbm>>) dst(%arg9 : memref<128x64xf32, #tpu.memory_space<vmem>>)
    %dma_wait3A_13 = arith.constant 0 : i32
    %dma_wait3A_14 = arith.constant 0 : i32
    %dma_wait3A_15 = tpu.memref_slice %arg5[%dma_wait3A_13, %dma_wait3A_14] : memref<100000x64xf32, #tpu.memory_space<hbm>> -> memref<128x64xf32, #tpu.memory_space<hbm>>
    %dma_wait3A_16 = arith.constant 0 : i32
    %dma_wait3A_17 = arith.constant 0 : i32
    %dma_wait3A_18 = tpu.memref_slice %arg5[%dma_wait3A_16, %dma_wait3A_17] : memref<100000x64xf32, #tpu.memory_space<hbm>> -> memref<128x64xf32, #tpu.memory_space<hbm>>
    tpu.wait_dma2 semaphore(%arg13 : memref<!tpu.dma_semaphore, #tpu.memory_space<semaphore_mem>>) src(%dma_wait3A_18 : memref<128x64xf32, #tpu.memory_space<hbm>>) dst(%arg10 : memref<128x64xf32, #tpu.memory_space<vmem>>)
    %iota3A = tpu.iota {dimensions = array<i32: 0>} : vector<16xi32>
    %scan3A_19 = arith.constant 0 : i32
    %scan3A_20 = arith.constant 0 : i32
    %scan3A_21 = arith.constant 8 : i32
    %scan3A_22 = arith.addi %scan3A_20, %scan3A_21 : i32
    %scan3A_23 = arith.constant 1 : i32
    scf.for %scan3A_25 = %scan3A_20 to %scan3A_22 step %scan3A_23  : i32 {
      %broadcast_in_dim3A = arith.constant 0.000000e+00 : f32
      %broadcast_in_dim3A_26 = vector.broadcast %broadcast_in_dim3A : f32 to vector<16xf32>
      %mul3A_27 = arith.constant 16 : i32
      %mul3A_28 = arith.muli %scan3A_25, %mul3A_27 : i32
      %add3A_29 = arith.constant 0 : i32
      %add3A_30 = arith.addi %mul3A_28, %add3A_29 : i32
      %broadcast_in_dim3A_31 = arith.constant 0.000000e+00 : f32
      %broadcast_in_dim3A_32 = vector.broadcast %broadcast_in_dim3A_31 : f32 to vector<16xf32>
      %get3A = arith.index_cast %add3A_30 : i32 to index
      %get3A_33 = arith.constant 0 : index
      %get3A_34 = tpu.vector_load %arg9[%get3A, %get3A_33] {strides = array<i32>} : memref<128x64xf32, #tpu.memory_space<vmem>>, vector<16xf32>,
      %get3A_35 = arith.index_cast %add3A_30 : i32 to index
      %get3A_36 = arith.constant 0 : index
      %get3A_37 = tpu.vector_load %arg10[%get3A_35, %get3A_36] {strides = array<i32>} : memref<128x64xf32, #tpu.memory_space<vmem>>, vector<16xf32>,
      %mul3A_38 = arith.mulf %get3A_34, %get3A_37 : vector<16xf32>
      %add3A_39 = arith.addf %broadcast_in_dim3A_32, %mul3A_38 : vector<16xf32>
      %get3A_40 = arith.index_cast %add3A_30 : i32 to index
      %get3A_41 = arith.constant 16 : index
      %get3A_42 = tpu.vector_load %arg9[%get3A_40, %get3A_41] {strides = array<i32>} : memref<128x64xf32, #tpu.memory_space<vmem>>, vector<16xf32>,
      %get3A_43 = arith.index_cast %add3A_30 : i32 to index
      %get3A_44 = arith.constant 16 : index
      %get3A_45 = tpu.vector_load %arg10[%get3A_43, %get3A_44] {strides = array<i32>} : memref<128x64xf32, #tpu.memory_space<vmem>>, vector<16xf32>,
      %mul3A_46 = arith.mulf %get3A_42, %get3A_45 : vector<16xf32>
      %add3A_47 = arith.addf %add3A_39, %mul3A_46 : vector<16xf32>
      %get3A_48 = arith.index_cast %add3A_30 : i32 to index
      %get3A_49 = arith.constant 32 : index
      %get3A_50 = tpu.vector_load %arg9[%get3A_48, %get3A_49] {strides = array<i32>} : memref<128x64xf32, #tpu.memory_space<vmem>>, vector<16xf32>,
      %get3A_51 = arith.index_cast %add3A_30 : i32 to index
      %get3A_52 = arith.constant 32 : index
      %get3A_53 = tpu.vector_load %arg10[%get3A_51, %get3A_52] {strides = array<i32>} : memref<128x64xf32, #tpu.memory_space<vmem>>, vector<16xf32>,
      %mul3A_54 = arith.mulf %get3A_50, %get3A_53 : vector<16xf32>
      %add3A_55 = arith.addf %add3A_47, %mul3A_54 : vector<16xf32>
      %get3A_56 = arith.index_cast %add3A_30 : i32 to index
      %get3A_57 = arith.constant 48 : index
      %get3A_58 = tpu.vector_load %arg9[%get3A_56, %get3A_57] {strides = array<i32>} : memref<128x64xf32, #tpu.memory_space<vmem>>, vector<16xf32>,
      %get3A_59 = arith.index_cast %add3A_30 : i32 to index
      %get3A_60 = arith.constant 48 : index
      %get3A_61 = tpu.vector_load %arg10[%get3A_59, %get3A_60] {strides = array<i32>} : memref<128x64xf32, #tpu.memory_space<vmem>>, vector<16xf32>,
      %mul3A_62 = arith.mulf %get3A_58, %get3A_61 : vector<16xf32>
      %add3A_63 = arith.addf %add3A_55, %mul3A_62 : vector<16xf32>
      %eq3A = arith.constant 0 : i32
      %eq3A_64 = vector.broadcast %eq3A : i32 to vector<16xi32>
      %eq3A_65 = arith.cmpi eq, %iota3A, %eq3A_64 : vector<16xi32>
      %reduce_sum3A = arith.constant true
      %reduce_sum3A_66 = vector.broadcast %reduce_sum3A : i1 to vector<16xi1>
      %reduce_sum3A_67 = tpu.scan <sum>, %add3A_63 masked %reduce_sum3A_66 : vector<16xf32>, vector<16xi1> -> vector<16xf32>
      %reduce_sum3A_68 = vector.extract %reduce_sum3A_67[15] : f32 from vector<16xf32>
      %broadcast_in_dim3A_69 = vector.broadcast %reduce_sum3A_68 : f32 to vector<16xf32>
      %select_n3A = arith.select %eq3A_65, %broadcast_in_dim3A_69, %broadcast_in_dim3A_26 : vector<16xi1>, vector<16xf32>
      %mul3A_70 = arith.constant 16 : i32
      %mul3A_71 = arith.muli %scan3A_25, %mul3A_70 : i32
      %add3A_72 = arith.constant 1 : i32
      %add3A_73 = arith.addi %mul3A_71, %add3A_72 : i32
      %broadcast_in_dim3A_74 = arith.constant 0.000000e+00 : f32
      %broadcast_in_dim3A_75 = vector.broadcast %broadcast_in_dim3A_74 : f32 to vector<16xf32>
      %get3A_76 = arith.index_cast %add3A_73 : i32 to index
      %get3A_77 = arith.constant 0 : index
      %get3A_78 = tpu.vector_load %arg9[%get3A_76, %get3A_77] {strides = array<i32>} : memref<128x64xf32, #tpu.memory_space<vmem>>, vector<16xf32>,
      %get3A_79 = arith.index_cast %add3A_73 : i32 to index
      %get3A_80 = arith.constant 0 : index
      %get3A_81 = tpu.vector_load %arg10[%get3A_79, %get3A_80] {strides = array<i32>} : memref<128x64xf32, #tpu.memory_space<vmem>>, vector<16xf32>,
      %mul3A_82 = arith.mulf %get3A_78, %get3A_81 : vector<16xf32>
      %add3A_83 = arith.addf %broadcast_in_dim3A_75, %mul3A_82 : vector<16xf32>
      %get3A_84 = arith.index_cast %add3A_73 : i32 to index
      %get3A_85 = arith.constant 16 : index
      %get3A_86 = tpu.vector_load %arg9[%get3A_84, %get3A_85] {strides = array<i32>} : memref<128x64xf32, #tpu.memory_space<vmem>>, vector<16xf32>,
      %get3A_87 = arith.index_cast %add3A_73 : i32 to index
      %get3A_88 = arith.constant 16 : index
      %get3A_89 = tpu.vector_load %arg10[%get3A_87, %get3A_88] {strides = array<i32>} : memref<128x64xf32, #tpu.memory_space<vmem>>, vector<16xf32>,
      %mul3A_90 = arith.mulf %get3A_86, %get3A_89 : vector<16xf32>
      %add3A_91 = arith.addf %add3A_83, %mul3A_90 : vector<16xf32>
      %get3A_92 = arith.index_cast %add3A_73 : i32 to index
      %get3A_93 = arith.constant 32 : index
      %get3A_94 = tpu.vector_load %arg9[%get3A_92, %get3A_93] {strides = array<i32>} : memref<128x64xf32, #tpu.memory_space<vmem>>, vector<16xf32>,
      %get3A_95 = arith.index_cast %add3A_73 : i32 to index
      %get3A_96 = arith.constant 32 : index
      %get3A_97 = tpu.vector_load %arg10[%get3A_95, %get3A_96] {strides = array<i32>} : memref<128x64xf32, #tpu.memory_space<vmem>>, vector<16xf32>,
      %mul3A_98 = arith.mulf %get3A_94, %get3A_97 : vector<16xf32>
      %add3A_99 = arith.addf %add3A_91, %mul3A_98 : vector<16xf32>
      %get3A_100 = arith.index_cast %add3A_73 : i32 to index
      %get3A_101 = arith.constant 48 : index
      %get3A_102 = tpu.vector_load %arg9[%get3A_100, %get3A_101] {strides = array<i32>} : memref<128x64xf32, #tpu.memory_space<vmem>>, vector<16xf32>,
      %get3A_103 = arith.index_cast %add3A_73 : i32 to index
      %get3A_104 = arith.constant 48 : index
      %get3A_105 = tpu.vector_load %arg10[%get3A_103, %get3A_104] {strides = array<i32>} : memref<128x64xf32, #tpu.memory_space<vmem>>, vector<16xf32>,
      %mul3A_106 = arith.mulf %get3A_102, %get3A_105 : vector<16xf32>
      %add3A_107 = arith.addf %add3A_99, %mul3A_106 : vector<16xf32>
      %eq3A_108 = arith.constant 1 : i32
      %eq3A_109 = vector.broadcast %eq3A_108 : i32 to vector<16xi32>
      %eq3A_110 = arith.cmpi eq, %iota3A, %eq3A_109 : vector<16xi32>
      %reduce_sum3A_111 = arith.constant true
      %reduce_sum3A_112 = vector.broadcast %reduce_sum3A_111 : i1 to vector<16xi1>
      %reduce_sum3A_113 = tpu.scan <sum>, %add3A_107 masked %reduce_sum3A_112 : vector<16xf32>, vector<16xi1> -> vector<16xf32>
      %reduce_sum3A_114 = vector.extract %reduce_sum3A_113[15] : f32 from vector<16xf32>
      %broadcast_in_dim3A_115 = vector.broadcast %reduce_sum3A_114 : f32 to vector<16xf32>
      %select_n3A_116 = arith.select %eq3A_110, %broadcast_in_dim3A_115, %select_n3A : vector<16xi1>, vector<16xf32>
      %mul3A_117 = arith.constant 16 : i32
      %mul3A_118 = arith.muli %scan3A_25, %mul3A_117 : i32
      %add3A_119 = arith.constant 2 : i32
      %add3A_120 = arith.addi %mul3A_118, %add3A_119 : i32
      %broadcast_in_dim3A_121 = arith.constant 0.000000e+00 : f32
      %broadcast_in_dim3A_122 = vector.broadcast %broadcast_in_dim3A_121 : f32 to vector<16xf32>
      %get3A_123 = arith.index_cast %add3A_120 : i32 to index
      %get3A_124 = arith.constant 0 : index
      %get3A_125 = tpu.vector_load %arg9[%get3A_123, %get3A_124] {strides = array<i32>} : memref<128x64xf32, #tpu.memory_space<vmem>>, vector<16xf32>,
      %get3A_126 = arith.index_cast %add3A_120 : i32 to index
      %get3A_127 = arith.constant 0 : index
      %get3A_128 = tpu.vector_load %arg10[%get3A_126, %get3A_127] {strides = array<i32>} : memref<128x64xf32, #tpu.memory_space<vmem>>, vector<16xf32>,
      %mul3A_129 = arith.mulf %get3A_125, %get3A_128 : vector<16xf32>
      %add3A_130 = arith.addf %broadcast_in_dim3A_122, %mul3A_129 : vector<16xf32>
      %get3A_131 = arith.index_cast %add3A_120 : i32 to index
      %get3A_132 = arith.constant 16 : index
      %get3A_133 = tpu.vector_load %arg9[%get3A_131, %get3A_132] {strides = array<i32>} : memref<128x64xf32, #tpu.memory_space<vmem>>, vector<16xf32>,
      %get3A_134 = arith.index_cast %add3A_120 : i32 to index
      %get3A_135 = arith.constant 16 : index
      %get3A_136 = tpu.vector_load %arg10[%get3A_134, %get3A_135] {strides = array<i32>} : memref<128x64xf32, #tpu.memory_space<vmem>>, vector<16xf32>,
      %mul3A_137 = arith.mulf %get3A_133, %get3A_136 : vector<16xf32>
      %add3A_138 = arith.addf %add3A_130, %mul3A_137 : vector<16xf32>
      %get3A_139 = arith.index_cast %add3A_120 : i32 to index
      %get3A_140 = arith.constant 32 : index
      %get3A_141 = tpu.vector_load %arg9[%get3A_139, %get3A_140] {strides = array<i32>} : memref<128x64xf32, #tpu.memory_space<vmem>>, vector<16xf32>,
      %get3A_142 = arith.index_cast %add3A_120 : i32 to index
      %get3A_143 = arith.constant 32 : index
      %get3A_144 = tpu.vector_load %arg10[%get3A_142, %get3A_143] {strides = array<i32>} : memref<128x64xf32, #tpu.memory_space<vmem>>, vector<16xf32>,
      %mul3A_145 = arith.mulf %get3A_141, %get3A_144 : vector<16xf32>
      %add3A_146 = arith.addf %add3A_138, %mul3A_145 : vector<16xf32>
      %get3A_147 = arith.index_cast %add3A_120 : i32 to index
      %get3A_148 = arith.constant 48 : index
      %get3A_149 = tpu.vector_load %arg9[%get3A_147, %get3A_148] {strides = array<i32>} : memref<128x64xf32, #tpu.memory_space<vmem>>, vector<16xf32>,
      %get3A_150 = arith.index_cast %add3A_120 : i32 to index
      %get3A_151 = arith.constant 48 : index
      %get3A_152 = tpu.vector_load %arg10[%get3A_150, %get3A_151] {strides = array<i32>} : memref<128x64xf32, #tpu.memory_space<vmem>>, vector<16xf32>,
      %mul3A_153 = arith.mulf %get3A_149, %get3A_152 : vector<16xf32>
      %add3A_154 = arith.addf %add3A_146, %mul3A_153 : vector<16xf32>
      %eq3A_155 = arith.constant 2 : i32
      %eq3A_156 = vector.broadcast %eq3A_155 : i32 to vector<16xi32>
      %eq3A_157 = arith.cmpi eq, %iota3A, %eq3A_156 : vector<16xi32>
      %reduce_sum3A_158 = arith.constant true
      %reduce_sum3A_159 = vector.broadcast %reduce_sum3A_158 : i1 to vector<16xi1>
      %reduce_sum3A_160 = tpu.scan <sum>, %add3A_154 masked %reduce_sum3A_159 : vector<16xf32>, vector<16xi1> -> vector<16xf32>
      %reduce_sum3A_161 = vector.extract %reduce_sum3A_160[15] : f32 from vector<16xf32>
      %broadcast_in_dim3A_162 = vector.broadcast %reduce_sum3A_161 : f32 to vector<16xf32>
      %select_n3A_163 = arith.select %eq3A_157, %broadcast_in_dim3A_162, %select_n3A_116 : vector<16xi1>, vector<16xf32>
      %mul3A_164 = arith.constant 16 : i32
      %mul3A_165 = arith.muli %scan3A_25, %mul3A_164 : i32
      %add3A_166 = arith.constant 3 : i32
      %add3A_167 = arith.addi %mul3A_165, %add3A_166 : i32
      %broadcast_in_dim3A_168 = arith.constant 0.000000e+00 : f32
      %broadcast_in_dim3A_169 = vector.broadcast %broadcast_in_dim3A_168 : f32 to vector<16xf32>
      %get3A_170 = arith.index_cast %add3A_167 : i32 to index
      %get3A_171 = arith.constant 0 : index
      %get3A_172 = tpu.vector_load %arg9[%get3A_170, %get3A_171] {strides = array<i32>} : memref<128x64xf32, #tpu.memory_space<vmem>>, vector<16xf32>,
      %get3A_173 = arith.index_cast %add3A_167 : i32 to index
      %get3A_174 = arith.constant 0 : index
      %get3A_175 = tpu.vector_load %arg10[%get3A_173, %get3A_174] {strides = array<i32>} : memref<128x64xf32, #tpu.memory_space<vmem>>, vector<16xf32>,
      %mul3A_176 = arith.mulf %get3A_172, %get3A_175 : vector<16xf32>
      %add3A_177 = arith.addf %broadcast_in_dim3A_169, %mul3A_176 : vector<16xf32>
      %get3A_178 = arith.index_cast %add3A_167 : i32 to index
      %get3A_179 = arith.constant 16 : index
      %get3A_180 = tpu.vector_load %arg9[%get3A_178, %get3A_179] {strides = array<i32>} : memref<128x64xf32, #tpu.memory_space<vmem>>, vector<16xf32>,
      %get3A_181 = arith.index_cast %add3A_167 : i32 to index
      %get3A_182 = arith.constant 16 : index
      %get3A_183 = tpu.vector_load %arg10[%get3A_181, %get3A_182] {strides = array<i32>} : memref<128x64xf32, #tpu.memory_space<vmem>>, vector<16xf32>,
      %mul3A_184 = arith.mulf %get3A_180, %get3A_183 : vector<16xf32>
      %add3A_185 = arith.addf %add3A_177, %mul3A_184 : vector<16xf32>
      %get3A_186 = arith.index_cast %add3A_167 : i32 to index
      %get3A_187 = arith.constant 32 : index
      %get3A_188 = tpu.vector_load %arg9[%get3A_186, %get3A_187] {strides = array<i32>} : memref<128x64xf32, #tpu.memory_space<vmem>>, vector<16xf32>,
      %get3A_189 = arith.index_cast %add3A_167 : i32 to index
      %get3A_190 = arith.constant 32 : index
      %get3A_191 = tpu.vector_load %arg10[%get3A_189, %get3A_190] {strides = array<i32>} : memref<128x64xf32, #tpu.memory_space<vmem>>, vector<16xf32>,
      %mul3A_192 = arith.mulf %get3A_188, %get3A_191 : vector<16xf32>
      %add3A_193 = arith.addf %add3A_185, %mul3A_192 : vector<16xf32>
      %get3A_194 = arith.index_cast %add3A_167 : i32 to index
      %get3A_195 = arith.constant 48 : index
      %get3A_196 = tpu.vector_load %arg9[%get3A_194, %get3A_195] {strides = array<i32>} : memref<128x64xf32, #tpu.memory_space<vmem>>, vector<16xf32>,
      %get3A_197 = arith.index_cast %add3A_167 : i32 to index
      %get3A_198 = arith.constant 48 : index
      %get3A_199 = tpu.vector_load %arg10[%get3A_197, %get3A_198] {strides = array<i32>} : memref<128x64xf32, #tpu.memory_space<vmem>>, vector<16xf32>,
      %mul3A_200 = arith.mulf %get3A_196, %get3A_199 : vector<16xf32>
      %add3A_201 = arith.addf %add3A_193, %mul3A_200 : vector<16xf32>
      %eq3A_202 = arith.constant 3 : i32
      %eq3A_203 = vector.broadcast %eq3A_202 : i32 to vector<16xi32>
      %eq3A_204 = arith.cmpi eq, %iota3A, %eq3A_203 : vector<16xi32>
      %reduce_sum3A_205 = arith.constant true
      %reduce_sum3A_206 = vector.broadcast %reduce_sum3A_205 : i1 to vector<16xi1>
      %reduce_sum3A_207 = tpu.scan <sum>, %add3A_201 masked %reduce_sum3A_206 : vector<16xf32>, vector<16xi1> -> vector<16xf32>
      %reduce_sum3A_208 = vector.extract %reduce_sum3A_207[15] : f32 from vector<16xf32>
      %broadcast_in_dim3A_209 = vector.broadcast %reduce_sum3A_208 : f32 to vector<16xf32>
      %select_n3A_210 = arith.select %eq3A_204, %broadcast_in_dim3A_209, %select_n3A_163 : vector<16xi1>, vector<16xf32>
      %mul3A_211 = arith.constant 16 : i32
      %mul3A_212 = arith.muli %scan3A_25, %mul3A_211 : i32
      %add3A_213 = arith.constant 4 : i32
      %add3A_214 = arith.addi %mul3A_212, %add3A_213 : i32
      %broadcast_in_dim3A_215 = arith.constant 0.000000e+00 : f32
      %broadcast_in_dim3A_216 = vector.broadcast %broadcast_in_dim3A_215 : f32 to vector<16xf32>
      %get3A_217 = arith.index_cast %add3A_214 : i32 to index
      %get3A_218 = arith.constant 0 : index
      %get3A_219 = tpu.vector_load %arg9[%get3A_217, %get3A_218] {strides = array<i32>} : memref<128x64xf32, #tpu.memory_space<vmem>>, vector<16xf32>,
      %get3A_220 = arith.index_cast %add3A_214 : i32 to index
      %get3A_221 = arith.constant 0 : index
      %get3A_222 = tpu.vector_load %arg10[%get3A_220, %get3A_221] {strides = array<i32>} : memref<128x64xf32, #tpu.memory_space<vmem>>, vector<16xf32>,
      %mul3A_223 = arith.mulf %get3A_219, %get3A_222 : vector<16xf32>
      %add3A_224 = arith.addf %broadcast_in_dim3A_216, %mul3A_223 : vector<16xf32>
      %get3A_225 = arith.index_cast %add3A_214 : i32 to index
      %get3A_226 = arith.constant 16 : index
      %get3A_227 = tpu.vector_load %arg9[%get3A_225, %get3A_226] {strides = array<i32>} : memref<128x64xf32, #tpu.memory_space<vmem>>, vector<16xf32>,
      %get3A_228 = arith.index_cast %add3A_214 : i32 to index
      %get3A_229 = arith.constant 16 : index
      %get3A_230 = tpu.vector_load %arg10[%get3A_228, %get3A_229] {strides = array<i32>} : memref<128x64xf32, #tpu.memory_space<vmem>>, vector<16xf32>,
      %mul3A_231 = arith.mulf %get3A_227, %get3A_230 : vector<16xf32>
      %add3A_232 = arith.addf %add3A_224, %mul3A_231 : vector<16xf32>
      %get3A_233 = arith.index_cast %add3A_214 : i32 to index
      %get3A_234 = arith.constant 32 : index
      %get3A_235 = tpu.vector_load %arg9[%get3A_233, %get3A_234] {strides = array<i32>} : memref<128x64xf32, #tpu.memory_space<vmem>>, vector<16xf32>,
      %get3A_236 = arith.index_cast %add3A_214 : i32 to index
      %get3A_237 = arith.constant 32 : index
      %get3A_238 = tpu.vector_load %arg10[%get3A_236, %get3A_237] {strides = array<i32>} : memref<128x64xf32, #tpu.memory_space<vmem>>, vector<16xf32>,
      %mul3A_239 = arith.mulf %get3A_235, %get3A_238 : vector<16xf32>
      %add3A_240 = arith.addf %add3A_232, %mul3A_239 : vector<16xf32>
      %get3A_241 = arith.index_cast %add3A_214 : i32 to index
      %get3A_242 = arith.constant 48 : index
      %get3A_243 = tpu.vector_load %arg9[%get3A_241, %get3A_242] {strides = array<i32>} : memref<128x64xf32, #tpu.memory_space<vmem>>, vector<16xf32>,
      %get3A_244 = arith.index_cast %add3A_214 : i32 to index
      %get3A_245 = arith.constant 48 : index
      %get3A_246 = tpu.vector_load %arg10[%get3A_244, %get3A_245] {strides = array<i32>} : memref<128x64xf32, #tpu.memory_space<vmem>>, vector<16xf32>,
      %mul3A_247 = arith.mulf %get3A_243, %get3A_246 : vector<16xf32>
      %add3A_248 = arith.addf %add3A_240, %mul3A_247 : vector<16xf32>
      %eq3A_249 = arith.constant 4 : i32
      %eq3A_250 = vector.broadcast %eq3A_249 : i32 to vector<16xi32>
      %eq3A_251 = arith.cmpi eq, %iota3A, %eq3A_250 : vector<16xi32>
      %reduce_sum3A_252 = arith.constant true
      %reduce_sum3A_253 = vector.broadcast %reduce_sum3A_252 : i1 to vector<16xi1>
      %reduce_sum3A_254 = tpu.scan <sum>, %add3A_248 masked %reduce_sum3A_253 : vector<16xf32>, vector<16xi1> -> vector<16xf32>
      %reduce_sum3A_255 = vector.extract %reduce_sum3A_254[15] : f32 from vector<16xf32>
      %broadcast_in_dim3A_256 = vector.broadcast %reduce_sum3A_255 : f32 to vector<16xf32>
      %select_n3A_257 = arith.select %eq3A_251, %broadcast_in_dim3A_256, %select_n3A_210 : vector<16xi1>, vector<16xf32>
      %mul3A_258 = arith.constant 16 : i32
      %mul3A_259 = arith.muli %scan3A_25, %mul3A_258 : i32
      %add3A_260 = arith.constant 5 : i32
      %add3A_261 = arith.addi %mul3A_259, %add3A_260 : i32
      %broadcast_in_dim3A_262 = arith.constant 0.000000e+00 : f32
      %broadcast_in_dim3A_263 = vector.broadcast %broadcast_in_dim3A_262 : f32 to vector<16xf32>
      %get3A_264 = arith.index_cast %add3A_261 : i32 to index
      %get3A_265 = arith.constant 0 : index
      %get3A_266 = tpu.vector_load %arg9[%get3A_264, %get3A_265] {strides = array<i32>} : memref<128x64xf32, #tpu.memory_space<vmem>>, vector<16xf32>,
      %get3A_267 = arith.index_cast %add3A_261 : i32 to index
      %get3A_268 = arith.constant 0 : index
      %get3A_269 = tpu.vector_load %arg10[%get3A_267, %get3A_268] {strides = array<i32>} : memref<128x64xf32, #tpu.memory_space<vmem>>, vector<16xf32>,
      %mul3A_270 = arith.mulf %get3A_266, %get3A_269 : vector<16xf32>
      %add3A_271 = arith.addf %broadcast_in_dim3A_263, %mul3A_270 : vector<16xf32>
      %get3A_272 = arith.index_cast %add3A_261 : i32 to index
      %get3A_273 = arith.constant 16 : index
      %get3A_274 = tpu.vector_load %arg9[%get3A_272, %get3A_273] {strides = array<i32>} : memref<128x64xf32, #tpu.memory_space<vmem>>, vector<16xf32>,
      %get3A_275 = arith.index_cast %add3A_261 : i32 to index
      %get3A_276 = arith.constant 16 : index
      %get3A_277 = tpu.vector_load %arg10[%get3A_275, %get3A_276] {strides = array<i32>} : memref<128x64xf32, #tpu.memory_space<vmem>>, vector<16xf32>,
      %mul3A_278 = arith.mulf %get3A_274, %get3A_277 : vector<16xf32>
      %add3A_279 = arith.addf %add3A_271, %mul3A_278 : vector<16xf32>
      %get3A_280 = arith.index_cast %add3A_261 : i32 to index
      %get3A_281 = arith.constant 32 : index
      %get3A_282 = tpu.vector_load %arg9[%get3A_280, %get3A_281] {strides = array<i32>} : memref<128x64xf32, #tpu.memory_space<vmem>>, vector<16xf32>,
      %get3A_283 = arith.index_cast %add3A_261 : i32 to index
      %get3A_284 = arith.constant 32 : index
      %get3A_285 = tpu.vector_load %arg10[%get3A_283, %get3A_284] {strides = array<i32>} : memref<128x64xf32, #tpu.memory_space<vmem>>, vector<16xf32>,
      %mul3A_286 = arith.mulf %get3A_282, %get3A_285 : vector<16xf32>
      %add3A_287 = arith.addf %add3A_279, %mul3A_286 : vector<16xf32>
      %get3A_288 = arith.index_cast %add3A_261 : i32 to index
      %get3A_289 = arith.constant 48 : index
      %get3A_290 = tpu.vector_load %arg9[%get3A_288, %get3A_289] {strides = array<i32>} : memref<128x64xf32, #tpu.memory_space<vmem>>, vector<16xf32>,
      %get3A_291 = arith.index_cast %add3A_261 : i32 to index
      %get3A_292 = arith.constant 48 : index
      %get3A_293 = tpu.vector_load %arg10[%get3A_291, %get3A_292] {strides = array<i32>} : memref<128x64xf32, #tpu.memory_space<vmem>>, vector<16xf32>,
      %mul3A_294 = arith.mulf %get3A_290, %get3A_293 : vector<16xf32>
      %add3A_295 = arith.addf %add3A_287, %mul3A_294 : vector<16xf32>
      %eq3A_296 = arith.constant 5 : i32
      %eq3A_297 = vector.broadcast %eq3A_296 : i32 to vector<16xi32>
      %eq3A_298 = arith.cmpi eq, %iota3A, %eq3A_297 : vector<16xi32>
      %reduce_sum3A_299 = arith.constant true
      %reduce_sum3A_300 = vector.broadcast %reduce_sum3A_299 : i1 to vector<16xi1>
      %reduce_sum3A_301 = tpu.scan <sum>, %add3A_295 masked %reduce_sum3A_300 : vector<16xf32>, vector<16xi1> -> vector<16xf32>
      %reduce_sum3A_302 = vector.extract %reduce_sum3A_301[15] : f32 from vector<16xf32>
      %broadcast_in_dim3A_303 = vector.broadcast %reduce_sum3A_302 : f32 to vector<16xf32>
      %select_n3A_304 = arith.select %eq3A_298, %broadcast_in_dim3A_303, %select_n3A_257 : vector<16xi1>, vector<16xf32>
      %mul3A_305 = arith.constant 16 : i32
      %mul3A_306 = arith.muli %scan3A_25, %mul3A_305 : i32
      %add3A_307 = arith.constant 6 : i32
      %add3A_308 = arith.addi %mul3A_306, %add3A_307 : i32
      %broadcast_in_dim3A_309 = arith.constant 0.000000e+00 : f32
      %broadcast_in_dim3A_310 = vector.broadcast %broadcast_in_dim3A_309 : f32 to vector<16xf32>
      %get3A_311 = arith.index_cast %add3A_308 : i32 to index
      %get3A_312 = arith.constant 0 : index
      %get3A_313 = tpu.vector_load %arg9[%get3A_311, %get3A_312] {strides = array<i32>} : memref<128x64xf32, #tpu.memory_space<vmem>>, vector<16xf32>,
      %get3A_314 = arith.index_cast %add3A_308 : i32 to index
      %get3A_315 = arith.constant 0 : index
      %get3A_316 = tpu.vector_load %arg10[%get3A_314, %get3A_315] {strides = array<i32>} : memref<128x64xf32, #tpu.memory_space<vmem>>, vector<16xf32>,
      %mul3A_317 = arith.mulf %get3A_313, %get3A_316 : vector<16xf32>
      %add3A_318 = arith.addf %broadcast_in_dim3A_310, %mul3A_317 : vector<16xf32>
      %get3A_319 = arith.index_cast %add3A_308 : i32 to index
      %get3A_320 = arith.constant 16 : index
      %get3A_321 = tpu.vector_load %arg9[%get3A_319, %get3A_320] {strides = array<i32>} : memref<128x64xf32, #tpu.memory_space<vmem>>, vector<16xf32>,
      %get3A_322 = arith.index_cast %add3A_308 : i32 to index
      %get3A_323 = arith.constant 16 : index
      %get3A_324 = tpu.vector_load %arg10[%get3A_322, %get3A_323] {strides = array<i32>} : memref<128x64xf32, #tpu.memory_space<vmem>>, vector<16xf32>,
      %mul3A_325 = arith.mulf %get3A_321, %get3A_324 : vector<16xf32>
      %add3A_326 = arith.addf %add3A_318, %mul3A_325 : vector<16xf32>
      %get3A_327 = arith.index_cast %add3A_308 : i32 to index
      %get3A_328 = arith.constant 32 : index
      %get3A_329 = tpu.vector_load %arg9[%get3A_327, %get3A_328] {strides = array<i32>} : memref<128x64xf32, #tpu.memory_space<vmem>>, vector<16xf32>,
      %get3A_330 = arith.index_cast %add3A_308 : i32 to index
      %get3A_331 = arith.constant 32 : index
      %get3A_332 = tpu.vector_load %arg10[%get3A_330, %get3A_331] {strides = array<i32>} : memref<128x64xf32, #tpu.memory_space<vmem>>, vector<16xf32>,
      %mul3A_333 = arith.mulf %get3A_329, %get3A_332 : vector<16xf32>
      %add3A_334 = arith.addf %add3A_326, %mul3A_333 : vector<16xf32>
      %get3A_335 = arith.index_cast %add3A_308 : i32 to index
      %get3A_336 = arith.constant 48 : index
      %get3A_337 = tpu.vector_load %arg9[%get3A_335, %get3A_336] {strides = array<i32>} : memref<128x64xf32, #tpu.memory_space<vmem>>, vector<16xf32>,
      %get3A_338 = arith.index_cast %add3A_308 : i32 to index
      %get3A_339 = arith.constant 48 : index
      %get3A_340 = tpu.vector_load %arg10[%get3A_338, %get3A_339] {strides = array<i32>} : memref<128x64xf32, #tpu.memory_space<vmem>>, vector<16xf32>,
      %mul3A_341 = arith.mulf %get3A_337, %get3A_340 : vector<16xf32>
      %add3A_342 = arith.addf %add3A_334, %mul3A_341 : vector<16xf32>
      %eq3A_343 = arith.constant 6 : i32
      %eq3A_344 = vector.broadcast %eq3A_343 : i32 to vector<16xi32>
      %eq3A_345 = arith.cmpi eq, %iota3A, %eq3A_344 : vector<16xi32>
      %reduce_sum3A_346 = arith.constant true
      %reduce_sum3A_347 = vector.broadcast %reduce_sum3A_346 : i1 to vector<16xi1>
      %reduce_sum3A_348 = tpu.scan <sum>, %add3A_342 masked %reduce_sum3A_347 : vector<16xf32>, vector<16xi1> -> vector<16xf32>
      %reduce_sum3A_349 = vector.extract %reduce_sum3A_348[15] : f32 from vector<16xf32>
      %broadcast_in_dim3A_350 = vector.broadcast %reduce_sum3A_349 : f32 to vector<16xf32>
      %select_n3A_351 = arith.select %eq3A_345, %broadcast_in_dim3A_350, %select_n3A_304 : vector<16xi1>, vector<16xf32>
      %mul3A_352 = arith.constant 16 : i32
      %mul3A_353 = arith.muli %scan3A_25, %mul3A_352 : i32
      %add3A_354 = arith.constant 7 : i32
      %add3A_355 = arith.addi %mul3A_353, %add3A_354 : i32
      %broadcast_in_dim3A_356 = arith.constant 0.000000e+00 : f32
      %broadcast_in_dim3A_357 = vector.broadcast %broadcast_in_dim3A_356 : f32 to vector<16xf32>
      %get3A_358 = arith.index_cast %add3A_355 : i32 to index
      %get3A_359 = arith.constant 0 : index
      %get3A_360 = tpu.vector_load %arg9[%get3A_358, %get3A_359] {strides = array<i32>} : memref<128x64xf32, #tpu.memory_space<vmem>>, vector<16xf32>,
      %get3A_361 = arith.index_cast %add3A_355 : i32 to index
      %get3A_362 = arith.constant 0 : index
      %get3A_363 = tpu.vector_load %arg10[%get3A_361, %get3A_362] {strides = array<i32>} : memref<128x64xf32, #tpu.memory_space<vmem>>, vector<16xf32>,
      %mul3A_364 = arith.mulf %get3A_360, %get3A_363 : vector<16xf32>
      %add3A_365 = arith.addf %broadcast_in_dim3A_357, %mul3A_364 : vector<16xf32>
      %get3A_366 = arith.index_cast %add3A_355 : i32 to index
      %get3A_367 = arith.constant 16 : index
      %get3A_368 = tpu.vector_load %arg9[%get3A_366, %get3A_367] {strides = array<i32>} : memref<128x64xf32, #tpu.memory_space<vmem>>, vector<16xf32>,
      %get3A_369 = arith.index_cast %add3A_355 : i32 to index
      %get3A_370 = arith.constant 16 : index
      %get3A_371 = tpu.vector_load %arg10[%get3A_369, %get3A_370] {strides = array<i32>} : memref<128x64xf32, #tpu.memory_space<vmem>>, vector<16xf32>,
      %mul3A_372 = arith.mulf %get3A_368, %get3A_371 : vector<16xf32>
      %add3A_373 = arith.addf %add3A_365, %mul3A_372 : vector<16xf32>
      %get3A_374 = arith.index_cast %add3A_355 : i32 to index
      %get3A_375 = arith.constant 32 : index
      %get3A_376 = tpu.vector_load %arg9[%get3A_374, %get3A_375] {strides = array<i32>} : memref<128x64xf32, #tpu.memory_space<vmem>>, vector<16xf32>,
      %get3A_377 = arith.index_cast %add3A_355 : i32 to index
      %get3A_378 = arith.constant 32 : index
      %get3A_379 = tpu.vector_load %arg10[%get3A_377, %get3A_378] {strides = array<i32>} : memref<128x64xf32, #tpu.memory_space<vmem>>, vector<16xf32>,
      %mul3A_380 = arith.mulf %get3A_376, %get3A_379 : vector<16xf32>
      %add3A_381 = arith.addf %add3A_373, %mul3A_380 : vector<16xf32>
      %get3A_382 = arith.index_cast %add3A_355 : i32 to index
      %get3A_383 = arith.constant 48 : index
      %get3A_384 = tpu.vector_load %arg9[%get3A_382, %get3A_383] {strides = array<i32>} : memref<128x64xf32, #tpu.memory_space<vmem>>, vector<16xf32>,
      %get3A_385 = arith.index_cast %add3A_355 : i32 to index
      %get3A_386 = arith.constant 48 : index
      %get3A_387 = tpu.vector_load %arg10[%get3A_385, %get3A_386] {strides = array<i32>} : memref<128x64xf32, #tpu.memory_space<vmem>>, vector<16xf32>,
      %mul3A_388 = arith.mulf %get3A_384, %get3A_387 : vector<16xf32>
      %add3A_389 = arith.addf %add3A_381, %mul3A_388 : vector<16xf32>
      %eq3A_390 = arith.constant 7 : i32
      %eq3A_391 = vector.broadcast %eq3A_390 : i32 to vector<16xi32>
      %eq3A_392 = arith.cmpi eq, %iota3A, %eq3A_391 : vector<16xi32>
      %reduce_sum3A_393 = arith.constant true
      %reduce_sum3A_394 = vector.broadcast %reduce_sum3A_393 : i1 to vector<16xi1>
      %reduce_sum3A_395 = tpu.scan <sum>, %add3A_389 masked %reduce_sum3A_394 : vector<16xf32>, vector<16xi1> -> vector<16xf32>
      %reduce_sum3A_396 = vector.extract %reduce_sum3A_395[15] : f32 from vector<16xf32>
      %broadcast_in_dim3A_397 = vector.broadcast %reduce_sum3A_396 : f32 to vector<16xf32>
      %select_n3A_398 = arith.select %eq3A_392, %broadcast_in_dim3A_397, %select_n3A_351 : vector<16xi1>, vector<16xf32>
      %mul3A_399 = arith.constant 16 : i32
      %mul3A_400 = arith.muli %scan3A_25, %mul3A_399 : i32
      %add3A_401 = arith.constant 8 : i32
      %add3A_402 = arith.addi %mul3A_400, %add3A_401 : i32
      %broadcast_in_dim3A_403 = arith.constant 0.000000e+00 : f32
      %broadcast_in_dim3A_404 = vector.broadcast %broadcast_in_dim3A_403 : f32 to vector<16xf32>
      %get3A_405 = arith.index_cast %add3A_402 : i32 to index
      %get3A_406 = arith.constant 0 : index
      %get3A_407 = tpu.vector_load %arg9[%get3A_405, %get3A_406] {strides = array<i32>} : memref<128x64xf32, #tpu.memory_space<vmem>>, vector<16xf32>,
      %get3A_408 = arith.index_cast %add3A_402 : i32 to index
      %get3A_409 = arith.constant 0 : index
      %get3A_410 = tpu.vector_load %arg10[%get3A_408, %get3A_409] {strides = array<i32>} : memref<128x64xf32, #tpu.memory_space<vmem>>, vector<16xf32>,
      %mul3A_411 = arith.mulf %get3A_407, %get3A_410 : vector<16xf32>
      %add3A_412 = arith.addf %broadcast_in_dim3A_404, %mul3A_411 : vector<16xf32>
      %get3A_413 = arith.index_cast %add3A_402 : i32 to index
      %get3A_414 = arith.constant 16 : index
      %get3A_415 = tpu.vector_load %arg9[%get3A_413, %get3A_414] {strides = array<i32>} : memref<128x64xf32, #tpu.memory_space<vmem>>, vector<16xf32>,
      %get3A_416 = arith.index_cast %add3A_402 : i32 to index
      %get3A_417 = arith.constant 16 : index
      %get3A_418 = tpu.vector_load %arg10[%get3A_416, %get3A_417] {strides = array<i32>} : memref<128x64xf32, #tpu.memory_space<vmem>>, vector<16xf32>,
      %mul3A_419 = arith.mulf %get3A_415, %get3A_418 : vector<16xf32>
      %add3A_420 = arith.addf %add3A_412, %mul3A_419 : vector<16xf32>
      %get3A_421 = arith.index_cast %add3A_402 : i32 to index
      %get3A_422 = arith.constant 32 : index
      %get3A_423 = tpu.vector_load %arg9[%get3A_421, %get3A_422] {strides = array<i32>} : memref<128x64xf32, #tpu.memory_space<vmem>>, vector<16xf32>,
      %get3A_424 = arith.index_cast %add3A_402 : i32 to index
      %get3A_425 = arith.constant 32 : index
      %get3A_426 = tpu.vector_load %arg10[%get3A_424, %get3A_425] {strides = array<i32>} : memref<128x64xf32, #tpu.memory_space<vmem>>, vector<16xf32>,
      %mul3A_427 = arith.mulf %get3A_423, %get3A_426 : vector<16xf32>
      %add3A_428 = arith.addf %add3A_420, %mul3A_427 : vector<16xf32>
      %get3A_429 = arith.index_cast %add3A_402 : i32 to index
      %get3A_430 = arith.constant 48 : index
      %get3A_431 = tpu.vector_load %arg9[%get3A_429, %get3A_430] {strides = array<i32>} : memref<128x64xf32, #tpu.memory_space<vmem>>, vector<16xf32>,
      %get3A_432 = arith.index_cast %add3A_402 : i32 to index
      %get3A_433 = arith.constant 48 : index
      %get3A_434 = tpu.vector_load %arg10[%get3A_432, %get3A_433] {strides = array<i32>} : memref<128x64xf32, #tpu.memory_space<vmem>>, vector<16xf32>,
      %mul3A_435 = arith.mulf %get3A_431, %get3A_434 : vector<16xf32>
      %add3A_436 = arith.addf %add3A_428, %mul3A_435 : vector<16xf32>
      %eq3A_437 = arith.constant 8 : i32
      %eq3A_438 = vector.broadcast %eq3A_437 : i32 to vector<16xi32>
      %eq3A_439 = arith.cmpi eq, %iota3A, %eq3A_438 : vector<16xi32>
      %reduce_sum3A_440 = arith.constant true
      %reduce_sum3A_441 = vector.broadcast %reduce_sum3A_440 : i1 to vector<16xi1>
      %reduce_sum3A_442 = tpu.scan <sum>, %add3A_436 masked %reduce_sum3A_441 : vector<16xf32>, vector<16xi1> -> vector<16xf32>
      %reduce_sum3A_443 = vector.extract %reduce_sum3A_442[15] : f32 from vector<16xf32>
      %broadcast_in_dim3A_444 = vector.broadcast %reduce_sum3A_443 : f32 to vector<16xf32>
      %select_n3A_445 = arith.select %eq3A_439, %broadcast_in_dim3A_444, %select_n3A_398 : vector<16xi1>, vector<16xf32>
      %mul3A_446 = arith.constant 16 : i32
      %mul3A_447 = arith.muli %scan3A_25, %mul3A_446 : i32
      %add3A_448 = arith.constant 9 : i32
      %add3A_449 = arith.addi %mul3A_447, %add3A_448 : i32
      %broadcast_in_dim3A_450 = arith.constant 0.000000e+00 : f32
      %broadcast_in_dim3A_451 = vector.broadcast %broadcast_in_dim3A_450 : f32 to vector<16xf32>
      %get3A_452 = arith.index_cast %add3A_449 : i32 to index
      %get3A_453 = arith.constant 0 : index
      %get3A_454 = tpu.vector_load %arg9[%get3A_452, %get3A_453] {strides = array<i32>} : memref<128x64xf32, #tpu.memory_space<vmem>>, vector<16xf32>,
      %get3A_455 = arith.index_cast %add3A_449 : i32 to index
      %get3A_456 = arith.constant 0 : index
      %get3A_457 = tpu.vector_load %arg10[%get3A_455, %get3A_456] {strides = array<i32>} : memref<128x64xf32, #tpu.memory_space<vmem>>, vector<16xf32>,
      %mul3A_458 = arith.mulf %get3A_454, %get3A_457 : vector<16xf32>
      %add3A_459 = arith.addf %broadcast_in_dim3A_451, %mul3A_458 : vector<16xf32>
      %get3A_460 = arith.index_cast %add3A_449 : i32 to index
      %get3A_461 = arith.constant 16 : index
      %get3A_462 = tpu.vector_load %arg9[%get3A_460, %get3A_461] {strides = array<i32>} : memref<128x64xf32, #tpu.memory_space<vmem>>, vector<16xf32>,
      %get3A_463 = arith.index_cast %add3A_449 : i32 to index
      %get3A_464 = arith.constant 16 : index
      %get3A_465 = tpu.vector_load %arg10[%get3A_463, %get3A_464] {strides = array<i32>} : memref<128x64xf32, #tpu.memory_space<vmem>>, vector<16xf32>,
      %mul3A_466 = arith.mulf %get3A_462, %get3A_465 : vector<16xf32>
      %add3A_467 = arith.addf %add3A_459, %mul3A_466 : vector<16xf32>
      %get3A_468 = arith.index_cast %add3A_449 : i32 to index
      %get3A_469 = arith.constant 32 : index
      %get3A_470 = tpu.vector_load %arg9[%get3A_468, %get3A_469] {strides = array<i32>} : memref<128x64xf32, #tpu.memory_space<vmem>>, vector<16xf32>,
      %get3A_471 = arith.index_cast %add3A_449 : i32 to index
      %get3A_472 = arith.constant 32 : index
      %get3A_473 = tpu.vector_load %arg10[%get3A_471, %get3A_472] {strides = array<i32>} : memref<128x64xf32, #tpu.memory_space<vmem>>, vector<16xf32>,
      %mul3A_474 = arith.mulf %get3A_470, %get3A_473 : vector<16xf32>
      %add3A_475 = arith.addf %add3A_467, %mul3A_474 : vector<16xf32>
      %get3A_476 = arith.index_cast %add3A_449 : i32 to index
      %get3A_477 = arith.constant 48 : index
      %get3A_478 = tpu.vector_load %arg9[%get3A_476, %get3A_477] {strides = array<i32>} : memref<128x64xf32, #tpu.memory_space<vmem>>, vector<16xf32>,
      %get3A_479 = arith.index_cast %add3A_449 : i32 to index
      %get3A_480 = arith.constant 48 : index
      %get3A_481 = tpu.vector_load %arg10[%get3A_479, %get3A_480] {strides = array<i32>} : memref<128x64xf32, #tpu.memory_space<vmem>>, vector<16xf32>,
      %mul3A_482 = arith.mulf %get3A_478, %get3A_481 : vector<16xf32>
      %add3A_483 = arith.addf %add3A_475, %mul3A_482 : vector<16xf32>
      %eq3A_484 = arith.constant 9 : i32
      %eq3A_485 = vector.broadcast %eq3A_484 : i32 to vector<16xi32>
      %eq3A_486 = arith.cmpi eq, %iota3A, %eq3A_485 : vector<16xi32>
      %reduce_sum3A_487 = arith.constant true
      %reduce_sum3A_488 = vector.broadcast %reduce_sum3A_487 : i1 to vector<16xi1>
      %reduce_sum3A_489 = tpu.scan <sum>, %add3A_483 masked %reduce_sum3A_488 : vector<16xf32>, vector<16xi1> -> vector<16xf32>
      %reduce_sum3A_490 = vector.extract %reduce_sum3A_489[15] : f32 from vector<16xf32>
      %broadcast_in_dim3A_491 = vector.broadcast %reduce_sum3A_490 : f32 to vector<16xf32>
      %select_n3A_492 = arith.select %eq3A_486, %broadcast_in_dim3A_491, %select_n3A_445 : vector<16xi1>, vector<16xf32>
      %mul3A_493 = arith.constant 16 : i32
      %mul3A_494 = arith.muli %scan3A_25, %mul3A_493 : i32
      %add3A_495 = arith.constant 10 : i32
      %add3A_496 = arith.addi %mul3A_494, %add3A_495 : i32
      %broadcast_in_dim3A_497 = arith.constant 0.000000e+00 : f32
      %broadcast_in_dim3A_498 = vector.broadcast %broadcast_in_dim3A_497 : f32 to vector<16xf32>
      %get3A_499 = arith.index_cast %add3A_496 : i32 to index
      %get3A_500 = arith.constant 0 : index
      %get3A_501 = tpu.vector_load %arg9[%get3A_499, %get3A_500] {strides = array<i32>} : memref<128x64xf32, #tpu.memory_space<vmem>>, vector<16xf32>,
      %get3A_502 = arith.index_cast %add3A_496 : i32 to index
      %get3A_503 = arith.constant 0 : index
      %get3A_504 = tpu.vector_load %arg10[%get3A_502, %get3A_503] {strides = array<i32>} : memref<128x64xf32, #tpu.memory_space<vmem>>, vector<16xf32>,
      %mul3A_505 = arith.mulf %get3A_501, %get3A_504 : vector<16xf32>
      %add3A_506 = arith.addf %broadcast_in_dim3A_498, %mul3A_505 : vector<16xf32>
      %get3A_507 = arith.index_cast %add3A_496 : i32 to index
      %get3A_508 = arith.constant 16 : index
      %get3A_509 = tpu.vector_load %arg9[%get3A_507, %get3A_508] {strides = array<i32>} : memref<128x64xf32, #tpu.memory_space<vmem>>, vector<16xf32>,
      %get3A_510 = arith.index_cast %add3A_496 : i32 to index
      %get3A_511 = arith.constant 16 : index
      %get3A_512 = tpu.vector_load %arg10[%get3A_510, %get3A_511] {strides = array<i32>} : memref<128x64xf32, #tpu.memory_space<vmem>>, vector<16xf32>,
      %mul3A_513 = arith.mulf %get3A_509, %get3A_512 : vector<16xf32>
      %add3A_514 = arith.addf %add3A_506, %mul3A_513 : vector<16xf32>
      %get3A_515 = arith.index_cast %add3A_496 : i32 to index
      %get3A_516 = arith.constant 32 : index
      %get3A_517 = tpu.vector_load %arg9[%get3A_515, %get3A_516] {strides = array<i32>} : memref<128x64xf32, #tpu.memory_space<vmem>>, vector<16xf32>,
      %get3A_518 = arith.index_cast %add3A_496 : i32 to index
      %get3A_519 = arith.constant 32 : index
      %get3A_520 = tpu.vector_load %arg10[%get3A_518, %get3A_519] {strides = array<i32>} : memref<128x64xf32, #tpu.memory_space<vmem>>, vector<16xf32>,
      %mul3A_521 = arith.mulf %get3A_517, %get3A_520 : vector<16xf32>
      %add3A_522 = arith.addf %add3A_514, %mul3A_521 : vector<16xf32>
      %get3A_523 = arith.index_cast %add3A_496 : i32 to index
      %get3A_524 = arith.constant 48 : index
      %get3A_525 = tpu.vector_load %arg9[%get3A_523, %get3A_524] {strides = array<i32>} : memref<128x64xf32, #tpu.memory_space<vmem>>, vector<16xf32>,
      %get3A_526 = arith.index_cast %add3A_496 : i32 to index
      %get3A_527 = arith.constant 48 : index
      %get3A_528 = tpu.vector_load %arg10[%get3A_526, %get3A_527] {strides = array<i32>} : memref<128x64xf32, #tpu.memory_space<vmem>>, vector<16xf32>,
      %mul3A_529 = arith.mulf %get3A_525, %get3A_528 : vector<16xf32>
      %add3A_530 = arith.addf %add3A_522, %mul3A_529 : vector<16xf32>
      %eq3A_531 = arith.constant 10 : i32
      %eq3A_532 = vector.broadcast %eq3A_531 : i32 to vector<16xi32>
      %eq3A_533 = arith.cmpi eq, %iota3A, %eq3A_532 : vector<16xi32>
      %reduce_sum3A_534 = arith.constant true
      %reduce_sum3A_535 = vector.broadcast %reduce_sum3A_534 : i1 to vector<16xi1>
      %reduce_sum3A_536 = tpu.scan <sum>, %add3A_530 masked %reduce_sum3A_535 : vector<16xf32>, vector<16xi1> -> vector<16xf32>
      %reduce_sum3A_537 = vector.extract %reduce_sum3A_536[15] : f32 from vector<16xf32>
      %broadcast_in_dim3A_538 = vector.broadcast %reduce_sum3A_537 : f32 to vector<16xf32>
      %select_n3A_539 = arith.select %eq3A_533, %broadcast_in_dim3A_538, %select_n3A_492 : vector<16xi1>, vector<16xf32>
      %mul3A_540 = arith.constant 16 : i32
      %mul3A_541 = arith.muli %scan3A_25, %mul3A_540 : i32
      %add3A_542 = arith.constant 11 : i32
      %add3A_543 = arith.addi %mul3A_541, %add3A_542 : i32
      %broadcast_in_dim3A_544 = arith.constant 0.000000e+00 : f32
      %broadcast_in_dim3A_545 = vector.broadcast %broadcast_in_dim3A_544 : f32 to vector<16xf32>
      %get3A_546 = arith.index_cast %add3A_543 : i32 to index
      %get3A_547 = arith.constant 0 : index
      %get3A_548 = tpu.vector_load %arg9[%get3A_546, %get3A_547] {strides = array<i32>} : memref<128x64xf32, #tpu.memory_space<vmem>>, vector<16xf32>,
      %get3A_549 = arith.index_cast %add3A_543 : i32 to index
      %get3A_550 = arith.constant 0 : index
      %get3A_551 = tpu.vector_load %arg10[%get3A_549, %get3A_550] {strides = array<i32>} : memref<128x64xf32, #tpu.memory_space<vmem>>, vector<16xf32>,
      %mul3A_552 = arith.mulf %get3A_548, %get3A_551 : vector<16xf32>
      %add3A_553 = arith.addf %broadcast_in_dim3A_545, %mul3A_552 : vector<16xf32>
      %get3A_554 = arith.index_cast %add3A_543 : i32 to index
      %get3A_555 = arith.constant 16 : index
      %get3A_556 = tpu.vector_load %arg9[%get3A_554, %get3A_555] {strides = array<i32>} : memref<128x64xf32, #tpu.memory_space<vmem>>, vector<16xf32>,
      %get3A_557 = arith.index_cast %add3A_543 : i32 to index
      %get3A_558 = arith.constant 16 : index
      %get3A_559 = tpu.vector_load %arg10[%get3A_557, %get3A_558] {strides = array<i32>} : memref<128x64xf32, #tpu.memory_space<vmem>>, vector<16xf32>,
      %mul3A_560 = arith.mulf %get3A_556, %get3A_559 : vector<16xf32>
      %add3A_561 = arith.addf %add3A_553, %mul3A_560 : vector<16xf32>
      %get3A_562 = arith.index_cast %add3A_543 : i32 to index
      %get3A_563 = arith.constant 32 : index
      %get3A_564 = tpu.vector_load %arg9[%get3A_562, %get3A_563] {strides = array<i32>} : memref<128x64xf32, #tpu.memory_space<vmem>>, vector<16xf32>,
      %get3A_565 = arith.index_cast %add3A_543 : i32 to index
      %get3A_566 = arith.constant 32 : index
      %get3A_567 = tpu.vector_load %arg10[%get3A_565, %get3A_566] {strides = array<i32>} : memref<128x64xf32, #tpu.memory_space<vmem>>, vector<16xf32>,
      %mul3A_568 = arith.mulf %get3A_564, %get3A_567 : vector<16xf32>
      %add3A_569 = arith.addf %add3A_561, %mul3A_568 : vector<16xf32>
      %get3A_570 = arith.index_cast %add3A_543 : i32 to index
      %get3A_571 = arith.constant 48 : index
      %get3A_572 = tpu.vector_load %arg9[%get3A_570, %get3A_571] {strides = array<i32>} : memref<128x64xf32, #tpu.memory_space<vmem>>, vector<16xf32>,
      %get3A_573 = arith.index_cast %add3A_543 : i32 to index
      %get3A_574 = arith.constant 48 : index
      %get3A_575 = tpu.vector_load %arg10[%get3A_573, %get3A_574] {strides = array<i32>} : memref<128x64xf32, #tpu.memory_space<vmem>>, vector<16xf32>,
      %mul3A_576 = arith.mulf %get3A_572, %get3A_575 : vector<16xf32>
      %add3A_577 = arith.addf %add3A_569, %mul3A_576 : vector<16xf32>
      %eq3A_578 = arith.constant 11 : i32
      %eq3A_579 = vector.broadcast %eq3A_578 : i32 to vector<16xi32>
      %eq3A_580 = arith.cmpi eq, %iota3A, %eq3A_579 : vector<16xi32>
      %reduce_sum3A_581 = arith.constant true
      %reduce_sum3A_582 = vector.broadcast %reduce_sum3A_581 : i1 to vector<16xi1>
      %reduce_sum3A_583 = tpu.scan <sum>, %add3A_577 masked %reduce_sum3A_582 : vector<16xf32>, vector<16xi1> -> vector<16xf32>
      %reduce_sum3A_584 = vector.extract %reduce_sum3A_583[15] : f32 from vector<16xf32>
      %broadcast_in_dim3A_585 = vector.broadcast %reduce_sum3A_584 : f32 to vector<16xf32>
      %select_n3A_586 = arith.select %eq3A_580, %broadcast_in_dim3A_585, %select_n3A_539 : vector<16xi1>, vector<16xf32>
      %mul3A_587 = arith.constant 16 : i32
      %mul3A_588 = arith.muli %scan3A_25, %mul3A_587 : i32
      %add3A_589 = arith.constant 12 : i32
      %add3A_590 = arith.addi %mul3A_588, %add3A_589 : i32
      %broadcast_in_dim3A_591 = arith.constant 0.000000e+00 : f32
      %broadcast_in_dim3A_592 = vector.broadcast %broadcast_in_dim3A_591 : f32 to vector<16xf32>
      %get3A_593 = arith.index_cast %add3A_590 : i32 to index
      %get3A_594 = arith.constant 0 : index
      %get3A_595 = tpu.vector_load %arg9[%get3A_593, %get3A_594] {strides = array<i32>} : memref<128x64xf32, #tpu.memory_space<vmem>>, vector<16xf32>,
      %get3A_596 = arith.index_cast %add3A_590 : i32 to index
      %get3A_597 = arith.constant 0 : index
      %get3A_598 = tpu.vector_load %arg10[%get3A_596, %get3A_597] {strides = array<i32>} : memref<128x64xf32, #tpu.memory_space<vmem>>, vector<16xf32>,
      %mul3A_599 = arith.mulf %get3A_595, %get3A_598 : vector<16xf32>
      %add3A_600 = arith.addf %broadcast_in_dim3A_592, %mul3A_599 : vector<16xf32>
      %get3A_601 = arith.index_cast %add3A_590 : i32 to index
      %get3A_602 = arith.constant 16 : index
      %get3A_603 = tpu.vector_load %arg9[%get3A_601, %get3A_602] {strides = array<i32>} : memref<128x64xf32, #tpu.memory_space<vmem>>, vector<16xf32>,
      %get3A_604 = arith.index_cast %add3A_590 : i32 to index
      %get3A_605 = arith.constant 16 : index
      %get3A_606 = tpu.vector_load %arg10[%get3A_604, %get3A_605] {strides = array<i32>} : memref<128x64xf32, #tpu.memory_space<vmem>>, vector<16xf32>,
      %mul3A_607 = arith.mulf %get3A_603, %get3A_606 : vector<16xf32>
      %add3A_608 = arith.addf %add3A_600, %mul3A_607 : vector<16xf32>
      %get3A_609 = arith.index_cast %add3A_590 : i32 to index
      %get3A_610 = arith.constant 32 : index
      %get3A_611 = tpu.vector_load %arg9[%get3A_609, %get3A_610] {strides = array<i32>} : memref<128x64xf32, #tpu.memory_space<vmem>>, vector<16xf32>,
      %get3A_612 = arith.index_cast %add3A_590 : i32 to index
      %get3A_613 = arith.constant 32 : index
      %get3A_614 = tpu.vector_load %arg10[%get3A_612, %get3A_613] {strides = array<i32>} : memref<128x64xf32, #tpu.memory_space<vmem>>, vector<16xf32>,
      %mul3A_615 = arith.mulf %get3A_611, %get3A_614 : vector<16xf32>
      %add3A_616 = arith.addf %add3A_608, %mul3A_615 : vector<16xf32>
      %get3A_617 = arith.index_cast %add3A_590 : i32 to index
      %get3A_618 = arith.constant 48 : index
      %get3A_619 = tpu.vector_load %arg9[%get3A_617, %get3A_618] {strides = array<i32>} : memref<128x64xf32, #tpu.memory_space<vmem>>, vector<16xf32>,
      %get3A_620 = arith.index_cast %add3A_590 : i32 to index
      %get3A_621 = arith.constant 48 : index
      %get3A_622 = tpu.vector_load %arg10[%get3A_620, %get3A_621] {strides = array<i32>} : memref<128x64xf32, #tpu.memory_space<vmem>>, vector<16xf32>,
      %mul3A_623 = arith.mulf %get3A_619, %get3A_622 : vector<16xf32>
      %add3A_624 = arith.addf %add3A_616, %mul3A_623 : vector<16xf32>
      %eq3A_625 = arith.constant 12 : i32
      %eq3A_626 = vector.broadcast %eq3A_625 : i32 to vector<16xi32>
      %eq3A_627 = arith.cmpi eq, %iota3A, %eq3A_626 : vector<16xi32>
      %reduce_sum3A_628 = arith.constant true
      %reduce_sum3A_629 = vector.broadcast %reduce_sum3A_628 : i1 to vector<16xi1>
      %reduce_sum3A_630 = tpu.scan <sum>, %add3A_624 masked %reduce_sum3A_629 : vector<16xf32>, vector<16xi1> -> vector<16xf32>
      %reduce_sum3A_631 = vector.extract %reduce_sum3A_630[15] : f32 from vector<16xf32>
      %broadcast_in_dim3A_632 = vector.broadcast %reduce_sum3A_631 : f32 to vector<16xf32>
      %select_n3A_633 = arith.select %eq3A_627, %broadcast_in_dim3A_632, %select_n3A_586 : vector<16xi1>, vector<16xf32>
      %mul3A_634 = arith.constant 16 : i32
      %mul3A_635 = arith.muli %scan3A_25, %mul3A_634 : i32
      %add3A_636 = arith.constant 13 : i32
      %add3A_637 = arith.addi %mul3A_635, %add3A_636 : i32
      %broadcast_in_dim3A_638 = arith.constant 0.000000e+00 : f32
      %broadcast_in_dim3A_639 = vector.broadcast %broadcast_in_dim3A_638 : f32 to vector<16xf32>
      %get3A_640 = arith.index_cast %add3A_637 : i32 to index
      %get3A_641 = arith.constant 0 : index
      %get3A_642 = tpu.vector_load %arg9[%get3A_640, %get3A_641] {strides = array<i32>} : memref<128x64xf32, #tpu.memory_space<vmem>>, vector<16xf32>,
      %get3A_643 = arith.index_cast %add3A_637 : i32 to index
      %get3A_644 = arith.constant 0 : index
      %get3A_645 = tpu.vector_load %arg10[%get3A_643, %get3A_644] {strides = array<i32>} : memref<128x64xf32, #tpu.memory_space<vmem>>, vector<16xf32>,
      %mul3A_646 = arith.mulf %get3A_642, %get3A_645 : vector<16xf32>
      %add3A_647 = arith.addf %broadcast_in_dim3A_639, %mul3A_646 : vector<16xf32>
      %get3A_648 = arith.index_cast %add3A_637 : i32 to index
      %get3A_649 = arith.constant 16 : index
      %get3A_650 = tpu.vector_load %arg9[%get3A_648, %get3A_649] {strides = array<i32>} : memref<128x64xf32, #tpu.memory_space<vmem>>, vector<16xf32>,
      %get3A_651 = arith.index_cast %add3A_637 : i32 to index
      %get3A_652 = arith.constant 16 : index
      %get3A_653 = tpu.vector_load %arg10[%get3A_651, %get3A_652] {strides = array<i32>} : memref<128x64xf32, #tpu.memory_space<vmem>>, vector<16xf32>,
      %mul3A_654 = arith.mulf %get3A_650, %get3A_653 : vector<16xf32>
      %add3A_655 = arith.addf %add3A_647, %mul3A_654 : vector<16xf32>
      %get3A_656 = arith.index_cast %add3A_637 : i32 to index
      %get3A_657 = arith.constant 32 : index
      %get3A_658 = tpu.vector_load %arg9[%get3A_656, %get3A_657] {strides = array<i32>} : memref<128x64xf32, #tpu.memory_space<vmem>>, vector<16xf32>,
      %get3A_659 = arith.index_cast %add3A_637 : i32 to index
      %get3A_660 = arith.constant 32 : index
      %get3A_661 = tpu.vector_load %arg10[%get3A_659, %get3A_660] {strides = array<i32>} : memref<128x64xf32, #tpu.memory_space<vmem>>, vector<16xf32>,
      %mul3A_662 = arith.mulf %get3A_658, %get3A_661 : vector<16xf32>
      %add3A_663 = arith.addf %add3A_655, %mul3A_662 : vector<16xf32>
      %get3A_664 = arith.index_cast %add3A_637 : i32 to index
      %get3A_665 = arith.constant 48 : index
      %get3A_666 = tpu.vector_load %arg9[%get3A_664, %get3A_665] {strides = array<i32>} : memref<128x64xf32, #tpu.memory_space<vmem>>, vector<16xf32>,
      %get3A_667 = arith.index_cast %add3A_637 : i32 to index
      %get3A_668 = arith.constant 48 : index
      %get3A_669 = tpu.vector_load %arg10[%get3A_667, %get3A_668] {strides = array<i32>} : memref<128x64xf32, #tpu.memory_space<vmem>>, vector<16xf32>,
      %mul3A_670 = arith.mulf %get3A_666, %get3A_669 : vector<16xf32>
      %add3A_671 = arith.addf %add3A_663, %mul3A_670 : vector<16xf32>
      %eq3A_672 = arith.constant 13 : i32
      %eq3A_673 = vector.broadcast %eq3A_672 : i32 to vector<16xi32>
      %eq3A_674 = arith.cmpi eq, %iota3A, %eq3A_673 : vector<16xi32>
      %reduce_sum3A_675 = arith.constant true
      %reduce_sum3A_676 = vector.broadcast %reduce_sum3A_675 : i1 to vector<16xi1>
      %reduce_sum3A_677 = tpu.scan <sum>, %add3A_671 masked %reduce_sum3A_676 : vector<16xf32>, vector<16xi1> -> vector<16xf32>
      %reduce_sum3A_678 = vector.extract %reduce_sum3A_677[15] : f32 from vector<16xf32>
      %broadcast_in_dim3A_679 = vector.broadcast %reduce_sum3A_678 : f32 to vector<16xf32>
      %select_n3A_680 = arith.select %eq3A_674, %broadcast_in_dim3A_679, %select_n3A_633 : vector<16xi1>, vector<16xf32>
      %mul3A_681 = arith.constant 16 : i32
      %mul3A_682 = arith.muli %scan3A_25, %mul3A_681 : i32
      %add3A_683 = arith.constant 14 : i32
      %add3A_684 = arith.addi %mul3A_682, %add3A_683 : i32
      %broadcast_in_dim3A_685 = arith.constant 0.000000e+00 : f32
      %broadcast_in_dim3A_686 = vector.broadcast %broadcast_in_dim3A_685 : f32 to vector<16xf32>
      %get3A_687 = arith.index_cast %add3A_684 : i32 to index
      %get3A_688 = arith.constant 0 : index
      %get3A_689 = tpu.vector_load %arg9[%get3A_687, %get3A_688] {strides = array<i32>} : memref<128x64xf32, #tpu.memory_space<vmem>>, vector<16xf32>,
      %get3A_690 = arith.index_cast %add3A_684 : i32 to index
      %get3A_691 = arith.constant 0 : index
      %get3A_692 = tpu.vector_load %arg10[%get3A_690, %get3A_691] {strides = array<i32>} : memref<128x64xf32, #tpu.memory_space<vmem>>, vector<16xf32>,
      %mul3A_693 = arith.mulf %get3A_689, %get3A_692 : vector<16xf32>
      %add3A_694 = arith.addf %broadcast_in_dim3A_686, %mul3A_693 : vector<16xf32>
      %get3A_695 = arith.index_cast %add3A_684 : i32 to index
      %get3A_696 = arith.constant 16 : index
      %get3A_697 = tpu.vector_load %arg9[%get3A_695, %get3A_696] {strides = array<i32>} : memref<128x64xf32, #tpu.memory_space<vmem>>, vector<16xf32>,
      %get3A_698 = arith.index_cast %add3A_684 : i32 to index
      %get3A_699 = arith.constant 16 : index
      %get3A_700 = tpu.vector_load %arg10[%get3A_698, %get3A_699] {strides = array<i32>} : memref<128x64xf32, #tpu.memory_space<vmem>>, vector<16xf32>,
      %mul3A_701 = arith.mulf %get3A_697, %get3A_700 : vector<16xf32>
      %add3A_702 = arith.addf %add3A_694, %mul3A_701 : vector<16xf32>
      %get3A_703 = arith.index_cast %add3A_684 : i32 to index
      %get3A_704 = arith.constant 32 : index
      %get3A_705 = tpu.vector_load %arg9[%get3A_703, %get3A_704] {strides = array<i32>} : memref<128x64xf32, #tpu.memory_space<vmem>>, vector<16xf32>,
      %get3A_706 = arith.index_cast %add3A_684 : i32 to index
      %get3A_707 = arith.constant 32 : index
      %get3A_708 = tpu.vector_load %arg10[%get3A_706, %get3A_707] {strides = array<i32>} : memref<128x64xf32, #tpu.memory_space<vmem>>, vector<16xf32>,
      %mul3A_709 = arith.mulf %get3A_705, %get3A_708 : vector<16xf32>
      %add3A_710 = arith.addf %add3A_702, %mul3A_709 : vector<16xf32>
      %get3A_711 = arith.index_cast %add3A_684 : i32 to index
      %get3A_712 = arith.constant 48 : index
      %get3A_713 = tpu.vector_load %arg9[%get3A_711, %get3A_712] {strides = array<i32>} : memref<128x64xf32, #tpu.memory_space<vmem>>, vector<16xf32>,
      %get3A_714 = arith.index_cast %add3A_684 : i32 to index
      %get3A_715 = arith.constant 48 : index
      %get3A_716 = tpu.vector_load %arg10[%get3A_714, %get3A_715] {strides = array<i32>} : memref<128x64xf32, #tpu.memory_space<vmem>>, vector<16xf32>,
      %mul3A_717 = arith.mulf %get3A_713, %get3A_716 : vector<16xf32>
      %add3A_718 = arith.addf %add3A_710, %mul3A_717 : vector<16xf32>
      %eq3A_719 = arith.constant 14 : i32
      %eq3A_720 = vector.broadcast %eq3A_719 : i32 to vector<16xi32>
      %eq3A_721 = arith.cmpi eq, %iota3A, %eq3A_720 : vector<16xi32>
      %reduce_sum3A_722 = arith.constant true
      %reduce_sum3A_723 = vector.broadcast %reduce_sum3A_722 : i1 to vector<16xi1>
      %reduce_sum3A_724 = tpu.scan <sum>, %add3A_718 masked %reduce_sum3A_723 : vector<16xf32>, vector<16xi1> -> vector<16xf32>
      %reduce_sum3A_725 = vector.extract %reduce_sum3A_724[15] : f32 from vector<16xf32>
      %broadcast_in_dim3A_726 = vector.broadcast %reduce_sum3A_725 : f32 to vector<16xf32>
      %select_n3A_727 = arith.select %eq3A_721, %broadcast_in_dim3A_726, %select_n3A_680 : vector<16xi1>, vector<16xf32>
      %mul3A_728 = arith.constant 16 : i32
      %mul3A_729 = arith.muli %scan3A_25, %mul3A_728 : i32
      %add3A_730 = arith.constant 15 : i32
      %add3A_731 = arith.addi %mul3A_729, %add3A_730 : i32
      %broadcast_in_dim3A_732 = arith.constant 0.000000e+00 : f32
      %broadcast_in_dim3A_733 = vector.broadcast %broadcast_in_dim3A_732 : f32 to vector<16xf32>
      %get3A_734 = arith.index_cast %add3A_731 : i32 to index
      %get3A_735 = arith.constant 0 : index
      %get3A_736 = tpu.vector_load %arg9[%get3A_734, %get3A_735] {strides = array<i32>} : memref<128x64xf32, #tpu.memory_space<vmem>>, vector<16xf32>,
      %get3A_737 = arith.index_cast %add3A_731 : i32 to index
      %get3A_738 = arith.constant 0 : index
      %get3A_739 = tpu.vector_load %arg10[%get3A_737, %get3A_738] {strides = array<i32>} : memref<128x64xf32, #tpu.memory_space<vmem>>, vector<16xf32>,
      %mul3A_740 = arith.mulf %get3A_736, %get3A_739 : vector<16xf32>
      %add3A_741 = arith.addf %broadcast_in_dim3A_733, %mul3A_740 : vector<16xf32>
      %get3A_742 = arith.index_cast %add3A_731 : i32 to index
      %get3A_743 = arith.constant 16 : index
      %get3A_744 = tpu.vector_load %arg9[%get3A_742, %get3A_743] {strides = array<i32>} : memref<128x64xf32, #tpu.memory_space<vmem>>, vector<16xf32>,
      %get3A_745 = arith.index_cast %add3A_731 : i32 to index
      %get3A_746 = arith.constant 16 : index
      %get3A_747 = tpu.vector_load %arg10[%get3A_745, %get3A_746] {strides = array<i32>} : memref<128x64xf32, #tpu.memory_space<vmem>>, vector<16xf32>,
      %mul3A_748 = arith.mulf %get3A_744, %get3A_747 : vector<16xf32>
      %add3A_749 = arith.addf %add3A_741, %mul3A_748 : vector<16xf32>
      %get3A_750 = arith.index_cast %add3A_731 : i32 to index
      %get3A_751 = arith.constant 32 : index
      %get3A_752 = tpu.vector_load %arg9[%get3A_750, %get3A_751] {strides = array<i32>} : memref<128x64xf32, #tpu.memory_space<vmem>>, vector<16xf32>,
      %get3A_753 = arith.index_cast %add3A_731 : i32 to index
      %get3A_754 = arith.constant 32 : index
      %get3A_755 = tpu.vector_load %arg10[%get3A_753, %get3A_754] {strides = array<i32>} : memref<128x64xf32, #tpu.memory_space<vmem>>, vector<16xf32>,
      %mul3A_756 = arith.mulf %get3A_752, %get3A_755 : vector<16xf32>
      %add3A_757 = arith.addf %add3A_749, %mul3A_756 : vector<16xf32>
      %get3A_758 = arith.index_cast %add3A_731 : i32 to index
      %get3A_759 = arith.constant 48 : index
      %get3A_760 = tpu.vector_load %arg9[%get3A_758, %get3A_759] {strides = array<i32>} : memref<128x64xf32, #tpu.memory_space<vmem>>, vector<16xf32>,
      %get3A_761 = arith.index_cast %add3A_731 : i32 to index
      %get3A_762 = arith.constant 48 : index
      %get3A_763 = tpu.vector_load %arg10[%get3A_761, %get3A_762] {strides = array<i32>} : memref<128x64xf32, #tpu.memory_space<vmem>>, vector<16xf32>,
      %mul3A_764 = arith.mulf %get3A_760, %get3A_763 : vector<16xf32>
      %add3A_765 = arith.addf %add3A_757, %mul3A_764 : vector<16xf32>
      %eq3A_766 = arith.constant 15 : i32
      %eq3A_767 = vector.broadcast %eq3A_766 : i32 to vector<16xi32>
      %eq3A_768 = arith.cmpi eq, %iota3A, %eq3A_767 : vector<16xi32>
      %reduce_sum3A_769 = arith.constant true
      %reduce_sum3A_770 = vector.broadcast %reduce_sum3A_769 : i1 to vector<16xi1>
      %reduce_sum3A_771 = tpu.scan <sum>, %add3A_765 masked %reduce_sum3A_770 : vector<16xf32>, vector<16xi1> -> vector<16xf32>
      %reduce_sum3A_772 = vector.extract %reduce_sum3A_771[15] : f32 from vector<16xf32>
      %broadcast_in_dim3A_773 = vector.broadcast %reduce_sum3A_772 : f32 to vector<16xf32>
      %select_n3A_774 = arith.select %eq3A_768, %broadcast_in_dim3A_773, %select_n3A_727 : vector<16xi1>, vector<16xf32>
      %mul3A_775 = arith.constant 16 : i32
      %mul3A_776 = arith.muli %scan3A_25, %mul3A_775 : i32
      %swap3A = arith.index_cast %mul3A_776 : i32 to index
      %swap3A_777 = tpu.vector_load %arg11[%swap3A] {strides = array<i32>} : memref<128xf32, #tpu.memory_space<vmem>>, vector<16xf32>,
      tpu.vector_store %arg11[%swap3A], %select_n3A_774 {strides = array<i32>} : memref<128xf32, #tpu.memory_space<vmem>>, vector<16xf32>,
    }
    %scan3A_24 = arith.constant 8 : i32
    "tpu.region"() ({
      %run_scoped3A = tpu.sem_alloc : memref<!tpu.dma_semaphore, #tpu.memory_space<semaphore_mem>>
      %dma_start3A = tpu.memref_slice %arg6[%mul3A_2] : memref<4096xf32, #tpu.memory_space<hbm>> -> memref<128xf32, #tpu.memory_space<hbm>>
      %dma_start3A_25 = tpu.memref_slice %arg6[%mul3A_2] : memref<4096xf32, #tpu.memory_space<hbm>> -> memref<128xf32, #tpu.memory_space<hbm>>
      tpu.enqueue_dma source(%arg11 : memref<128xf32, #tpu.memory_space<vmem>>) target(%dma_start3A_25 : memref<128xf32, #tpu.memory_space<hbm>>) target_semaphore(%run_scoped3A : memref<!tpu.dma_semaphore, #tpu.memory_space<semaphore_mem>>)
      %dma_wait3A_26 = tpu.memref_slice %arg6[%mul3A_2] : memref<4096xf32, #tpu.memory_space<hbm>> -> memref<128xf32, #tpu.memory_space<hbm>>
      %dma_wait3A_27 = tpu.memref_slice %arg6[%mul3A_2] : memref<4096xf32, #tpu.memory_space<hbm>> -> memref<128xf32, #tpu.memory_space<hbm>>
      tpu.wait_dma2 semaphore(%run_scoped3A : memref<!tpu.dma_semaphore, #tpu.memory_space<semaphore_mem>>) src(%arg11 : memref<128xf32, #tpu.memory_space<vmem>>) dst(%dma_wait3A_27 : memref<128xf32, #tpu.memory_space<hbm>>)
      tpu.yield
    }) : () -> ()
    return
  }
}

</mosaic_0001>

<sc_bundles>
// kernel: kernel.3.cloned.1.call-start
scs
__scs_entry_jumppad:
0x0: {  	(pc) =	sbr.rel $0x88, $3  }
0x1: {  	(tag) =	ssettag $0x0;
	lr =	simm.s32 $0x1  }
0x2: {  	[smem:$0x3F9D] =	sst lr;
	_ =	strace $0xD0000000  }
0x3: {  	_ = 	snop  }
0x4: {  	_ = 	snop  }
0x5: {  	_ = 	snop  }
0x6: {  	_ = 	snop  }
0x7: {  	_ = 	snop  }
__scs_overlays_trampoline_lowered:
0x8: {  	[smem:$0x3FAC] =	sst s0  }
0x9: {  	[smem:$0x3FAD] =	sst s1  }
0xa: {  	[smem:$0x3FAE] =	sst s2  }
0xb: {  	[smem:$0x3FAF] =	sst s3  }
0xc: {  	[smem:$0x3FB0] =	sst s4  }
0xd: {  	[smem:$0x3FB1] =	sst s5  }
0xe: {  	[smem:$0x3FB2] =	sst s6  }
0xf: {  	[smem:$0x3FB3] =	sst s7  }
0x10: {  	[smem:$0x3FB4] =	sst s8  }
0x11: {  	[smem:$0x3FB5] =	sst s9;
	s0 =	simm.s32 @!p0 $0x0  }
0x12: {  	s1 =	sld [smem:$0x3F9B];
	s0 =	simm.s32 @p0 $0x1  }
0x13: {  	[smem:$0x3FB6] =	sst s0;
	s0 =	simm.s32 @!p1 $0x0  }
0x14: {  	s2 =	sld [smem:$0x3F9A];
	s0 =	simm.s32 @p1 $0x1  }
0x15: {  	[smem:$0x3FB7] =	sst s0;
	s0 =	simm.s32 @!p2 $0x0  }
0x16: {  	s3 =	sld [smem:$0x3FDB];
	s0 =	simm.s32 @p2 $0x1  }
0x17: {  	s4 =	simm.s32 $0x1BF5;
	[smem:$0x3FB9] =	sst s0  }
0x18: {  	s0 =	sld [smem:$0x3F9C];
	_ =	swait.ge [sflag:s4], $0x0  }
0x19: {  	s7 =	sld [smem:$0x3F9D]  }
0x1a: {  	s8 =	sadd.s32 $0xFFFFE003, lr  }
0x1b: {  	s9 =	sadd.s32 $0xFFFFFEF7, lr;
	s5 =	simm.s32 $0xFFFFFFFF;
	p2 =	slt.u32 s8, $0xFFFFF086  }
0x1c: {  	p1 =	slt.u32 s9, $0xF7A;
	s5 =	simm.s32 @!p2 $0x0  }
0x1d: {  	s5 =	simm.s32 @p1 $0x1;
	p0 =	seq.s32 s7, s2  }
0x1e: {  	s7 =	smul.u32 @!p0 $0xF7A, s2;
	p2 =	seq.s32 @!p0 s5, $0x0  }
0x1f: {  	s9 =	smul.u32 $0xF7A, s1;
	s8 =	simm.s32 @!p0 $0x1BF5;
	p2 =	por !p2, p0  }
0x20: {  	[sflag:s8] =	ssyncset.s32 @!p0 $0xFFFFF086;
	s6 =	sadd.s32 @!p0 s3, s7;
	s7 =	simm.s32 @!p0 $0x108  }
0x21: {  	s3 =	sadd.s32 s3, s9;
	s6 =	sadd.s32 @!p0 $0x88, s6;
	s7 =	simm.s32 @p2 $0x1082  }
0x22: {  	[simem:s7], [sflag:s8] =	dma.local @!p0 [hbm:s6], $0xF7A  }
0x23: {  	s9 =	sor.u32 $0xD0000000, s2;
	s6 =	simm.s32 $0x108;
	_ =	swait.ge @!p0 [sflag:s8], $0x0  }
0x24: {  	s3 =	sadd.s32 $0x88, s3;
	s6 =	simm.s32 @!p1 $0x1082;
	[sflag:s4] =	ssyncset.s32 $0xFFFFF086  }
0x25: {  	[simem:s6], [sflag:s4] =	dma.local [hbm:s3], $0xF7A  }
0x26: {  	[smem:$0x3F9D] =	sst s1;
	(tag) =	ssettag s2;
	_ =	strace s9  }
0x27: {  	s1 =	sld [smem:$0x3FAD]  }
0x28: {  	s2 =	sld [smem:$0x3FAE]  }
0x29: {  	s4 =	sld [smem:$0x3FB0]  }
0x2a: {  	p0 =	seq.s32 s5, $0x0;
	s5 =	sld [smem:$0x3FB1]  }
0x2b: {  	s6 =	sld [smem:$0x3FB2]  }
0x2c: {  	s7 =	sld [smem:$0x3FB3]  }
0x2d: {  	s3 =	simm.s32 $0x108;
	s8 =	sld [smem:$0x3FB4]  }
0x2e: {  	s3 =	simm.s32 @!p0 $0x1082;
	s9 =	sld [smem:$0x3FB5]  }
0x2f: {  	lr =	sadd.s32 s0, s3;
	s0 =	sld [smem:$0x3FAC]  }
0x30: {  	s3 =	sld [smem:$0x3FAF]  }
0x31: {  	[smem:$0x3FB8] =	sst s10  }
0x32: {  	s10 =	sld [smem:$0x3FB6];
	_ =	sdelay $0x3  }
0x33: {  	p0 =	seq.s32 s10, $0x1;
	s10 =	sld [smem:$0x3FB8];
	_ =	sdelay $0x3  }
0x34: {  	[smem:$0x3FB8] =	sst s10  }
0x35: {  	s10 =	sld [smem:$0x3FB7];
	_ =	sdelay $0x3  }
0x36: {  	p1 =	seq.s32 s10, $0x1;
	s10 =	sld [smem:$0x3FB8];
	_ =	sdelay $0x3  }
0x37: {  	[smem:$0x3FB8] =	sst s10  }
0x38: {  	s10 =	sld [smem:$0x3FB9]  }
0x39: {  	_ = 	snop;
	(pc) =	sbr.ind lr, $3  }
0x3a: {  	_ = 	snop  }
0x3b: {  	_ = 	snop  }
0x3c: {  	p2 =	seq.s32 s10, $0x1;
	s10 =	sld [smem:$0x3FB8]  }
0x3d: {  	_ =	shalt  }
0x3e: {  	_ =	shalt  }
0x3f: {  	_ =	shalt  }
0x40: {  	_ =	shalt  }
0x41: {  	_ =	shalt  }
0x42: {  	_ =	shalt  }
0x43: {  	_ =	shalt  }
0x44: {  	_ =	shalt  }
0x45: {  	_ =	shalt  }
0x46: {  	_ =	shalt  }
0x47: {  	_ =	shalt  }
0x48: {  	_ =	shalt  }
0x49: {  	_ =	shalt  }
0x4a: {  	_ =	shalt  }
0x4b: {  	_ =	shalt  }
0x4c: {  	_ =	shalt  }
0x4d: {  	_ =	shalt  }
0x4e: {  	_ =	shalt  }
0x4f: {  	_ =	shalt  }
0x50: {  	_ =	shalt  }
0x51: {  	_ =	shalt  }
0x52: {  	_ =	shalt  }
0x53: {  	_ =	shalt  }
0x54: {  	_ =	shalt  }
0x55: {  	_ =	shalt  }
0x56: {  	_ =	shalt  }
0x57: {  	_ =	shalt  }
0x58: {  	_ =	shalt  }
0x59: {  	_ =	shalt  }
0x5a: {  	_ =	shalt  }
0x5b: {  	_ =	shalt  }
0x5c: {  	_ =	shalt  }
0x5d: {  	_ =	shalt  }
0x5e: {  	_ =	shalt  }
0x5f: {  	_ =	shalt  }
0x60: {  	_ =	shalt  }
0x61: {  	_ =	shalt  }
0x62: {  	_ =	shalt  }
0x63: {  	_ =	shalt  }
0x64: {  	_ =	shalt  }
0x65: {  	_ =	shalt  }
0x66: {  	_ =	shalt  }
0x67: {  	_ =	shalt  }
0x68: {  	_ =	shalt  }
0x69: {  	_ =	shalt  }
0x6a: {  	_ =	shalt  }
0x6b: {  	_ =	shalt  }
0x6c: {  	_ =	shalt  }
0x6d: {  	_ =	shalt  }
0x6e: {  	_ =	shalt  }
0x6f: {  	_ =	shalt  }
0x70: {  	_ =	shalt  }
0x71: {  	_ =	shalt  }
0x72: {  	_ =	shalt  }
0x73: {  	_ =	shalt  }
0x74: {  	_ =	shalt  }
0x75: {  	_ =	shalt  }
0x76: {  	_ =	shalt  }
0x77: {  	_ =	shalt  }
0x78: {  	_ =	shalt  }
0x79: {  	_ =	shalt  }
0x7a: {  	_ =	shalt  }
0x7b: {  	_ =	shalt  }
0x7c: {  	_ =	shalt  }
0x7d: {  	_ =	shalt  }
0x7e: {  	_ =	shalt  }
0x7f: {  	_ =	shalt  }
0x80: {  	_ =	shalt  }
0x81: {  	_ =	shalt  }
0x82: {  	_ =	shalt  }
0x83: {  	_ =	shalt  }
0x84: {  	_ =	shalt  }
0x85: {  	_ =	shalt  }
0x86: {  	_ =	shalt  }
0x87: {  	_ =	shalt  }
.Lfunc_end0:
.L_simem_size_0:
called_computation_lowered:
.L_overlay_start_0:
0x88: {  	s2 =	sld [smem:$0x3FD9]  }
0x89: {  	s3 =	sld [smem:$0x3FFE];
	_ =	sdelay $0x1  }
0x8a: {  	s1 =	srdreg.scid  }
0x8b: {  	s0 =	sand.u32 $0x1, s1  }
0x8c: {  	s17 =	sshll.u32 s0, $0xA;
	s2 =	sadd.s32 s3, s2  }
0x8d: {  	s2 =	sadd.s32 s2, s17  }
0x8e: {  	[smem:$0x3FC4] =	sst s2  }
0x8f: {  	_ = 	snop  }
0x90: {  	s2 =	sld [smem:$0x3FC9]  }
0x91: {  	s18 =	sld [smem:$0x3FC8]  }
0x92: {  	s4 =	sld [smem:$0x3FD0];
	(tm) =	ssettm $0x1  }
0x93: {  	s5 =	sld [smem:$0x3FFB];
	_ =	sdelay $0x3  }
0x94: {  	_ =	strace s5  }
0x95: {  	s5 =	sld [smem:$0x3FFC];
	_ =	sdelay $0x3  }
0x96: {  	_ =	strace s5  }
0x97: {  	s5 =	sld [smem:$0x3FFD];
	_ =	sdelay $0x3  }
0x98: {  	_ =	strace s5  }
0x99: {  	_ =	strace $0x8FFFFFFF  }
0x9a: {  	s19 =	sld [smem:$0x3FDB];
	_ =	sdelay $0x1  }
0x9b: {  	s6 =	simm.s32 $_scs_section_size  }
0x9c: {  	s7 =	simm.s32 $_size__tile_overlayer_lowered;
	s8 =	simm.s32 $_tile_overlayer_lowered  }
0x9d: {  	s22 =	simm.s32 $0x1BFF;
	s21 =	sshll.u32 s8, $0x1;
	s5 =	sadd.s32 s6, s19  }
0x9e: {  	s9 =	simm.s32 $0x0;
	s20 =	sshll.u32 s7, $0x1;
	s7 =	sadd.s32 s21, s5  }
0x9f: {  	[timem:s9], [sflag:s22] =	dma.local [hbm:s7], s20  }
0xa0: {  	_ =	swait.ge [sflag:s22], s20  }
0xa1: {  	s6 =	ssub.s32 $0x0, s20;
	[sflag:s22] =	ssyncset.done $0x0  }
0xa2: {  	[sflag:s22] =	ssyncadd.s32 s6;
	_ =	sdelay $0x1  }
0xa3: {  	s23 =	simm.s32 $0x1B8B  }
0xa4: {  	_ =	swait.ge [sflag:s23], $0x1  }
0xa5: {  	[sflag:s23] =	ssyncset.done $0x0  }
0xa6: {  	s25 =	simm.s32 $0x1B8E;
	s24 =	sld [smem:$0x3FFE];
	[sflag:s23] =	ssyncadd.s32 $0xFFFFFFFF  }
0xa7: {  	s26 =	simm.s32 $execute0_lowered;
	[smem:$0x3FD2] =	sst s25  }
0xa8: {  	s7 =	sshll.u32 s26, $0x1;
	_ =	strace $0x80000046;
	[dreg:$0x1] =	wrdreg $0xFFFFFFFF  }
0xa9: {  	s28 =	simm.s32 $_size_execute0_lowered;
	s5 =	sadd.s32 s5, s7;
	[dreg:$0x0] =	wrdreg $0x0  }
0xaa: {  	s7 =	sshll.u32 s28, $0x1;
	[dreg:$0x2] =	wrdreg s5  }
0xab: {  	[dreg:$0x3] =	wrdreg s7  }
0xac: {  	[dreg:$0x4] =	wrdreg $0xC0  }
0xad: {  	_ =	task [dreg:s9], $0x5FFFF  }
0xae: {  	[dreg:$0x1] =	wrdreg $0xFFFFFFFF  }
0xaf: {  	[dreg:$0x0] =	wrdreg $0x60  }
0xb0: {  	[dreg:$0x2] =	wrdreg s2  }
0xb1: {  	[dreg:$0x3] =	wrdreg s18  }
0xb2: {  	[dreg:$0x4] =	wrdreg s24  }
0xb3: {  	[dreg:$0x5] =	wrdreg s4  }
0xb4: {  	[dreg:$0x6] =	wrdreg $0x9  }
0xb5: {  	_ =	task.clear_ibuf [dreg:s9], $0x7FFFF;
	_ =	strace $0x90000046  }
0xb6: {  	s29 =	simm.s32 $0x9;
	_ =	strace $0x80000048  }
0xb7: {  	_ =	swait.ge [sflag:s29], $0x1  }
0xb8: {  	[sflag:s29] =	ssyncadd.s32 $0xFFFFFFFF  }
0xb9: {  	_ =	strace $0x90000048  }
0xba: {  	_ =	sfence  }
0xbb: {  	s30 =	sld [smem:$0x0];
	_ =	sdelay $0x2  }
0xbc: {  	s31 =	sshll.u32 s1, $0xD;
	s1 =	sshrl.u32 s1, $0x2  }
0xbd: {  	s3 =	sand.u32 $0x4000, s31;
	s1 =	sadd.s32 s1, s30  }
0xbe: {  	s0 =	sor.u32 s3, s0;
	s1 =	sshll.u32 s1, $0x11  }
0xbf: {  	s0 =	sor.u32 s1, s0  }
0xc0: {  	s0 =	sadd.s32 $0x8F2B, s0  }
0xc1: {  	[sflag:s0] =	ssyncadd.remote.s32 $0x1  }
0xc2: {  	_ =	sfence.sel $0xFFFF  }
0xc3: {  	[dreg:$0x0] =	wrdreg $0xFFFFFFFF;
	(pc) =	sbr.abs _section_cstart, $3  }
0xc4: {  	[dreg:$0x1] =	wrdreg $0xFFFFFFFF  }
0xc5: {  	_ =	task.clear_ibuf [dreg:s9], $0x2FFFF;
	_ =	strace $0x9FFFFFFF  }
0xc6: {  	(tm) =	ssettm $0x7FFFFFFF  }
0xc7: {  	_ =	shalt  }
tec
execute0_lowered:
.L_overlay_start_1:
0x0: {  	(tag) =	ssettag $0x1  }
0x1: {  	s0 =	rddreg [dreg:$0x0]  }
0x2: {  	s1 =	rddreg [dreg:$0x1]  }
0x3: {  	s2 =	rddreg [dreg:$0x2]  }
0x4: {  	s3 =	rddreg [dreg:$0x3];
	s4 =	srdreg.scid  }
0x5: {  	s11 =	simm.s32 $0x0;
	s7 =	stileid.u32;
	s4 =	sand.u32 $0x1, s4  }
0x6: {  	s17 =	simm.s32 $0x0;
	s7 =	sshll.u32 s7, $0x5;
	s8 =	sshll.u32 s4, $0x4  }
0x7: {  	[smem:$0x7FF] =	sst s11;
	s12 =	sadd.s32 $0x2000, s2;
	s26 =	sor.u32 s8, s7  }
0x8: {  	vm0 =	vmmov $0x1;
	vm1 =	vmmov $0x3;
	vm2 =	vmmov $0x7;
	_ =	strace $0x80000047;
	s5 =	ssub.s32 $0x2, s4;
	s0 =	sadd.s32 s0, s26  }
0x9: {  	vm3 =	vmmov $0xf;
	vm4 =	vmmov $0x1f;
	vm5 =	vmmov $0x3f;
	s6 =	sshrl.u32 s5, $0x1;
	s28 =	sadd.s32 s1, s26;
	[dreg:$0xe] =	wrdreg s0  }
0xa: {  	vm6 =	vmmov $0x7f;
	vm7 =	vmmov $0xff;
	vm8 =	vmmov $0x1ff;
	s25 =	ssub.s32 s5, s6;
	s29 =	sadd.s32 s3, s26;
	[dreg:$0xf] =	wrdreg s28  }
0xb: {  	vm9 =	vmmov $0x3ff;
	vm10 =	vmmov $0x7ff;
	vm11 =	vmmov $0xfff;
	s31 =	sadd.s32 $0x188A00, s2;
	[dreg:$0x10] =	wrdreg s29;
	s30 =	smax.u32 s25, $0x1  }
0xc: {  	vm12 =	vmmov $0x1fff;
	vm13 =	vmmov $0x3fff;
	vm14 =	vmmov $0x7fff;
	s2 =	simm.s32 $0x3;
	s1 =	simm.s32 $0x0;
	[dreg:$0x11] =	wrdreg s30  }
.LBB2_1:
0xd: {  	[dreg:$0x12] =	wrdreg s1  }
0xe: {  	s0 =	rddreg [dreg:$0xe]  }
0xf: {  	[tilespmem:s11], [sflag:$0x3] =	stream.linear.gather [hbm4b:s0+s11], $0x80, $0x38;
	[tilespmem:$0x8180] =	vst v63  }
0x10: {  	_ =	swait.ge [sflag:s2], $0x80  }
0x11: {  	[sflag:s2] =	ssyncset.done $0x0  }
0x12: {  	s14 =	simm.s32 $0x80;
	s15 =	rddreg [dreg:$0xf];
	[sflag:s2] =	ssyncadd.s32 $0xFFFFFF80  }
0x13: {  	[tilespmem:s14], [sflag:$0x3] =	stream.linear.gather [hbm4b:s15+s11], $0x80, $0x38;
	[tilespmem:$0x8180] =	vst v63  }
0x14: {  	_ =	swait.ge [sflag:s2], $0x80  }
0x15: {  	[sflag:s2] =	ssyncset.done $0x0  }
0x16: {  	[sflag:s2] =	ssyncadd.s32 $0xFFFFFF80  }
0x17: {  	v0 =	vld [tilespmem:s11+$0x0]  }
0x18: {  	v2 =	vld [tilespmem:s14+$0x0];
	_ =	sdelay $0x3  }
0x19: {  	v1 =	vshll.u32 v0, $0x4  }
0x1a: {  	v63 =	vshll.u32 v2, $0x4;
	(v2sf) =	vpush v1, $0x0  }
0x1b: {  	(v2sf) =	vpush v63, $0x0  }
0x1c: {  	(v2sf) =	vpush v1, $0x1;
	_ =	sdelay $0x1  }
0x1d: {  	(v2sf) =	vpush v63, $0x1  }
0x1e: {  	(v2sf) =	vpush v1, $0x2;
	_ =	sdelay $0x1  }
0x1f: {  	(v2sf) =	vpush v63, $0x2;
	_ =	sdelay $0x1  }
0x20: {  	(v2sf) =	vpush v1, $0x3;
	_ =	sdelay $0x1  }
0x21: {  	s3 =	simm.s32 $0x4100  }
0x22: {  	s1 =	simm.s32 $0x380;
	s5 =	simm.s32 $0x100;
	s7 =	simm.s32 $0x300  }
0x23: {  	s8 =	simm.s32 $0x280;
	s19 =	simm.s32 $0x180;
	s22 =	simm.s32 $0x4180  }
0x24: {  	s24 =	simm.s32 $0x200;
	s28 =	simm.s32 $0x4200;
	s0 =	simm.s32 $0x4600  }
0x25: {  	s15 =	simm.s32 $0x2000;
	s2 =	simm.s32 $0x580;
	s6 =	spop (v2sf);
	(v2sf) =	vpush v63, $0x3  }
0x26: {  	s14 =	simm.s32 $0x0;
	s6 =	sand.u32 $0x1FFFFFF0, s6;
	s9 =	spop (v2sf)  }
0x27: {  	(v2sf) =	vpush v1, $0x4;
	s6 =	sadd.s32 s12, s6;
	s16 =	sand.u32 $0x1FFFFFF0, s9;
	s18 =	spop (v2sf)  }
0x28: {  	(v2sf) =	vpush v63, $0x4;
	[tilespmem:s5], [sflag:$0x1] =	stream.linear.gather [hbm4b:s6+s11], $0x80, $0x38;
	[tilespmem:$0x8180] =	vst v63  }
0x29: {  	s5 =	simm.s32 $0x4280;
	s6 =	sadd.s32 s31, s16;
	s10 =	spop (v2sf)  }
0x2a: {  	s9 =	sand.u32 $0x1FFFFFF0, s18;
	s16 =	simm.s32 $0x4300;
	s23 =	spop (v2sf)  }
0x2b: {  	(v2sf) =	vpush v1, $0x5;
	[tilespmem:s3], [sflag:$0x2] =	stream.linear.gather [hbm4b:s6+s11], $0x80, $0x38;
	[tilespmem:$0x8180] =	vst v63  }
0x2c: {  	s20 =	sadd.s32 s12, s9;
	s21 =	sand.u32 $0x1FFFFFF0, s10;
	s25 =	spop (v2sf)  }
0x2d: {  	(v2sf) =	vpush v63, $0x5;
	[tilespmem:s19], [sflag:$0x1] =	stream.linear.gather [hbm4b:s20+s11], $0x80, $0x38;
	[tilespmem:$0x8180] =	vst v63  }
0x2e: {  	s9 =	sadd.s32 s31, s21;
	s6 =	sand.u32 $0x1FFFFFF0, s23;
	s26 =	spop (v2sf)  }
0x2f: {  	(v2sf) =	vpush v1, $0x6;
	[tilespmem:s22], [sflag:$0x2] =	stream.linear.gather [hbm4b:s9+s11], $0x80, $0x38;
	[tilespmem:$0x8180] =	vst v63  }
0x30: {  	s6 =	sadd.s32 s12, s6;
	s30 =	sand.u32 $0x1FFFFFF0, s26;
	s9 =	sand.u32 $0x1FFFFFF0, s25  }
0x31: {  	(v2sf) =	vpush v63, $0x6;
	[tilespmem:s24], [sflag:$0x1] =	stream.linear.gather [hbm4b:s6+s11], $0x80, $0x38;
	[tilespmem:$0x8180] =	vst v63  }
0x32: {  	s10 =	simm.s32 $0x4700;
	s13 =	sadd.s32 s12, s30;
	s29 =	sadd.s32 s31, s9  }
0x33: {  	[tilespmem:s28], [sflag:$0x2] =	stream.linear.gather [hbm4b:s29+s11], $0x80, $0x38;
	[tilespmem:$0x8180] =	vst v63  }
0x34: {  	s22 =	simm.s32 $0x4380;
	s9 =	simm.s32 $0x4400;
	s4 =	spop (v2sf)  }
0x35: {  	(v2sf) =	vpush v1, $0x7;
	[tilespmem:s8], [sflag:$0x1] =	stream.linear.gather [hbm4b:s13+s11], $0x80, $0x38;
	[tilespmem:$0x8180] =	vst v63  }
0x36: {  	s24 =	simm.s32 $0x400;
	s3 =	sand.u32 $0x1FFFFFF0, s4;
	s18 =	spop (v2sf)  }
0x37: {  	(v2sf) =	vpush v63, $0x7;
	s3 =	sadd.s32 s31, s3;
	s8 =	sand.u32 $0x1FFFFFF0, s18;
	s19 =	spop (v2sf)  }
0x38: {  	(v2sf) =	vpush v1, $0x8;
	[tilespmem:s5], [sflag:$0x2] =	stream.linear.gather [hbm4b:s3+s11], $0x80, $0x38;
	[tilespmem:$0x8180] =	vst v63  }
0x39: {  	s13 =	simm.s32 $0x780;
	s20 =	sadd.s32 s12, s8;
	s21 =	sand.u32 $0x1FFFFFF0, s19  }
0x3a: {  	s23 =	spop (v2sf);
	(v2sf) =	vpush v63, $0x8;
	s8 =	simm.s32 $0x4780;
	s19 =	simm.s32 $0x480  }
0x3b: {  	(v2sf) =	vpush v1, $0x9;
	[tilespmem:s7], [sflag:$0x1] =	stream.linear.gather [hbm4b:s20+s11], $0x80, $0x38;
	[tilespmem:$0x8180] =	vst v63  }
0x3c: {  	s5 =	sadd.s32 s31, s21;
	s25 =	sand.u32 $0x1FFFFFF0, s23;
	s26 =	spop (v2sf)  }
0x3d: {  	(v2sf) =	vpush v63, $0x9;
	[tilespmem:s16], [sflag:$0x2] =	stream.linear.gather [hbm4b:s5+s11], $0x80, $0x38;
	[tilespmem:$0x8180] =	vst v63  }
0x3e: {  	s6 =	sadd.s32 s12, s25;
	s7 =	sand.u32 $0x1FFFFFF0, s26;
	s28 =	spop (v2sf);
	(v2sf) =	vpush v1, $0xA  }
0x3f: {  	[tilespmem:s1], [sflag:$0x1] =	stream.linear.gather [hbm4b:s6+s11], $0x80, $0x38;
	[tilespmem:$0x8180] =	vst v63  }
0x40: {  	s29 =	sadd.s32 s31, s7;
	s30 =	sand.u32 $0x1FFFFFF0, s28;
	s4 =	spop (v2sf);
	(v2sf) =	vpush v63, $0xA  }
0x41: {  	[tilespmem:s22], [sflag:$0x2] =	stream.linear.gather [hbm4b:s29+s11], $0x80, $0x38;
	[tilespmem:$0x8180] =	vst v63  }
0x42: {  	s28 =	simm.s32 $0x4500;
	s7 =	sadd.s32 s12, s30;
	s3 =	sand.u32 $0x1FFFFFF0, s4  }
0x43: {  	[tilespmem:s24], [sflag:$0x1] =	stream.linear.gather [hbm4b:s7+s11], $0x80, $0x38;
	[tilespmem:$0x8180] =	vst v63  }
0x44: {  	s4 =	simm.s32 $0x4580;
	s3 =	sadd.s32 s31, s3;
	s16 =	spop (v2sf)  }
0x45: {  	[tilespmem:s9], [sflag:$0x2] =	stream.linear.gather [hbm4b:s3+s11], $0x80, $0x38;
	[tilespmem:$0x8180] =	vst v63  }
0x46: {  	s1 =	simm.s32 $0x4680;
	(v2sf) =	vpush v1, $0xB;
	s6 =	sand.u32 $0x1FFFFFF0, s16;
	s18 =	spop (v2sf)  }
0x47: {  	s22 =	simm.s32 $0x4480;
	s20 =	sadd.s32 s12, s6;
	s23 =	spop (v2sf)  }
0x48: {  	(v2sf) =	vpush v63, $0xB;
	[tilespmem:s19], [sflag:$0x1] =	stream.linear.gather [hbm4b:s20+s11], $0x80, $0x38;
	[tilespmem:$0x8180] =	vst v63  }
0x49: {  	s24 =	simm.s32 $0x500;
	s21 =	sand.u32 $0x1FFFFFF0, s18;
	s25 =	spop (v2sf)  }
0x4a: {  	s6 =	sadd.s32 s31, s21;
	s5 =	sand.u32 $0x1FFFFFF0, s23;
	s26 =	spop (v2sf)  }
0x4b: {  	[tilespmem:s22], [sflag:$0x2] =	stream.linear.gather [hbm4b:s6+s11], $0x80, $0x38;
	[tilespmem:$0x8180] =	vst v63  }
0x4c: {  	s9 =	simm.s32 $0x600;
	(v2sf) =	vpush v1, $0xC;
	s5 =	sadd.s32 s12, s5;
	s7 =	spop (v2sf)  }
0x4d: {  	s6 =	sand.u32 $0x1FFFFFF0, s25;
	s30 =	sand.u32 $0x1FFFFFF0, s26;
	s16 =	spop (v2sf)  }
0x4e: {  	(v2sf) =	vpush v63, $0xC;
	[tilespmem:s24], [sflag:$0x1] =	stream.linear.gather [hbm4b:s5+s11], $0x80, $0x38;
	[tilespmem:$0x8180] =	vst v63  }
0x4f: {  	s25 =	simm.s32 $0x680;
	s29 =	sadd.s32 s31, s6;
	s18 =	spop (v2sf)  }
0x50: {  	[tilespmem:s28], [sflag:$0x2] =	stream.linear.gather [hbm4b:s29+s11], $0x80, $0x38;
	[tilespmem:$0x8180] =	vst v63  }
0x51: {  	s6 =	sadd.s32 s12, s30;
	s5 =	sand.u32 $0x1FFFFFF0, s7;
	s20 =	sand.u32 $0x1FFFFFF0, s18  }
0x52: {  	[tilespmem:s2], [sflag:$0x1] =	stream.linear.gather [hbm4b:s6+s11], $0x80, $0x38;
	[tilespmem:$0x8180] =	vst v63  }
0x53: {  	s5 =	sadd.s32 s31, s5;
	s22 =	sadd.s32 s31, s20;
	s6 =	sand.u32 $0x1FFFFFF0, s16  }
0x54: {  	[tilespmem:s4], [sflag:$0x2] =	stream.linear.gather [hbm4b:s5+s11], $0x80, $0x38;
	[tilespmem:$0x8180] =	vst v63  }
0x55: {  	s20 =	simm.s32 $0x90;
	s19 =	sadd.s32 s12, s6;
	s21 =	spop (v2sf)  }
0x56: {  	[tilespmem:s9], [sflag:$0x1] =	stream.linear.gather [hbm4b:s19+s11], $0x80, $0x38;
	[tilespmem:$0x8180] =	vst v63  }
0x57: {  	s19 =	simm.s32 $0x10;
	s23 =	sand.u32 $0x1FFFFFF0, s21;
	s24 =	spop (v2sf)  }
0x58: {  	(v2sf) =	vpush v1, $0xD;
	[tilespmem:s0], [sflag:$0x2] =	stream.linear.gather [hbm4b:s22+s11], $0x80, $0x38;
	[tilespmem:$0x8180] =	vst v63  }
0x59: {  	(v2sf) =	vpush v63, $0xD;
	s21 =	simm.s32 $0x4800;
	s26 =	sadd.s32 s12, s23;
	s28 =	sand.u32 $0x1FFFFFF0, s24  }
0x5a: {  	(v2sf) =	vpush v1, $0xE;
	[tilespmem:s25], [sflag:$0x1] =	stream.linear.gather [hbm4b:s26+s11], $0x80, $0x38;
	[tilespmem:$0x8180] =	vst v63  }
0x5b: {  	s23 =	simm.s32 $0x700;
	s29 =	sadd.s32 s31, s28;
	(v2sf) =	vpush v63, $0xE;
	s30 =	spop (v2sf)  }
0x5c: {  	(v2sf) =	vpush v1, $0xF;
	[tilespmem:s1], [sflag:$0x2] =	stream.linear.gather [hbm4b:s29+s11], $0x80, $0x38;
	[tilespmem:$0x8180] =	vst v63  }
0x5d: {  	s22 =	simm.s32 $0x800;
	s0 =	sand.u32 $0x1FFFFFF0, s30;
	(v2sf) =	vpush v63, $0xF;
	s1 =	spop (v2sf)  }
.LBB2_2:
0x5e: {  	_ =	sdelay $0x4  }
0x5f: {  	s0 =	sadd.s32 s12, s0;
	s1 =	sand.u32 $0x1FFFFFF0, s1  }
0x60: {  	[tilespmem:s23], [sflag:$0x1] =	stream.linear.gather [hbm4b:s0+s11], $0x80, $0x38;
	[tilespmem:$0x8180] =	vst v63  }
0x61: {  	s16 =	sadd.s32 s31, s1  }
0x62: {  	[tilespmem:s10], [sflag:$0x2] =	stream.linear.gather [hbm4b:s16+s11], $0x80, $0x38;
	[tilespmem:$0x8180] =	vst v63  }
0x63: {  	s2 =	spop (v2sf)  }
0x64: {  	s18 =	sand.u32 $0x1FFFFFF0, s2;
	s23 =	spop (v2sf)  }
0x65: {  	s24 =	sadd.s32 s12, s18;
	s25 =	sand.u32 $0x1FFFFFF0, s23;
	s26 =	spop (v2sf)  }
0x66: {  	[tilespmem:s13], [sflag:$0x1] =	stream.linear.gather [hbm4b:s24+s11], $0x80, $0x38;
	[tilespmem:$0x8180] =	vst v63  }
0x67: {  	s28 =	sadd.s32 s31, s25;
	s29 =	sand.u32 $0x1FFFFFF0, s26;
	s30 =	spop (v2sf)  }
0x68: {  	[tilespmem:s8], [sflag:$0x2] =	stream.linear.gather [hbm4b:s28+s11], $0x80, $0x38;
	[tilespmem:$0x8180] =	vst v63  }
0x69: {  	s1 =	sadd.s32 s12, s29;
	s3 =	sand.u32 $0x1FFFFFF0, s30;
	s4 =	spop (v2sf)  }
0x6a: {  	[tilespmem:s22], [sflag:$0x1] =	stream.linear.gather [hbm4b:s1+s11], $0x80, $0x38;
	[tilespmem:$0x8180] =	vst v63  }
0x6b: {  	s5 =	sadd.s32 s31, s3;
	s6 =	sand.u32 $0x1FFFFFF0, s4;
	s7 =	spop (v2sf)  }
0x6c: {  	[tilespmem:s21], [sflag:$0x2] =	stream.linear.gather [hbm4b:s5+s11], $0x80, $0x38;
	[tilespmem:$0x8180] =	vst v63  }
0x6d: {  	s8 =	sadd.s32 $0x880, s14;
	s2 =	sand.u32 $0x1FFFFFF0, s7;
	s1 =	sadd.s32 s12, s6  }
0x6e: {  	[tilespmem:s8], [sflag:$0x1] =	stream.linear.gather [hbm4b:s1+s11], $0x80, $0x38;
	[tilespmem:$0x8180] =	vst v63  }
0x6f: {  	s9 =	sadd.s32 $0x4880, s14;
	s10 =	sadd.s32 s31, s2  }
0x70: {  	[tilespmem:s9], [sflag:$0x2] =	stream.linear.gather [hbm4b:s10+s11], $0x80, $0x38;
	[tilespmem:$0x8180] =	vst v63  }
0x71: {  	v0 =	vld [tilespmem:s19+$0x0]  }
0x72: {  	v2 =	vld [tilespmem:s20+$0x0];
	_ =	sdelay $0x3  }
0x73: {  	v1 =	vshll.u32 v0, $0x4  }
0x74: {  	v63 =	vshll.u32 v2, $0x4;
	(v2sf) =	vpush v1, $0x0  }
0x75: {  	p0 =	sne.s32 s15, $0xE000;
	s11 =	smov.u32 s15;
	(v2sf) =	vpush v63, $0x0  }
0x76: {  	s15 =	sadd.s32 $0x2000, s15;
	s14 =	sshra.s32 s11, $0x2;
	s19 =	sadd.s32 $0x10, s19;
	(v2sf) =	vpush v1, $0x1  }
0x77: {  	s20 =	sadd.s32 $0x10, s20;
	s25 =	sadd.s32 $0x4100, s14;
	s0 =	sadd.s32 $0x380, s14  }
0x78: {  	s13 =	sadd.s32 $0x580, s14;
	s4 =	sadd.s32 $0x100, s14;
	s2 =	sadd.s32 $0x300, s14;
	(v2sf) =	vpush v63, $0x1  }
0x79: {  	s16 =	sadd.s32 $0x4600, s14;
	s9 =	sadd.s32 $0x4280, s14;
	s10 =	sadd.s32 $0x4700, s14  }
0x7a: {  	s24 =	sadd.s32 $0x200, s14;
	s11 =	sadd.s32 $0x4300, s14;
	s3 =	sadd.s32 $0x4180, s14;
	(v2sf) =	vpush v1, $0x2  }
0x7b: {  	s1 =	sadd.s32 $0x4200, s14;
	s5 =	sadd.s32 $0x4380, s14;
	[dreg:$0xc] =	wrdreg s0  }
0x7c: {  	s7 =	sadd.s32 $0x400, s14;
	s6 =	sadd.s32 $0x4680, s14;
	[dreg:$0x7] =	wrdreg s13;
	(v2sf) =	vpush v63, $0x2  }
0x7d: {  	s8 =	sadd.s32 $0x4780, s14;
	s18 =	sadd.s32 $0x600, s14;
	[dreg:$0x5] =	wrdreg s16  }
0x7e: {  	s21 =	sadd.s32 $0x4500, s14;
	s23 =	sadd.s32 $0x700, s14;
	[dreg:$0x6] =	wrdreg s6;
	(v2sf) =	vpush v1, $0x3  }
0x7f: {  	s26 =	sadd.s32 $0x180, s14;
	s22 =	sadd.s32 $0x4480, s14;
	[dreg:$0x8] =	wrdreg s18  }
0x80: {  	s28 =	sadd.s32 $0x500, s14;
	s0 =	sadd.s32 $0x280, s14;
	[dreg:$0xa] =	wrdreg s21;
	(v2sf) =	vpush v63, $0x3  }
0x81: {  	s13 =	sadd.s32 $0x780, s14;
	s6 =	sadd.s32 $0x4400, s14;
	[dreg:$0xd] =	wrdreg s22  }
0x82: {  	s16 =	sadd.s32 $0x4580, s14;
	s18 =	sadd.s32 $0x480, s14;
	[dreg:$0xb] =	wrdreg s28;
	(v2sf) =	vpush v1, $0x4  }
0x83: {  	s22 =	sadd.s32 $0x800, s14;
	s21 =	sadd.s32 $0x4800, s14;
	s30 =	spop (v2sf)  }
0x84: {  	[dreg:$0x9] =	wrdreg s16;
	s29 =	sand.u32 $0x1FFFFFF0, s30;
	s28 =	spop (v2sf);
	(v2sf) =	vpush v63, $0x4  }
0x85: {  	s16 =	sadd.s32 s12, s29;
	s28 =	sand.u32 $0x1FFFFFF0, s28;
	s29 =	spop (v2sf)  }
0x86: {  	(v2sf) =	vpush v1, $0x5;
	[tilespmem:s4], [sflag:$0x1] =	stream.linear.gather [hbm4b:s16+s17], $0x80, $0x38;
	[tilespmem:$0x8180] =	vst v63  }
0x87: {  	s4 =	sadd.s32 s31, s28;
	s16 =	sand.u32 $0x1FFFFFF0, s29;
	s29 =	spop (v2sf)  }
0x88: {  	[tilespmem:s25], [sflag:$0x2] =	stream.linear.gather [hbm4b:s4+s17], $0x80, $0x38;
	[tilespmem:$0x8180] =	vst v63  }
0x89: {  	(v2sf) =	vpush v63, $0x5;
	s28 =	sand.u32 $0x1FFFFFF0, s29;
	s29 =	spop (v2sf);
	s25 =	sadd.s32 s12, s16  }
0x8a: {  	[tilespmem:s26], [sflag:$0x1] =	stream.linear.gather [hbm4b:s25+s17], $0x80, $0x38;
	[tilespmem:$0x8180] =	vst v63  }
0x8b: {  	(v2sf) =	vpush v1, $0x6;
	s26 =	sadd.s32 s31, s28;
	s28 =	sand.u32 $0x1FFFFFF0, s29;
	s29 =	spop (v2sf)  }
0x8c: {  	(v2sf) =	vpush v63, $0x6;
	[tilespmem:s3], [sflag:$0x2] =	stream.linear.gather [hbm4b:s26+s17], $0x80, $0x38;
	[tilespmem:$0x8180] =	vst v63  }
0x8d: {  	s26 =	sadd.s32 s12, s28;
	s28 =	sand.u32 $0x1FFFFFF0, s29;
	s29 =	spop (v2sf)  }
0x8e: {  	(v2sf) =	vpush v1, $0x7;
	[tilespmem:s24], [sflag:$0x1] =	stream.linear.gather [hbm4b:s26+s17], $0x80, $0x38;
	[tilespmem:$0x8180] =	vst v63  }
0x8f: {  	s4 =	sadd.s32 s31, s28;
	s25 =	spop (v2sf);
	s24 =	sand.u32 $0x1FFFFFF0, s29  }
0x90: {  	(v2sf) =	vpush v63, $0x7;
	[tilespmem:s1], [sflag:$0x2] =	stream.linear.gather [hbm4b:s4+s17], $0x80, $0x38;
	[tilespmem:$0x8180] =	vst v63  }
0x91: {  	s28 =	sand.u32 $0x1FFFFFF0, s25;
	s29 =	spop (v2sf);
	s26 =	sadd.s32 s12, s24  }
0x92: {  	(v2sf) =	vpush v1, $0x8;
	[tilespmem:s0], [sflag:$0x1] =	stream.linear.gather [hbm4b:s26+s17], $0x80, $0x38;
	[tilespmem:$0x8180] =	vst v63  }
0x93: {  	s3 =	sadd.s32 s31, s28;
	s16 =	sand.u32 $0x1FFFFFF0, s29;
	s24 =	spop (v2sf)  }
0x94: {  	[tilespmem:s9], [sflag:$0x2] =	stream.linear.gather [hbm4b:s3+s17], $0x80, $0x38;
	[tilespmem:$0x8180] =	vst v63  }
0x95: {  	s30 =	sadd.s32 $0x680, s14;
	s25 =	sadd.s32 s12, s16;
	s28 =	spop (v2sf)  }
0x96: {  	s16 =	rddreg [dreg:$0xc];
	(v2sf) =	vpush v63, $0x8;
	s26 =	sand.u32 $0x1FFFFFF0, s24;
	s0 =	sand.u32 $0x1FFFFFF0, s28  }
0x97: {  	(v2sf) =	vpush v1, $0x9;
	[tilespmem:s2], [sflag:$0x1] =	stream.linear.gather [hbm4b:s25+s17], $0x80, $0x38;
	[tilespmem:$0x8180] =	vst v63  }
0x98: {  	s29 =	sadd.s32 s31, s26;
	s2 =	spop (v2sf);
	s3 =	sadd.s32 s12, s0  }
0x99: {  	(v2sf) =	vpush v63, $0x9;
	[tilespmem:s11], [sflag:$0x2] =	stream.linear.gather [hbm4b:s29+s17], $0x80, $0x38;
	[tilespmem:$0x8180] =	vst v63  }
0x9a: {  	s4 =	sand.u32 $0x1FFFFFF0, s2;
	s9 =	spop (v2sf);
	s11 =	simm.s32 $0x0  }
0x9b: {  	(v2sf) =	vpush v1, $0xA;
	s24 =	sadd.s32 s31, s4;
	s25 =	sand.u32 $0x1FFFFFF0, s9;
	s26 =	spop (v2sf)  }
0x9c: {  	[tilespmem:s16], [sflag:$0x1] =	stream.linear.gather [hbm4b:s3+s11], $0x80, $0x38;
	[tilespmem:$0x8180] =	vst v63  }
0x9d: {  	s28 =	sadd.s32 s12, s25;
	s29 =	sand.u32 $0x1FFFFFF0, s26;
	s0 =	spop (v2sf)  }
0x9e: {  	[tilespmem:s5], [sflag:$0x2] =	stream.linear.gather [hbm4b:s24+s11], $0x80, $0x38;
	[tilespmem:$0x8180] =	vst v63  }
0x9f: {  	(v2sf) =	vpush v63, $0xA;
	s2 =	sadd.s32 s31, s29;
	s29 =	rddreg [dreg:$0xb];
	s4 =	spop (v2sf)  }
0xa0: {  	[tilespmem:s7], [sflag:$0x1] =	stream.linear.gather [hbm4b:s28+s11], $0x80, $0x38;
	[tilespmem:$0x8180] =	vst v63  }
0xa1: {  	(v2sf) =	vpush v1, $0xB;
	s3 =	sand.u32 $0x1FFFFFF0, s0;
	s24 =	rddreg [dreg:$0xd];
	s7 =	spop (v2sf)  }
0xa2: {  	[tilespmem:s6], [sflag:$0x2] =	stream.linear.gather [hbm4b:s2+s11], $0x80, $0x38;
	[tilespmem:$0x8180] =	vst v63  }
0xa3: {  	(v2sf) =	vpush v63, $0xB;
	s5 =	sadd.s32 s12, s3;
	s16 =	sand.u32 $0x1FFFFFF0, s7;
	s7 =	rddreg [dreg:$0xa]  }
0xa4: {  	[tilespmem:s18], [sflag:$0x1] =	stream.linear.gather [hbm4b:s5+s11], $0x80, $0x38;
	[tilespmem:$0x8180] =	vst v63  }
0xa5: {  	s6 =	sand.u32 $0x1FFFFFF0, s4;
	s25 =	sadd.s32 s12, s16;
	s18 =	spop (v2sf)  }
0xa6: {  	(v2sf) =	vpush v1, $0xC;
	s9 =	sadd.s32 s31, s6;
	s26 =	sand.u32 $0x1FFFFFF0, s18;
	s28 =	spop (v2sf)  }
0xa7: {  	[tilespmem:s24], [sflag:$0x2] =	stream.linear.gather [hbm4b:s9+s11], $0x80, $0x38;
	[tilespmem:$0x8180] =	vst v63  }
0xa8: {  	(v2sf) =	vpush v63, $0xC;
	s4 =	sadd.s32 s31, s26;
	s5 =	sand.u32 $0x1FFFFFF0, s28;
	s6 =	spop (v2sf)  }
0xa9: {  	[tilespmem:s29], [sflag:$0x1] =	stream.linear.gather [hbm4b:s25+s11], $0x80, $0x38;
	[tilespmem:$0x8180] =	vst v63  }
0xaa: {  	s24 =	rddreg [dreg:$0x7];
	s9 =	sadd.s32 s12, s5;
	s18 =	spop (v2sf)  }
0xab: {  	[tilespmem:s7], [sflag:$0x2] =	stream.linear.gather [hbm4b:s4+s11], $0x80, $0x38;
	[tilespmem:$0x8180] =	vst v63  }
0xac: {  	s16 =	sand.u32 $0x1FFFFFF0, s6;
	s29 =	rddreg [dreg:$0x9];
	s26 =	sand.u32 $0x1FFFFFF0, s18  }
0xad: {  	[tilespmem:s24], [sflag:$0x1] =	stream.linear.gather [hbm4b:s9+s11], $0x80, $0x38;
	[tilespmem:$0x8180] =	vst v63  }
0xae: {  	s25 =	sadd.s32 s31, s16;
	s28 =	spop (v2sf);
	s4 =	sadd.s32 s12, s26  }
0xaf: {  	[tilespmem:s29], [sflag:$0x2] =	stream.linear.gather [hbm4b:s25+s11], $0x80, $0x38;
	[tilespmem:$0x8180] =	vst v63  }
0xb0: {  	s7 =	rddreg [dreg:$0x8];
	s5 =	sand.u32 $0x1FFFFFF0, s28;
	s6 =	spop (v2sf)  }
0xb1: {  	[tilespmem:s7], [sflag:$0x1] =	stream.linear.gather [hbm4b:s4+s11], $0x80, $0x38;
	[tilespmem:$0x8180] =	vst v63  }
0xb2: {  	s9 =	sadd.s32 s31, s5;
	s24 =	rddreg [dreg:$0x5];
	s18 =	spop (v2sf)  }
0xb3: {  	(v2sf) =	vpush v1, $0xD;
	[tilespmem:s24], [sflag:$0x2] =	stream.linear.gather [hbm4b:s9+s11], $0x80, $0x38;
	[tilespmem:$0x8180] =	vst v63  }
.Ltmp0:
0xb4: {  	(v2sf) =	vpush v63, $0xD;
	s16 =	sand.u32 $0x1FFFFFF0, s6;
	s26 =	sand.u32 $0x1FFFFFF0, s18;
	(pc) =	sbr.rel @p0 .LBB2_2-.Ltmp0, $4  }
0xb5: {  	(v2sf) =	vpush v1, $0xE;
	s25 =	sadd.s32 s12, s16;
	s28 =	spop (v2sf);
	s29 =	sadd.s32 s31, s26  }
0xb6: {  	(v2sf) =	vpush v63, $0xE;
	[tilespmem:s30], [sflag:$0x1] =	stream.linear.gather [hbm4b:s25+s11], $0x80, $0x38;
	[tilespmem:$0x8180] =	vst v63  }
0xb7: {  	(v2sf) =	vpush v1, $0xF;
	s0 =	sand.u32 $0x1FFFFFF0, s28;
	s1 =	spop (v2sf);
	s30 =	rddreg [dreg:$0x6]  }
0xb8: {  	(v2sf) =	vpush v63, $0xF;
	[tilespmem:s30], [sflag:$0x2] =	stream.linear.gather [hbm4b:s29+s11], $0x80, $0x38;
	[tilespmem:$0x8180] =	vst v63  }
0xb9: {  	_ =	sdelay $0x4  }
0xba: {  	s0 =	sadd.s32 s12, s0;
	s1 =	sand.u32 $0x1FFFFFF0, s1  }
0xbb: {  	[tilespmem:s23], [sflag:$0x1] =	stream.linear.gather [hbm4b:s0+s11], $0x80, $0x38;
	[tilespmem:$0x8180] =	vst v63  }
0xbc: {  	s3 =	sadd.s32 s31, s1  }
0xbd: {  	[tilespmem:s10], [sflag:$0x2] =	stream.linear.gather [hbm4b:s3+s11], $0x80, $0x38;
	[tilespmem:$0x8180] =	vst v63  }
0xbe: {  	s2 =	spop (v2sf)  }
0xbf: {  	s4 =	sand.u32 $0x1FFFFFF0, s2;
	s5 =	spop (v2sf)  }
0xc0: {  	s6 =	sadd.s32 s12, s4;
	s7 =	sand.u32 $0x1FFFFFF0, s5;
	s9 =	spop (v2sf)  }
0xc1: {  	[tilespmem:s13], [sflag:$0x1] =	stream.linear.gather [hbm4b:s6+s11], $0x80, $0x38;
	[tilespmem:$0x8180] =	vst v63  }
0xc2: {  	s10 =	sadd.s32 s31, s7;
	s13 =	sand.u32 $0x1FFFFFF0, s9;
	s15 =	spop (v2sf)  }
0xc3: {  	[tilespmem:s8], [sflag:$0x2] =	stream.linear.gather [hbm4b:s10+s11], $0x80, $0x38;
	[tilespmem:$0x8180] =	vst v63  }
0xc4: {  	s16 =	sadd.s32 s12, s13;
	s18 =	sand.u32 $0x1FFFFFF0, s15;
	s19 =	spop (v2sf)  }
0xc5: {  	[tilespmem:s22], [sflag:$0x1] =	stream.linear.gather [hbm4b:s16+s11], $0x80, $0x38;
	[tilespmem:$0x8180] =	vst v63  }
0xc6: {  	s20 =	sadd.s32 s31, s18;
	s23 =	spop (v2sf);
	s22 =	sand.u32 $0x1FFFFFF0, s19  }
0xc7: {  	[tilespmem:s21], [sflag:$0x2] =	stream.linear.gather [hbm4b:s20+s11], $0x80, $0x38;
	[tilespmem:$0x8180] =	vst v63  }
0xc8: {  	s24 =	sadd.s32 $0x880, s14;
	s2 =	sand.u32 $0x1FFFFFF0, s23;
	s1 =	sadd.s32 s12, s22  }
0xc9: {  	[tilespmem:s24], [sflag:$0x1] =	stream.linear.gather [hbm4b:s1+s11], $0x80, $0x38;
	[tilespmem:$0x8180] =	vst v63  }
0xca: {  	s25 =	sadd.s32 $0x4880, s14;
	s28 =	simm.s32 $0x1;
	s26 =	sadd.s32 s31, s2  }
0xcb: {  	[tilespmem:s25], [sflag:$0x2] =	stream.linear.gather [hbm4b:s26+s11], $0x80, $0x38;
	[tilespmem:$0x8180] =	vst v63  }
0xcc: {  	_ =	swait.ge [sflag:s28], $0x4000  }
0xcd: {  	[sflag:s28] =	ssyncset.done $0x0  }
0xce: {  	s29 =	simm.s32 $0x2;
	[sflag:s28] =	ssyncadd.s32 $0xFFFFC000  }
0xcf: {  	_ =	swait.ge [sflag:s29], $0x4000  }
0xd0: {  	[sflag:s29] =	ssyncset.done $0x0  }
0xd1: {  	s30 =	simm.s32 $0x0;
	[sflag:s29] =	ssyncadd.s32 $0xFFFFC000  }
0xd2: {  	v20 =	vld [tilespmem:s30+$0x830]  }
0xd3: {  	v21 =	vld [tilespmem:s30+$0x4830]  }
0xd4: {  	v0 =	vld [tilespmem:s30+$0x890]  }
0xd5: {  	v52 =	vld [tilespmem:s30+$0x4890]  }
0xd6: {  	v22 =	vld [tilespmem:s30+$0x820]  }
0xd7: {  	v23 =	vld [tilespmem:s30+$0x4820]  }
0xd8: {  	v53 =	vld [tilespmem:s30+$0x880]  }
0xd9: {  	v54 =	vld [tilespmem:s30+$0x4880]  }
0xda: {  	v24 =	vld [tilespmem:s30+$0x730]  }
0xdb: {  	v25 =	vld [tilespmem:s30+$0x4730]  }
0xdc: {  	v55 =	vld [tilespmem:s30+$0x7A0]  }
0xdd: {  	v26 =	vld [tilespmem:s30+$0x810]  }
0xde: {  	v27 =	vld [tilespmem:s30+$0x4810]  }
0xdf: {  	v28 =	vld [tilespmem:s30+$0x6B0]  }
0xe0: {  	v29 =	vld [tilespmem:s30+$0x46B0]  }
0xe1: {  	v30 =	vld [tilespmem:s30+$0x720]  }
0xe2: {  	v31 =	vld [tilespmem:s30+$0x4720]  }
0xe3: {  	v56 =	vld [tilespmem:s30+$0x790]  }
0xe4: {  	v57 =	vld [tilespmem:s30+$0x4790]  }
0xe5: {  	v32 =	vld [tilespmem:s30+$0x800]  }
0xe6: {  	v33 =	vld [tilespmem:s30+$0x4800]  }
0xe7: {  	v34 =	vld [tilespmem:s30+$0x6A0]  }
0xe8: {  	v35 =	vld [tilespmem:s30+$0x46A0]  }
0xe9: {  	v36 =	vld [tilespmem:s30+$0x710]  }
0xea: {  	v37 =	vld [tilespmem:s30+$0x4710]  }
0xeb: {  	v58 =	vld [tilespmem:s30+$0x780]  }
0xec: {  	v59 =	vld [tilespmem:s30+$0x4780]  }
0xed: {  	v38 =	vld [tilespmem:s30+$0x5B0]  }
0xee: {  	v39 =	vld [tilespmem:s30+$0x45B0]  }
0xef: {  	v60 =	vld [tilespmem:s30+$0x620]  }
0xf0: {  	v40 =	vld [tilespmem:s30+$0x690]  }
0xf1: {  	v41 =	vld [tilespmem:s30+$0x4690]  }
0xf2: {  	v42 =	vld [tilespmem:s30+$0x700]  }
0xf3: {  	v43 =	vld [tilespmem:s30+$0x4700]  }
0xf4: {  	v44 =	vld [tilespmem:s30+$0x530]  }
0xf5: {  	v45 =	vld [tilespmem:s30+$0x4530]  }
0xf6: {  	v46 =	vld [tilespmem:s30+$0x5A0]  }
0xf7: {  	v47 =	vld [tilespmem:s30+$0x45A0]  }
0xf8: {  	v61 =	vld [tilespmem:s30+$0x610]  }
0xf9: {  	v62 =	vld [tilespmem:s30+$0x4610]  }
0xfa: {  	v48 =	vld [tilespmem:s30+$0x680]  }
0xfb: {  	v49 =	vld [tilespmem:s30+$0x4680]  }
0xfc: {  	v50 =	vld [tilespmem:s30+$0x520]  }
0xfd: {  	v51 =	vld [tilespmem:s30+$0x4520]  }
0xfe: {  	v63 =	vld [tilespmem:s30+$0x600]  }
0xff: {  	v4 =	vld [tilespmem:s30+$0x4600]  }
0x100: {  	v5 =	vld [tilespmem:s30+$0x4A0]  }
0x101: {  	v6 =	vld [tilespmem:s30+$0x490]  }
0x102: {  	v7 =	vld [tilespmem:s30+$0x4490]  }
0x103: {  	v3 =	vld [tilespmem:s30+$0x500]  }
0x104: {  	v10 =	vld [tilespmem:s30+$0x3A0]  }
0x105: {  	v9 =	vld [tilespmem:s30+$0x43A0]  }
0x106: {  	v1 =	vld [tilespmem:s30+$0x480]  }
0x107: {  	v8 =	vld [tilespmem:s30+$0x4480]  }
0x108: {  	v16 =	vld [tilespmem:s30+$0x2B0]  }
0x109: {  	v15 =	vld [tilespmem:s30+$0x42B0]  }
0x10a: {  	v11 =	vld [tilespmem:s30+$0x320]  }
0x10b: {  	v2 =	vld [tilespmem:s30+$0x400]  }
0x10c: {  	v14 =	vld [tilespmem:s30+$0x230]  }
0x10d: {  	v13 =	vld [tilespmem:s30+$0x4230]  }
0x10e: {  	v12 =	vld [tilespmem:s30+$0x2A0]  }
0x10f: {  	v19 =	vld [tilespmem:s30+$0x310]  }
0x110: {  	v18 =	vld [tilespmem:s30+$0x4310]  }
0x111: {  	v17 =	vld [tilespmem:s30+$0x130]  }
0x112: {  	[tilespmem:$0x1FEC0] =	vst v52;
	v52 =	vld [tilespmem:s30+$0x590]  }
0x113: {  	[tilespmem:$0x1FE90] =	vst v53;
	v53 =	vld [tilespmem:s30+$0x4590]  }
0x114: {  	[tilespmem:$0x1FEA0] =	vst v54;
	v54 =	vld [tilespmem:s30+$0x430]  }
0x115: {  	[tilespmem:$0x1FE80] =	vst v55;
	v55 =	vld [tilespmem:s30+$0x4430]  }
0x116: {  	[tilespmem:$0x1FE60] =	vst v56;
	v56 =	vld [tilespmem:s30+$0x510]  }
0x117: {  	[tilespmem:$0x1FE70] =	vst v57;
	v57 =	vld [tilespmem:s30+$0x4510]  }
0x118: {  	[tilespmem:$0x1FE30] =	vst v58;
	v58 =	vld [tilespmem:s30+$0x580]  }
0x119: {  	[tilespmem:$0x1FE40] =	vst v59;
	v59 =	vld [tilespmem:s30+$0x4580]  }
0x11a: {  	[tilespmem:$0x1FE50] =	vst v60;
	v60 =	vld [tilespmem:s30+$0x3B0]  }
0x11b: {  	[tilespmem:$0x1FE10] =	vst v61;
	v61 =	vld [tilespmem:s30+$0x43B0]  }
0x11c: {  	[tilespmem:$0x1FE20] =	vst v62;
	v62 =	vld [tilespmem:s30+$0x420]  }
0x11d: {  	[tilespmem:$0x1FDE0] =	vst v63;
	v63 =	vld [tilespmem:s30+$0x4420]  }
0x11e: {  	[tilespmem:$0x1FEB0] =	vst v0;
	v0 =	vld [tilespmem:s30+$0x4500]  }
0x11f: {  	[tilespmem:$0x1FDC0] =	vst v6;
	v6 =	vld [tilespmem:s30+$0x410]  }
0x120: {  	[tilespmem:$0x1FE00] =	vst v5;
	v5 =	vld [tilespmem:s30+$0x4410]  }
0x121: {  	[tilespmem:$0x1FDA0] =	vst v8;
	v8 =	vld [tilespmem:s30+$0x390]  }
0x122: {  	[tilespmem:$0x1FDD0] =	vst v7;
	v7 =	vld [tilespmem:s30+$0x4390]  }
0x123: {  	[tilespmem:$0x1FD90] =	vst v1;
	v1 =	vld [tilespmem:s30+$0x4400]  }
0x124: {  	[tilespmem:$0x1FDB0] =	vst v11;
	v11 =	vld [tilespmem:s30+$0x42A0]  }
0x125: {  	[tilespmem:$0x1FDF0] =	vst v4;
	v4 =	vld [tilespmem:s30+$0x380]  }
0x126: {  	v32 =	vmul.f32 v33, v32;
	v33 =	vld [tilespmem:s30+$0x4380]  }
0x127: {  	v42 =	vmul.f32 v43, v42;
	v43 =	vld [tilespmem:s30+$0x220]  }
0x128: {  	v22 =	vmul.f32 v23, v22;
	v23 =	vld [tilespmem:s30+$0x4220]  }
0x129: {  	v48 =	vmul.f32 v49, v48;
	v46 =	vmul.f32 v47, v46;
	v47 =	vld [tilespmem:s30+$0x4210]  }
0x12a: {  	v26 =	vmul.f32 v27, v26;
	v27 =	vadd.f32 $0.0e+00, v32;
	v32 =	vld [tilespmem:s30+$0x4130]  }
0x12b: {  	v49 =	vadd.f32 $0.0e+00, v48;
	v48 =	vld [tilespmem:s30+$0x200]  }
0x12c: {  	v26 =	vadd.f32 v26, v27;
	v27 =	vmul.f32 v37, v36;
	v37 =	vld [tilespmem:s30+$0x290]  }
0x12d: {  	v36 =	vadd.f32 $0.0e+00, v42;
	v11 =	vmul.f32 v11, v12;
	v12 =	vld [tilespmem:s30+$0x1A0]  }
0x12e: {  	v22 =	vadd.f32 v22, v26;
	v26 =	vld [tilespmem:s30+$0x4290]  }
0x12f: {  	v20 =	vmul.f32 v21, v20;
	v21 =	vadd.f32 v27, v36;
	v27 =	vmul.f32 v31, v30;
	v30 =	vld [tilespmem:s30+$0x300]  }
0x130: {  	v31 =	vmul.f32 v41, v40;
	v40 =	vld [tilespmem:s30+$0x4300]  }
0x131: {  	v41 =	vmul.f32 v53, v52;
	v52 =	vmul.f32 v63, v62;
	v63 =	vld [tilespmem:s30+$0x1B0]  }
0x132: {  	v62 =	vmul.f32 v15, v16;
	v15 =	vld [tilespmem:s30+$0x4320]  }
0x133: {  	v21 =	vadd.f32 v27, v21;
	v27 =	vld [tilespmem:s30+$0x120]  }
0x134: {  	v24 =	vmul.f32 v25, v24;
	v25 =	vadd.f32 v31, v49;
	v31 =	vmul.f32 v35, v34;
	v34 =	vld [tilespmem:s30+$0x4120]  }
0x135: {  	v49 =	vld [tilespmem:s30+$0x4200]  }
0x136: {  	v20 =	vadd.f32 v20, v22;
	v22 =	vmul.f32 v59, v58;
	v58 =	vld [tilespmem:s30+$0x180]  }
0x137: {  	v59 =	vld [tilespmem:s30+$0x4180]  }
0x138: {  	v35 =	vld [tilespmem:s30+$0x41B0]  }
0x139: {  	v4 =	vmul.f32 v33, v4;
	v42 =	vadd.f32 $0.0e+00, v22;
	v22 =	vld [tilespmem:s30+$0x210]  }
0x13a: {  	v21 =	vadd.f32 v24, v21;
	v24 =	vadd.f32 v31, v25;
	v25 =	vmul.f32 v29, v28;
	v28 =	vld [tilespmem:s30+$0x280]  }
0x13b: {  	v7 =	vmul.f32 v7, v8;
	v4 =	vadd.f32 $0.0e+00, v4;
	v31 =	vld [tilespmem:s30+$0x4280]  }
0x13c: {  	v0 =	vmul.f32 v0, v3;
	v29 =	vmul.f32 v57, v56;
	v56 =	vld [tilespmem:s30+$0x4110]  }
0x13d: {  	v53 =	vmul.f32 v9, v10;
	v4 =	vadd.f32 v7, v4;
	v57 =	vmul.f32 v55, v54;
	v54 =	vld [tilespmem:$0x1FDD0]  }
0x13e: {  	v0 =	vadd.f32 $0.0e+00, v0;
	v55 =	vld [tilespmem:s30+$0x4620]  }
0x13f: {  	v4 =	vadd.f32 v53, v4;
	v53 =	vld [tilespmem:$0x1FDC0]  }
0x140: {  	v0 =	vadd.f32 v29, v0;
	v29 =	vmul.f32 v51, v50;
	v50 =	vld [tilespmem:s30+$0x110]  }
0x141: {  	v51 =	vld [tilespmem:s30+$0x4100]  }
0x142: {  	v24 =	vadd.f32 v25, v24;
	v25 =	vmul.f32 v39, v38;
	v38 =	vld [tilespmem:s30+$0x330]  }
0x143: {  	v3 =	vadd.f32 v41, v42;
	v41 =	vld [tilespmem:s30+$0x4330]  }
0x144: {  	v42 =	vmul.f32 v32, v17;
	v32 =	vld [tilespmem:$0x1FE10]  }
0x145: {  	v17 =	vld [tilespmem:$0x1FEA0]  }
0x146: {  	v5 =	vmul.f32 v5, v6;
	v6 =	vmul.f32 v49, v48;
	v49 =	vld [tilespmem:$0x1FDB0]  }
0x147: {  	v1 =	vmul.f32 v1, v2;
	v7 =	vmul.f32 v59, v58;
	v58 =	vld [tilespmem:$0x1FDE0];
	v3 =	vadd.f32 v46, v3  }
0x148: {  	v59 =	vld [tilespmem:$0x1FDF0]  }
0x149: {  	v33 =	vmul.f32 v13, v14;
	v1 =	vadd.f32 $0.0e+00, v1;
	v3 =	vadd.f32 v25, v3;
	v25 =	vld [tilespmem:s30+$0x100]  }
0x14a: {  	v13 =	vmul.f32 v34, v27;
	v34 =	vld [tilespmem:$0x1FE40];
	v0 =	vadd.f32 v29, v0;
	v29 =	vmul.f32 v45, v44  }
0x14b: {  	v1 =	vadd.f32 v5, v1;
	v26 =	vmul.f32 v26, v37;
	v28 =	vmul.f32 v31, v28;
	v31 =	vld [tilespmem:s30+$0x190]  }
0x14c: {  	v6 =	vadd.f32 $0.0e+00, v6;
	v2 =	vmul.f32 v47, v22;
	v22 =	vld [tilespmem:s30+$0x4190];
	v0 =	vadd.f32 v29, v0  }
0x14d: {  	v29 =	vmul.f32 v61, v60;
	v61 =	vmul.f32 v23, v43;
	v23 =	vld [tilespmem:s30+$0x41A0];
	v28 =	vadd.f32 $0.0e+00, v28  }
0x14e: {  	(xrf2) =	vadd.scan.msk.f32 $0xffff, v20;
	v1 =	vadd.f32 v52, v1;
	v45 =	vld [tilespmem:$0x1FD90];
	v8 =	vmul.f32 v51, v25  }
0x14f: {  	v37 =	vmul.f32 v40, v30;
	(xrf2) =	vadd.scan.msk.f32 $0xffff, v21;
	v46 =	vld [tilespmem:$0x1FDA0];
	v2 =	vadd.f32 v2, v6;
	v60 =	vadd.f32 v26, v28  }
0x150: {  	(xrf2) =	vadd.scan.msk.f32 $0xffff, v24;
	v7 =	vadd.f32 $0.0e+00, v7;
	v47 =	vld [tilespmem:s30+$0x4B0];
	v9 =	vmul.f32 v56, v50;
	v8 =	vadd.f32 $0.0e+00, v8  }
0x151: {  	v50 =	vld [tilespmem:s30+$0x44B0];
	(xrf2) =	vadd.scan.msk.f32 $0xffff, v3;
	v3 =	vmul.f32 v15, v49;
	v2 =	vadd.f32 v61, v2;
	v5 =	vadd.f32 v11, v60  }
0x152: {  	v15 =	vld [tilespmem:$0x1FE70];
	v14 =	vmul.f32 v22, v31;
	v40 =	vmul.f32 v23, v12;
	v8 =	vadd.f32 v9, v8  }
0x153: {  	v61 =	vld [tilespmem:$0x1FE00];
	v12 =	vmul.f32 v18, v19;
	v36 =	vadd.f32 v62, v5;
	v5 =	vadd.f32 $0.0e+00, v37  }
0x154: {  	v1 =	vadd.f32 v57, v1;
	v39 =	vadd.f32 v13, v8;
	v13 =	vld [tilespmem:s30+$0x44A0]  }
0x155: {  	v7 =	vadd.f32 v14, v7;
	v48 =	vadd.f32 v12, v5;
	v12 =	vld [tilespmem:$0x1FE20];
	v8 =	vmul.f32 v46, v45  }
0x156: {  	v44 =	vmul.f32 v35, v63;
	v4 =	vadd.f32 v29, v4;
	v2 =	vadd.f32 v33, v2;
	v33 =	vld [tilespmem:$0x1FE30]  }
0x157: {  	(xrf2) =	vadd.scan.msk.f32 $0xffff, v0;
	v60 =	vld [tilespmem:s30+$0x630];
	v43 =	vadd.f32 v40, v7;
	v7 =	vmul.f32 v54, v53;
	v52 =	vadd.f32 $0.0e+00, v8  }
0x158: {  	(xrf2) =	vadd.scan.msk.f32 $0xffff, v1;
	v40 =	vld [tilespmem:$0x1FE60];
	v56 =	vadd.f32 v3, v48;
	v3 =	vmul.f32 v59, v58  }
0x159: {  	(xrf2) =	vadd.scan.msk.f32 $0xffff, v4;
	v51 =	vadd.f32 v44, v43;
	v44 =	vld [tilespmem:$0x1FE80];
	v4 =	vadd.f32 v7, v52;
	v7 =	vmul.f32 v13, v61  }
0x15a: {  	v63 =	vadd.f32 $0.0e+00, v3;
	v3 =	vmul.f32 v12, v32;
	v12 =	vld [tilespmem:s30+$0x47A0]  }
0x15b: {  	v18 =	vld [tilespmem:$0x1FEC0];
	(xrf2) =	vadd.scan.msk.f32 $0xffff, v36;
	v0 =	vadd.f32 v42, v39;
	v4 =	vadd.f32 v7, v4;
	v7 =	vmul.f32 v34, v33  }
0x15c: {  	v57 =	vmul.f32 v41, v38;
	v36 =	vld [tilespmem:$0x1FE50];
	(xrf2) =	vadd.scan.msk.f32 $0xffff, v2  }
0x15d: {  	v62 =	vld [tilespmem:s30+$0x4630];
	v5 =	vmul.f32 v50, v47;
	(xrf2) =	vadd.scan.msk.f32 $0xffff, v0;
	v39 =	vadd.f32 $0.0e+00, v7;
	v7 =	vmul.f32 v15, v40  }
0x15e: {  	v10, _, _ =	vpop (xrf2);
	v46 =	vld [tilespmem:$0x1FEB0];
	v0 =	vadd.f32 v57, v56;
	(xrf2) =	vadd.scan.msk.f32 $0xffff, v51  }
0x15f: {  	v2, _, _ =	vpop (xrf2);
	v4 =	vadd.f32 v5, v4;
	v5 =	vadd.f32 v7, v39;
	v7 =	vmul.f32 v12, v44;
	v12 =	vld [tilespmem:$0x1FE90]  }
0x160: {  	v35 =	vld [tilespmem:s30+$0x7B0];
	v13, _, _ =	vpop (xrf2)  }
0x161: {  	v37 =	vld [tilespmem:s30+$0x47B0];
	v1 =	vadd.f32 v3, v63;
	v3 =	vmul.f32 v55, v36;
	v14, _, _ =	vpop (xrf2);
	(xrf2) =	vadd.scan.msk.f32 $0xffff, v0  }
0x162: {  	v42 =	vld [tilespmem:s30+$0x48A0];
	v38, _, _ =	vpop (xrf2)  }
0x163: {  	v41 =	vmul.f32 v62, v60;
	v1 =	vadd.f32 v3, v1;
	v16, _, _ =	vpop (xrf2);
	v15 =	vld [tilespmem:s30+$0x8A0]  }
0x164: {  	v3 =	vmul.f32 v18, v46;
	v18 =	vld [tilespmem:s30+$0x48B0];
	v43, _, _ =	vpop (xrf2);
	(xrf2) =	vadd.scan.msk.f32 $0xffff, v4;
	v12 =	vmul.f32 v17, v12  }
0x165: {  	v1 =	vadd.f32 v41, v1;
	v45, _, _ =	vpop (xrf2);
	v17 =	vld [tilespmem:s30+$0x8B0]  }
0x166: {  	v47 =	vmul.f32 v37, v35;
	v19, _, _ =	vpop (xrf2);
	v5 =	vadd.f32 v7, v5;
	v48 =	vadd.f32 $0.0e+00, v12  }
0x167: {  	(xrf2) =	vadd.scan.msk.f32 $0xffff, v1;
	v49, _, _ =	vpop (xrf2)  }
0x168: {  	v51 =	vmul.f32 v42, v15;
	v50 =	vadd.f32 v47, v5;
	v52, _, _ =	vpop (xrf2);
	v3 =	vadd.f32 v3, v48  }
0x169: {  	v53 =	vbroadcast v49, $0xF;
	v6 =	vbroadcast v52, $0xF  }
0x16a: {  	v54 =	vbroadcast v19, $0xF;
	(xrf2) =	vadd.scan.msk.f32 $0xffff, v50;
	v55 =	vmul.f32 v18, v17;
	v3 =	vadd.f32 v51, v3  }
0x16b: {  	v4 =	vbroadcast v45, $0xF;
	v57, _, _ =	vpop (xrf2);
	v56 =	vsel vm0, v53, v6  }
0x16c: {  	v6 =	vbroadcast v57, $0xF;
	v1 =	vsel vm1, v56, v54;
	v3 =	vadd.f32 v55, v3  }
0x16d: {  	v58 =	vbroadcast v43, $0xF;
	v1 =	vsel vm2, v1, v4  }
0x16e: {  	v59 =	vbroadcast v16, $0xF;
	v1 =	vsel vm3, v1, v6;
	v60, _, _ =	vpop (xrf2);
	(xrf2) =	vadd.scan.msk.f32 $0xffff, v3  }
0x16f: {  	v1 =	vsel vm4, v1, v58;
	v61 =	vbroadcast v60, $0xF  }
0x170: {  	v0 =	vbroadcast v38, $0xF;
	v1 =	vsel vm5, v1, v59  }
0x171: {  	v62 =	vbroadcast v14, $0xF;
	v63, _, _ =	vpop (xrf2);
	v1 =	vsel vm6, v1, v61  }
0x172: {  	v6 =	vbroadcast v63, $0xF;
	v0 =	vsel vm7, v1, v0  }
0x173: {  	v7 =	vbroadcast v13, $0xF;
	v0 =	vsel vm8, v0, v62  }
0x174: {  	v8 =	vbroadcast v2, $0xF;
	v0 =	vsel vm9, v0, v6;
	v9, _, _ =	vpop (xrf2)  }
0x175: {  	v0 =	vsel vm10, v0, v7;
	v2 =	vbroadcast v9, $0xF  }
0x176: {  	v11 =	vbroadcast v10, $0xF;
	v0 =	vsel vm11, v0, v8  }
0x177: {  	v0 =	vsel vm12, v0, v2  }
0x178: {  	v0 =	vsel vm13, v0, v11;
	v32, _, _ =	vpop (xrf2)  }
0x179: {  	s14 =	simm.s32 $0x8100;
	v0 =	vsel vm14, v0, v32  }
0x17a: {  	s15 =	simm.s32 $0x800;
	[tilespmem:s14+$0x0] =	vst v0  }
0x17b: {  	v22 =	vld [tilespmem:s15+$0x830]  }
0x17c: {  	v53 =	vld [tilespmem:s15+$0x4830]  }
0x17d: {  	v17 =	vld [tilespmem:s15+$0x890]  }
0x17e: {  	v0 =	vld [tilespmem:s15+$0x4890]  }
0x17f: {  	v3 =	vld [tilespmem:s15+$0x820]  }
0x180: {  	v29 =	vld [tilespmem:s15+$0x4820]  }
0x181: {  	v33 =	vld [tilespmem:s15+$0x880]  }
0x182: {  	v34 =	vld [tilespmem:s15+$0x4880]  }
0x183: {  	v21 =	vld [tilespmem:s15+$0x730]  }
0x184: {  	v24 =	vld [tilespmem:s15+$0x4730]  }
0x185: {  	v35 =	vld [tilespmem:s15+$0x7A0]  }
0x186: {  	v27 =	vld [tilespmem:s15+$0x810]  }
0x187: {  	v8 =	vld [tilespmem:s15+$0x6B0]  }
0x188: {  	v10 =	vld [tilespmem:s15+$0x46B0]  }
0x189: {  	v52 =	vld [tilespmem:s15+$0x720]  }
0x18a: {  	v37 =	vld [tilespmem:s15+$0x4720]  }
0x18b: {  	v36 =	vld [tilespmem:s15+$0x790]  }
0x18c: {  	v38 =	vld [tilespmem:s15+$0x4790]  }
0x18d: {  	v23 =	vld [tilespmem:s15+$0x800]  }
0x18e: {  	v39 =	vld [tilespmem:s15+$0x6A0]  }
0x18f: {  	v61 =	vld [tilespmem:s15+$0x46A0]  }
0x190: {  	v43 =	vld [tilespmem:s15+$0x710]  }
0x191: {  	v44 =	vld [tilespmem:s15+$0x4710]  }
0x192: {  	v40 =	vld [tilespmem:s15+$0x780]  }
0x193: {  	v41 =	vld [tilespmem:s15+$0x4780]  }
0x194: {  	v6 =	vld [tilespmem:s15+$0x5B0]  }
0x195: {  	v7 =	vld [tilespmem:s15+$0x45B0]  }
0x196: {  	v42 =	vld [tilespmem:s15+$0x620]  }
0x197: {  	v32 =	vld [tilespmem:s15+$0x690]  }
0x198: {  	v48 =	vld [tilespmem:s15+$0x4690]  }
0x199: {  	v49 =	vld [tilespmem:s15+$0x700]  }
0x19a: {  	v50 =	vld [tilespmem:s15+$0x4700]  }
0x19b: {  	v9 =	vld [tilespmem:s15+$0x530]  }
0x19c: {  	v11 =	vld [tilespmem:s15+$0x4530]  }
0x19d: {  	v45 =	vld [tilespmem:s15+$0x5A0]  }
0x19e: {  	v62 =	vld [tilespmem:s15+$0x45A0]  }
0x19f: {  	v46 =	vld [tilespmem:s15+$0x610]  }
0x1a0: {  	v47 =	vld [tilespmem:s15+$0x4610]  }
0x1a1: {  	v55 =	vld [tilespmem:s15+$0x680]  }
0x1a2: {  	v56 =	vld [tilespmem:s15+$0x4680]  }
0x1a3: {  	v51 =	vld [tilespmem:s15+$0x520]  }
0x1a4: {  	v58 =	vld [tilespmem:s15+$0x4520]  }
0x1a5: {  	v59 =	vld [tilespmem:s15+$0x590]  }
0x1a6: {  	v60 =	vld [tilespmem:s15+$0x4590]  }
0x1a7: {  	v54 =	vld [tilespmem:s15+$0x600]  }
0x1a8: {  	v57 =	vld [tilespmem:s15+$0x4600]  }
0x1a9: {  	v12 =	vld [tilespmem:s15+$0x430]  }
0x1aa: {  	v13 =	vld [tilespmem:s15+$0x4430]  }
0x1ab: {  	v63 =	vld [tilespmem:s15+$0x4A0]  }
0x1ac: {  	v4 =	vld [tilespmem:s15+$0x3B0]  }
0x1ad: {  	v5 =	vld [tilespmem:s15+$0x43B0]  }
0x1ae: {  	v2 =	vld [tilespmem:s15+$0x4420]  }
0x1af: {  	v15 =	vld [tilespmem:s15+$0x490]  }
0x1b0: {  	v16 =	vld [tilespmem:s15+$0x4490]  }
0x1b1: {  	v1 =	vld [tilespmem:s15+$0x500]  }
0x1b2: {  	v14 =	vld [tilespmem:s15+$0x3A0]  }
0x1b3: {  	v18 =	vld [tilespmem:s15+$0x480]  }
0x1b4: {  	v19 =	vld [tilespmem:s15+$0x4480]  }
0x1b5: {  	v26 =	vld [tilespmem:s15+$0x42B0]  }
0x1b6: {  	v20 =	vld [tilespmem:s15+$0x320]  }
0x1b7: {  	v25 =	vld [tilespmem:s15+$0x230]  }
0x1b8: {  	v28 =	vld [tilespmem:s15+$0x4230]  }
0x1b9: {  	v30 =	vld [tilespmem:s15+$0x2A0]  }
0x1ba: {  	v31 =	vld [tilespmem:s15+$0x42A0]  }
0x1bb: {  	[tilespmem:$0x1FEF0] =	vst v34;
	v34 =	vld [tilespmem:s15+$0x4810]  }
0x1bc: {  	[tilespmem:$0x1FF00] =	vst v35;
	v35 =	vld [tilespmem:s15+$0x4800]  }
0x1bd: {  	[tilespmem:$0x1FFA0] =	vst v63;
	v63 =	vld [tilespmem:s15+$0x510]  }
0x1be: {  	[tilespmem:$0x1FF60] =	vst v46;
	v46 =	vld [tilespmem:s15+$0x4510]  }
0x1bf: {  	[tilespmem:$0x1FF10] =	vst v36;
	v36 =	vld [tilespmem:s15+$0x580]  }
0x1c0: {  	[tilespmem:$0x1FEE0] =	vst v33;
	v33 =	vld [tilespmem:s15+$0x4580]  }
0x1c1: {  	[tilespmem:$0x1FF90] =	vst v57;
	v57 =	vld [tilespmem:s15+$0x420]  }
0x1c2: {  	[tilespmem:$0x1FED0] =	vst v0;
	v0 =	vld [tilespmem:s15+$0x4500]  }
0x1c3: {  	[tilespmem:$0x1FFE0] =	vst v14;
	v14 =	vld [tilespmem:s15+$0x43A0]  }
0x1c4: {  	[tilespmem:$0x1FFC0] =	vst v45;
	v45 =	vld [tilespmem:s15+$0x410]  }
0x1c5: {  	[tilespmem:$0x1FF50] =	vst v42;
	v42 =	vld [tilespmem:s15+$0x4410]  }
0x1c6: {  	[tilespmem:$0x1FF80] =	vst v54;
	v54 =	vld [tilespmem:s15+$0x2B0]  }
0x1c7: {  	[tilespmem:$0x1FFD0] =	vst v51;
	v51 =	vld [tilespmem:s15+$0x390]  }
0x1c8: {  	[tilespmem:$0x1FF70] =	vst v47;
	v47 =	vld [tilespmem:s15+$0x4390]  }
0x1c9: {  	[tilespmem:$0x1FF30] =	vst v40;
	v40 =	vld [tilespmem:s15+$0x400]  }
0x1ca: {  	[tilespmem:$0x1FF20] =	vst v38;
	v38 =	vld [tilespmem:s15+$0x4400]  }
0x1cb: {  	[tilespmem:$0x1FF40] =	vst v41;
	v41 =	vld [tilespmem:s15+$0x380]  }
0x1cc: {  	[tilespmem:$0x1FFB0] =	vst v39;
	v39 =	vld [tilespmem:s15+$0x4380];
	v49 =	vmul.f32 v50, v49  }
0x1cd: {  	v3 =	vmul.f32 v29, v3;
	v29 =	vld [tilespmem:s15+$0x4130];
	v43 =	vmul.f32 v44, v43  }
0x1ce: {  	v55 =	vmul.f32 v56, v55;
	v37 =	vmul.f32 v37, v52;
	v52 =	vld [tilespmem:s15+$0x4290]  }
0x1cf: {  	v56 =	vmul.f32 v53, v22;
	v48 =	vmul.f32 v48, v32;
	v32 =	vld [tilespmem:s15+$0x300];
	v44 =	vadd.f32 $0.0e+00, v49  }
0x1d0: {  	v53 =	vmul.f32 v24, v21;
	v21 =	vld [tilespmem:$0x1FFB0];
	v49 =	vadd.f32 $0.0e+00, v55;
	v35 =	vmul.f32 v35, v23  }
0x1d1: {  	v43 =	vadd.f32 v43, v44;
	v44 =	vld [tilespmem:s15+$0x290]  }
0x1d2: {  	v48 =	vadd.f32 v48, v49;
	v49 =	vld [tilespmem:$0x1FFC0];
	v34 =	vmul.f32 v34, v27;
	v35 =	vadd.f32 $0.0e+00, v35  }
0x1d3: {  	[tilespmem:$0x1FFF0] =	vst v14;
	v14 =	vld [tilespmem:s15+$0x310]  }
0x1d4: {  	v23 =	vld [tilespmem:s15+$0x4310];
	v35 =	vadd.f32 v34, v35  }
0x1d5: {  	v27 =	vld [tilespmem:s15+$0x130]  }
0x1d6: {  	v60 =	vmul.f32 v60, v59;
	v55 =	vmul.f32 v33, v36;
	v33 =	vld [tilespmem:s15+$0x4300];
	v50 =	vadd.f32 v3, v35  }
0x1d7: {  	v8 =	vmul.f32 v10, v8;
	v36 =	vld [tilespmem:s15+$0x120];
	v10 =	vmul.f32 v46, v63  }
0x1d8: {  	v46 =	vld [tilespmem:s15+$0x210];
	v50 =	vadd.f32 v56, v50;
	v56 =	vmul.f32 v61, v21;
	v61 =	vadd.f32 $0.0e+00, v55  }
0x1d9: {  	v63 =	vld [tilespmem:s15+$0x4280]  }
0x1da: {  	v0 =	vmul.f32 v0, v1;
	v37 =	vadd.f32 v37, v43;
	v1 =	vadd.f32 v60, v61;
	v61 =	vld [tilespmem:$0x1FFD0]  }
0x1db: {  	v55 =	vld [tilespmem:s15+$0x280]  }
0x1dc: {  	v42 =	vmul.f32 v42, v45;
	v45 =	vld [tilespmem:s15+$0x200];
	v41 =	vmul.f32 v39, v41;
	v43 =	vadd.f32 v53, v37  }
0x1dd: {  	v39 =	vld [tilespmem:s15+$0x4210];
	v0 =	vadd.f32 $0.0e+00, v0;
	(xrf2) =	vadd.scan.msk.f32 $0xffff, v50  }
0x1de: {  	v38 =	vmul.f32 v38, v40;
	v2 =	vmul.f32 v2, v57;
	v57 =	vadd.f32 $0.0e+00, v41;
	v41 =	vld [tilespmem:s15+$0x4100];
	(xrf2) =	vadd.scan.msk.f32 $0xffff, v43  }
0x1df: {  	v37 =	vld [tilespmem:s15+$0x4120];
	v53 =	vmul.f32 v62, v49;
	v0 =	vadd.f32 v10, v0;
	v62 =	vmul.f32 v58, v61  }
0x1e0: {  	v38 =	vadd.f32 $0.0e+00, v38;
	v61 =	vmul.f32 v63, v55;
	v63 =	vld [tilespmem:$0x1FFF0]  }
0x1e1: {  	v48 =	vadd.f32 v56, v48;
	v0 =	vadd.f32 v62, v0;
	v62 =	vld [tilespmem:$0x1FFE0]  }
0x1e2: {  	v47 =	vmul.f32 v47, v51;
	v10 =	vld [tilespmem:s15+$0x4200];
	v42 =	vadd.f32 v42, v38  }
0x1e3: {  	v34 =	vld [tilespmem:s15+$0x220];
	v48 =	vadd.f32 v8, v48;
	v1 =	vadd.f32 v53, v1;
	v8 =	vmul.f32 v7, v6  }
0x1e4: {  	v38 =	vld [tilespmem:s15+$0x110];
	v49 =	vadd.f32 v47, v57;
	v56 =	vmul.f32 v11, v9  }
0x1e5: {  	v47 =	vld [tilespmem:s15+$0x100];
	v59 =	vadd.f32 v2, v42;
	v60 =	vmul.f32 v13, v12;
	v1 =	vadd.f32 v8, v1  }
0x1e6: {  	v35 =	vld [tilespmem:s15+$0x4220];
	(xrf2) =	vadd.scan.msk.f32 $0xffff, v48;
	v58 =	vadd.f32 v56, v0;
	v3 =	vmul.f32 v63, v62  }
0x1e7: {  	v50 =	vmul.f32 v10, v45;
	v45 =	vld [tilespmem:s15+$0x180];
	v40 =	vadd.f32 v60, v59;
	v48 =	vmul.f32 v52, v44;
	(xrf2) =	vadd.scan.msk.f32 $0xffff, v1;
	v52, _, _ =	vpop (xrf2)  }
0x1e8: {  	s16 =	simm.s32 $0x4000;
	v42 =	vmul.f32 v5, v4;
	v44 =	vld [tilespmem:s15+$0x4110];
	v51 =	vadd.f32 $0.0e+00, v61;
	(xrf2) =	vadd.scan.msk.f32 $0xffff, v58;
	v21, _, _ =	vpop (xrf2);
	v49 =	vadd.f32 v3, v49  }
.LBB2_4:
0x1e9: {  	v43 =	vld [tilespmem:s15+$0x4180]  }
0x1ea: {  	v55 =	vld [tilespmem:s15+$0x190]  }
0x1eb: {  	v56 =	vld [tilespmem:s15+$0x4190]  }
0x1ec: {  	v58 =	vld [tilespmem:s15+$0x41A0]  }
0x1ed: {  	v60 =	vld [tilespmem:s15+$0x1B0]  }
0x1ee: {  	v62 =	vld [tilespmem:s15+$0x41B0]  }
0x1ef: {  	v4 =	vld [tilespmem:s15+$0x4320]  }
0x1f0: {  	v6 =	vld [tilespmem:s15+$0x330]  }
0x1f1: {  	v7 =	vld [tilespmem:s15+$0x4330]  }
0x1f2: {  	v15 =	vmul.f32 v16, v15;
	v16 =	vld [tilespmem:s15+$0x4620]  }
0x1f3: {  	v9 =	vld [tilespmem:$0x1FF80]  }
0x1f4: {  	v10 =	vld [tilespmem:$0x1FF90]  }
0x1f5: {  	v13 =	vld [tilespmem:s15+$0x630]  }
0x1f6: {  	v11 =	vld [tilespmem:$0x1FFA0];
	v31 =	vmul.f32 v31, v30  }
0x1f7: {  	v48 =	vadd.f32 v48, v51;
	(xrf2) =	vadd.scan.msk.f32 $0xffff, v40;
	v40 =	vld [tilespmem:$0x1FF20];
	v39 =	vmul.f32 v39, v46;
	v41 =	vmul.f32 v41, v47  }
0x1f8: {  	v50 =	vadd.f32 $0.0e+00, v50;
	v0 =	vmul.f32 v26, v54;
	v26 =	vld [tilespmem:s15+$0x1A0];
	v34 =	vmul.f32 v35, v34  }
0x1f9: {  	v42 =	vadd.f32 v42, v49;
	v1 =	vmul.f32 v44, v38;
	v22 =	vmul.f32 v23, v14;
	v23 =	vld [tilespmem:s15+$0x44A0]  }
0x1fa: {  	v27 =	vmul.f32 v29, v27;
	v18 =	vmul.f32 v19, v18;
	v19 =	vld [tilespmem:s15+$0x4B0];
	v31 =	vadd.f32 v31, v48  }
0x1fb: {  	v29 =	vmul.f32 v33, v32;
	v32 =	vld [tilespmem:$0x1FF60];
	v39 =	vadd.f32 v39, v50;
	v57 =	vadd.f32 $0.0e+00, v41  }
0x1fc: {  	v25 =	vmul.f32 v28, v25;
	v33 =	vld [tilespmem:$0x1FF70];
	v30, _, _ =	vpop (xrf2);
	(xrf2) =	vadd.scan.msk.f32 $0xffff, v42;
	v59 =	vmul.f32 v43, v45;
	v31 =	vadd.f32 v0, v31  }
0x1fd: {  	v61 =	vmul.f32 v37, v36;
	v35 =	vld [tilespmem:$0x1FF30];
	v34 =	vadd.f32 v34, v39;
	v28 =	vadd.f32 v1, v57  }
0x1fe: {  	v36 =	vld [tilespmem:$0x1FF40];
	v63 =	vmul.f32 v56, v55;
	v24, _, _ =	vpop (xrf2);
	(xrf2) =	vadd.scan.msk.f32 $0xffff, v31;
	v31 =	vadd.f32 $0.0e+00, v59  }
0x1ff: {  	v37 =	vld [tilespmem:$0x1FF50];
	v25 =	vadd.f32 v25, v34;
	v5 =	vadd.f32 v61, v28  }
0x200: {  	v44 =	vld [tilespmem:$0x1FEF0];
	v26 =	vmul.f32 v58, v26;
	v31 =	vadd.f32 v63, v31  }
0x201: {  	v47 =	vld [tilespmem:$0x1FED0];
	v38, _, _ =	vpop (xrf2);
	(xrf2) =	vadd.scan.msk.f32 $0xffff, v25;
	v25 =	vadd.f32 v27, v5;
	v27 =	vadd.f32 $0.0e+00, v29  }
0x202: {  	v42 =	vld [tilespmem:$0x1FF00];
	v29 =	vmul.f32 v62, v60;
	v8 =	vadd.f32 v26, v31  }
0x203: {  	v20 =	vmul.f32 v4, v20;
	v12 =	vmul.f32 v10, v9;
	v22 =	vadd.f32 v22, v27;
	v27 =	vld [tilespmem:s15+$0x44B0]  }
0x204: {  	v43 =	vld [tilespmem:$0x1FEE0];
	v18 =	vadd.f32 $0.0e+00, v18;
	v28, _, _ =	vpop (xrf2);
	(xrf2) =	vadd.scan.msk.f32 $0xffff, v25;
	v25 =	vadd.f32 v29, v8  }
0x205: {  	v2 =	vmul.f32 v7, v6;
	v12 =	vadd.f32 $0.0e+00, v12;
	v39 =	vld [tilespmem:$0x1FF10];
	v20 =	vadd.f32 v20, v22  }
0x206: {  	v15 =	vadd.f32 v15, v18;
	v18 =	vld [tilespmem:s15+$0x4630];
	v14 =	vmul.f32 v23, v11;
	v10 =	vmul.f32 v33, v32;
	v26, _, _ =	vpop (xrf2);
	(xrf2) =	vadd.scan.msk.f32 $0xffff, v25  }
0x207: {  	v11 =	vld [tilespmem:s15+$0x47A0];
	v7 =	vmul.f32 v36, v35;
	v20 =	vadd.f32 v2, v20  }
0x208: {  	v14 =	vadd.f32 v14, v15;
	v10 =	vadd.f32 v10, v12;
	v12 =	vld [tilespmem:s15+$0x47B0];
	v34 =	vmul.f32 v27, v19  }
0x209: {  	v9 =	vmul.f32 v16, v37;
	v8 =	vld [tilespmem:s15+$0x7B0];
	v22, _, _ =	vpop (xrf2);
	(xrf2) =	vadd.scan.msk.f32 $0xffff, v20  }
0x20a: {  	v6 =	vld [tilespmem:s15+$0x8A0];
	v7 =	vadd.f32 $0.0e+00, v7;
	v5 =	vmul.f32 v40, v39;
	v14 =	vadd.f32 v34, v14  }
0x20b: {  	v16 =	vadd.f32 v9, v10;
	v41 =	vmul.f32 v18, v13;
	v13 =	vld [tilespmem:s15+$0x48A0]  }
0x20c: {  	v3 =	vld [tilespmem:s15+$0x8B0];
	v45 =	vmul.f32 v44, v43;
	v4 =	vmul.f32 v11, v42;
	v5 =	vadd.f32 v5, v7;
	v15, _, _ =	vpop (xrf2);
	(xrf2) =	vadd.scan.msk.f32 $0xffff, v14  }
0x20d: {  	v48 =	vld [tilespmem:s15+$0x48B0];
	v0 =	vmul.f32 v47, v17;
	v46 =	vadd.f32 v41, v16  }
0x20e: {  	v4 =	vadd.f32 v4, v5;
	v2 =	vadd.f32 $0.0e+00, v45;
	v8 =	vmul.f32 v12, v8  }
0x20f: {  	v49, _, _ =	vpop (xrf2);
	(xrf2) =	vadd.scan.msk.f32 $0xffff, v46  }
0x210: {  	v50 =	vmul.f32 v13, v6;
	v0 =	vadd.f32 v0, v2;
	v8 =	vadd.f32 v8, v4;
	v51, _, _ =	vpop (xrf2)  }
0x211: {  	v53 =	vbroadcast v49, $0xF;
	v5 =	vbroadcast v51, $0xF  }
0x212: {  	v1 =	vmul.f32 v48, v3;
	v0 =	vadd.f32 v50, v0;
	v54 =	vbroadcast v15, $0xF;
	(xrf2) =	vadd.scan.msk.f32 $0xffff, v8  }
0x213: {  	v56 =	vbroadcast v22, $0xF;
	v57, _, _ =	vpop (xrf2);
	v55 =	vsel vm0, v53, v5  }
0x214: {  	v0 =	vadd.f32 v1, v0;
	v58 =	vbroadcast v57, $0xF;
	v2 =	vsel vm1, v55, v54  }
0x215: {  	v60 =	vbroadcast v26, $0xF;
	v59 =	vsel vm2, v2, v56  }
0x216: {  	v61 =	vbroadcast v28, $0xF;
	v62, _, _ =	vpop (xrf2);
	(xrf2) =	vadd.scan.msk.f32 $0xffff, v0;
	v1 =	vsel vm3, v59, v58  }
0x217: {  	v6 =	vbroadcast v62, $0xF;
	v63 =	vsel vm4, v1, v60  }
0x218: {  	v7 =	vbroadcast v38, $0xF;
	v0 =	vsel vm5, v63, v61  }
0x219: {  	v8 =	vbroadcast v24, $0xF;
	v9, _, _ =	vpop (xrf2);
	v0 =	vsel vm6, v0, v6  }
0x21a: {  	v10 =	vbroadcast v9, $0xF;
	v0 =	vsel vm7, v0, v7  }
0x21b: {  	v11 =	vbroadcast v30, $0xF;
	v0 =	vsel vm8, v0, v8  }
0x21c: {  	v32 =	vbroadcast v21, $0xF;
	v33, _, _ =	vpop (xrf2);
	v0 =	vsel vm9, v0, v10  }
0x21d: {  	v3 =	vbroadcast v33, $0xF;
	v0 =	vsel vm10, v0, v11  }
0x21e: {  	v34 =	vbroadcast v52, $0xF;
	v0 =	vsel vm11, v0, v32  }
0x21f: {  	v0 =	vsel vm12, v0, v3  }
0x220: {  	v35, _, _ =	vpop (xrf2);
	v0 =	vsel vm13, v0, v34  }
0x221: {  	s14 =	sadd.s32 $0x10, s14;
	v0 =	vsel vm14, v0, v35  }
0x222: {  	s15 =	sshra.s32 s16, $0x2;
	[tilespmem:s14+$0x0] =	vst v0  }
0x223: {  	v32 =	vld [tilespmem:s15+$0x830]  }
0x224: {  	v35 =	vld [tilespmem:s15+$0x4830]  }
0x225: {  	v0 =	vld [tilespmem:s15+$0x890]  }
0x226: {  	v36 =	vld [tilespmem:s15+$0x4890]  }
0x227: {  	v29 =	vld [tilespmem:s15+$0x820]  }
0x228: {  	v34 =	vld [tilespmem:s15+$0x4820]  }
0x229: {  	v37 =	vld [tilespmem:s15+$0x880]  }
0x22a: {  	v38 =	vld [tilespmem:s15+$0x4880]  }
0x22b: {  	v33 =	vld [tilespmem:s15+$0x730]  }
0x22c: {  	v39 =	vld [tilespmem:s15+$0x7A0]  }
0x22d: {  	v27 =	vld [tilespmem:s15+$0x810]  }
0x22e: {  	v52 =	vld [tilespmem:s15+$0x4810]  }
0x22f: {  	v40 =	vld [tilespmem:s15+$0x6B0]  }
0x230: {  	v41 =	vld [tilespmem:s15+$0x46B0]  }
0x231: {  	v47 =	vld [tilespmem:s15+$0x720]  }
0x232: {  	v48 =	vld [tilespmem:s15+$0x4720]  }
0x233: {  	v42 =	vld [tilespmem:s15+$0x790]  }
0x234: {  	v43 =	vld [tilespmem:s15+$0x4790]  }
0x235: {  	v23 =	vld [tilespmem:s15+$0x800]  }
0x236: {  	v62 =	vld [tilespmem:s15+$0x4800]  }
0x237: {  	v46 =	vld [tilespmem:s15+$0x46A0]  }
0x238: {  	v57 =	vld [tilespmem:s15+$0x710]  }
0x239: {  	v60 =	vld [tilespmem:s15+$0x4710]  }
0x23a: {  	v44 =	vld [tilespmem:s15+$0x780]  }
0x23b: {  	v45 =	vld [tilespmem:s15+$0x4780]  }
0x23c: {  	v49 =	vld [tilespmem:s15+$0x620]  }
0x23d: {  	v58 =	vld [tilespmem:s15+$0x690]  }
0x23e: {  	v61 =	vld [tilespmem:s15+$0x4690]  }
0x23f: {  	v63 =	vld [tilespmem:s15+$0x700]  }
0x240: {  	v50 =	vld [tilespmem:s15+$0x530]  }
0x241: {  	v51 =	vld [tilespmem:s15+$0x4530]  }
0x242: {  	v53 =	vld [tilespmem:s15+$0x610]  }
0x243: {  	v54 =	vld [tilespmem:s15+$0x4610]  }
0x244: {  	v1 =	vld [tilespmem:s15+$0x680]  }
0x245: {  	v2 =	vld [tilespmem:s15+$0x4680]  }
0x246: {  	v3 =	vld [tilespmem:s15+$0x590]  }
0x247: {  	v4 =	vld [tilespmem:s15+$0x4590]  }
0x248: {  	v55 =	vld [tilespmem:s15+$0x600]  }
0x249: {  	v56 =	vld [tilespmem:s15+$0x4600]  }
0x24a: {  	v59 =	vld [tilespmem:s15+$0x4A0]  }
0x24b: {  	v5 =	vld [tilespmem:s15+$0x510]  }
0x24c: {  	v6 =	vld [tilespmem:s15+$0x4510]  }
0x24d: {  	v7 =	vld [tilespmem:s15+$0x580]  }
0x24e: {  	v8 =	vld [tilespmem:s15+$0x4580]  }
0x24f: {  	v21 =	vld [tilespmem:s15+$0x490]  }
0x250: {  	v9 =	vld [tilespmem:s15+$0x500]  }
0x251: {  	v10 =	vld [tilespmem:s15+$0x4500]  }
0x252: {  	v11 =	vld [tilespmem:s15+$0x410]  }
0x253: {  	v12 =	vld [tilespmem:s15+$0x4410]  }
0x254: {  	v22 =	vld [tilespmem:s15+$0x480]  }
0x255: {  	v19 =	vld [tilespmem:s15+$0x4480]  }
0x256: {  	v26 =	vld [tilespmem:s15+$0x42B0]  }
0x257: {  	v20 =	vld [tilespmem:s15+$0x320]  }
0x258: {  	v13 =	vld [tilespmem:s15+$0x390]  }
0x259: {  	v24 =	vld [tilespmem:s15+$0x4390]  }
0x25a: {  	v15 =	vld [tilespmem:s15+$0x400]  }
0x25b: {  	v16 =	vld [tilespmem:s15+$0x4400]  }
0x25c: {  	v25 =	vld [tilespmem:s15+$0x230]  }
0x25d: {  	v28 =	vld [tilespmem:s15+$0x4230]  }
0x25e: {  	v30 =	vld [tilespmem:s15+$0x2A0]  }
0x25f: {  	v31 =	vld [tilespmem:s15+$0x42A0]  }
0x260: {  	v14 =	vld [tilespmem:s15+$0x310]  }
0x261: {  	v18 =	vld [tilespmem:s15+$0x380]  }
0x262: {  	v17 =	vld [tilespmem:s15+$0x4380]  }
0x263: {  	[tilespmem:$0x1FED0] =	vst v36;
	v36 =	vld [tilespmem:s15+$0x4730]  }
0x264: {  	[tilespmem:$0x1FEE0] =	vst v37;
	v37 =	vld [tilespmem:s15+$0x6A0]  }
0x265: {  	[tilespmem:$0x1FF00] =	vst v39;
	v39 =	vld [tilespmem:s15+$0x5B0]  }
0x266: {  	[tilespmem:$0x1FD50] =	vst v41;
	v41 =	vld [tilespmem:s15+$0x45B0]  }
0x267: {  	[tilespmem:$0x1FD60] =	vst v0;
	v0 =	vld [tilespmem:s15+$0x4700]  }
0x268: {  	[tilespmem:$0x1FD80] =	vst v51;
	v51 =	vld [tilespmem:s15+$0x5A0]  }
0x269: {  	[tilespmem:$0x1FEF0] =	vst v38;
	v38 =	vld [tilespmem:s15+$0x45A0]  }
0x26a: {  	[tilespmem:$0x1FF50] =	vst v49;
	v49 =	vld [tilespmem:s15+$0x520]  }
0x26b: {  	[tilespmem:$0x1FD70] =	vst v50;
	v50 =	vld [tilespmem:s15+$0x4520]  }
0x26c: {  	[tilespmem:$0x1FF30] =	vst v44;
	v44 =	vld [tilespmem:s15+$0x430]  }
0x26d: {  	[tilespmem:$0x1FF40] =	vst v45;
	v45 =	vld [tilespmem:s15+$0x4430]  }
0x26e: {  	[tilespmem:$0x1FF10] =	vst v42;
	v42 =	vld [tilespmem:s15+$0x3B0]  }
0x26f: {  	[tilespmem:$0x1FF20] =	vst v43;
	v43 =	vld [tilespmem:s15+$0x43B0]  }
0x270: {  	[tilespmem:$0x1FF90] =	vst v56;
	v56 =	vld [tilespmem:s15+$0x420]  }
0x271: {  	[tilespmem:$0x1FFA0] =	vst v59;
	v59 =	vld [tilespmem:s15+$0x4420]  }
0x272: {  	[tilespmem:$0x1FF60] =	vst v53;
	v53 =	vld [tilespmem:s15+$0x4490]  }
0x273: {  	[tilespmem:$0x1FD40] =	vst v40;
	v40 =	vld [tilespmem:s15+$0x3A0]  }
0x274: {  	[tilespmem:$0x1FF80] =	vst v55;
	v55 =	vld [tilespmem:s15+$0x43A0]  }
0x275: {  	[tilespmem:$0x1FF70] =	vst v54;
	v54 =	vld [tilespmem:s15+$0x2B0]  }
0x276: {  	v62 =	vmul.f32 v62, v23;
	v23 =	vld [tilespmem:s15+$0x4310]  }
0x277: {  	v52 =	vmul.f32 v52, v27;
	v27 =	vld [tilespmem:s15+$0x130];
	v57 =	vmul.f32 v60, v57  }
0x278: {  	v1 =	vmul.f32 v2, v1;
	v32 =	vmul.f32 v35, v32;
	v35 =	vld [tilespmem:s15+$0x4220];
	v62 =	vadd.f32 $0.0e+00, v62  }
0x279: {  	v47 =	vmul.f32 v48, v47;
	v48 =	vld [tilespmem:s15+$0x290];
	v60 =	vmul.f32 v61, v58  }
0x27a: {  	v1 =	vadd.f32 $0.0e+00, v1;
	v52 =	vadd.f32 v52, v62;
	v62 =	vmul.f32 v34, v29;
	v29 =	vld [tilespmem:s15+$0x4130]  }
0x27b: {  	v34 =	vld [tilespmem:s15+$0x220]  }
0x27c: {  	v1 =	vadd.f32 v60, v1;
	v60 =	vmul.f32 v6, v5;
	v5 =	vld [tilespmem:s15+$0x280];
	v0 =	vmul.f32 v0, v63  }
0x27d: {  	v61 =	vmul.f32 v36, v33;
	v33 =	vld [tilespmem:s15+$0x4300]  }
0x27e: {  	v36 =	vld [tilespmem:s15+$0x120];
	v0 =	vadd.f32 $0.0e+00, v0  }
0x27f: {  	v7 =	vmul.f32 v8, v7;
	v37 =	vmul.f32 v46, v37;
	v46 =	vld [tilespmem:$0x1FD40];
	v63 =	vadd.f32 v62, v52  }
0x280: {  	v52 =	vmul.f32 v38, v51;
	v51 =	vmul.f32 v17, v18;
	v17 =	vld [tilespmem:$0x1FD60];
	v0 =	vadd.f32 v57, v0  }
0x281: {  	v3 =	vmul.f32 v4, v3;
	v62 =	vadd.f32 $0.0e+00, v7;
	v38 =	vld [tilespmem:s15+$0x110];
	v2 =	vadd.f32 v32, v63  }
0x282: {  	v1 =	vadd.f32 v37, v1;
	v37 =	vld [tilespmem:s15+$0x4120];
	v0 =	vadd.f32 v47, v0  }
0x283: {  	(xrf2) =	vadd.scan.msk.f32 $0xffff, v2;
	v2 =	vadd.f32 v3, v62;
	v47 =	vld [tilespmem:$0x1FD50]  }
0x284: {  	v32 =	vld [tilespmem:s15+$0x300];
	v0 =	vadd.f32 v61, v0  }
0x285: {  	v63 =	vmul.f32 v10, v9;
	v2 =	vadd.f32 v52, v2;
	v52 =	vld [tilespmem:$0x1FD70]  }
0x286: {  	v61 =	vmul.f32 v16, v15;
	v16 =	vmov v53;
	v53 =	vld [tilespmem:$0x1FD80];
	(xrf2) =	vadd.scan.msk.f32 $0xffff, v0  }
0x287: {  	v9 =	vld [tilespmem:s15+$0x4200];
	v58 =	vadd.f32 $0.0e+00, v63;
	v62 =	vmul.f32 v41, v39  }
0x288: {  	v42 =	vmul.f32 v43, v42;
	v63 =	vld [tilespmem:s15+$0x4280];
	v7 =	vmul.f32 v47, v46  }
0x289: {  	v57 =	vld [tilespmem:s15+$0x4290];
	v2 =	vadd.f32 v62, v2;
	v0 =	vadd.f32 v60, v58;
	v47 =	vmul.f32 v50, v49  }
0x28a: {  	v39 =	vld [tilespmem:s15+$0x4210];
	v49 =	vadd.f32 $0.0e+00, v61;
	v50 =	vmul.f32 v12, v11;
	v1 =	vadd.f32 v7, v1  }
0x28b: {  	p0 =	sne.s32 s16, $0xE000;
	v3 =	vld [tilespmem:s15+$0x200];
	v58 =	vmul.f32 v59, v56;
	v0 =	vadd.f32 v47, v0;
	v4 =	vmul.f32 v53, v52  }
.Ltmp1:
0x28c: {  	v41 =	vld [tilespmem:s15+$0x4100];
	v59 =	vadd.f32 $0.0e+00, v51;
	v60 =	vmul.f32 v24, v13;
	(xrf2) =	vadd.scan.msk.f32 $0xffff, v1;
	v1 =	vadd.f32 v50, v49;
	(pc) =	sbr.rel @p0 .LBB2_4-.Ltmp1, $4  }
0x28d: {  	v18 =	vmovc v22;
	v62 =	vmul.f32 v45, v44;
	v44 =	vld [tilespmem:s15+$0x4110];
	v61 =	vmul.f32 v63, v5;
	v0 =	vadd.f32 v4, v0  }
0x28e: {  	v45 =	vld [tilespmem:s15+$0x180];
	v63 =	vmul.f32 v55, v40;
	(xrf2) =	vadd.scan.msk.f32 $0xffff, v2;
	v2 =	vadd.f32 v60, v59;
	v1 =	vadd.f32 v58, v1  }
0x28f: {  	v15 =	vmov v21;
	v48 =	vmul.f32 v57, v48;
	v46 =	vld [tilespmem:s15+$0x210];
	v51 =	vadd.f32 $0.0e+00, v61;
	v52, _, _ =	vpop (xrf2)  }
0x290: {  	s16 =	sadd.s32 $0x2000, s16;
	v47 =	vld [tilespmem:s15+$0x100];
	v50 =	vmul.f32 v9, v3;
	(xrf2) =	vadd.scan.msk.f32 $0xffff, v0;
	v49 =	vadd.f32 v63, v2;
	v40 =	vadd.f32 v62, v1;
	v21, _, _ =	vpop (xrf2)  }
0x291: {  	v0 =	vld [tilespmem:s15+$0x4180]  }
0x292: {  	v2 =	vld [tilespmem:s15+$0x190]  }
0x293: {  	v6 =	vld [tilespmem:s15+$0x4190]  }
0x294: {  	v9 =	vld [tilespmem:s15+$0x1A0]  }
0x295: {  	v11 =	vld [tilespmem:s15+$0x41A0]  }
0x296: {  	v12 =	vld [tilespmem:s15+$0x1B0]  }
0x297: {  	v24 =	vmul.f32 v26, v54;
	v26 =	vld [tilespmem:s15+$0x41B0]  }
0x298: {  	v25 =	vmul.f32 v28, v25;
	v28 =	vld [tilespmem:s15+$0x4320]  }
0x299: {  	v7 =	vmul.f32 v31, v30;
	v31 =	vld [tilespmem:s15+$0x330]  }
0x29a: {  	v30 =	vmul.f32 v33, v32;
	v33 =	vld [tilespmem:s15+$0x4330]  }
0x29b: {  	v13 =	vmul.f32 v37, v36;
	v36 =	vld [tilespmem:s15+$0x44A0]  }
0x29c: {  	v4 =	vadd.f32 v48, v51;
	v48 =	vld [tilespmem:$0x1FF90]  }
0x29d: {  	v51 =	vld [tilespmem:s15+$0x4630]  }
0x29e: {  	v55 =	vld [tilespmem:$0x1FF60]  }
0x29f: {  	v56 =	vld [tilespmem:$0x1FF70]  }
0x2a0: {  	v57 =	vld [tilespmem:s15+$0x47A0]  }
0x2a1: {  	v60 =	vld [tilespmem:$0x1FF30]  }
0x2a2: {  	v22 =	vmul.f32 v35, v34;
	v34 =	vmul.f32 v29, v27;
	v61 =	vld [tilespmem:$0x1FF40]  }
0x2a3: {  	v35 =	vmul.f32 v23, v14;
	v62 =	vld [tilespmem:s15+$0x7B0];
	v3 =	vadd.f32 $0.0e+00, v50;
	v5 =	vmul.f32 v41, v47  }
0x2a4: {  	v8 =	vadd.f32 v42, v49;
	v42 =	vld [tilespmem:s15+$0x44B0];
	v1 =	vmul.f32 v39, v46;
	v0 =	vmul.f32 v0, v45  }
0x2a5: {  	v10 =	vmul.f32 v44, v38;
	v49 =	vld [tilespmem:s15+$0x630];
	v4 =	vadd.f32 v7, v4;
	v5 =	vadd.f32 $0.0e+00, v5  }
0x2a6: {  	v50 =	vld [tilespmem:$0x1FFA0];
	v1 =	vadd.f32 v1, v3;
	v2 =	vmul.f32 v6, v2;
	v0 =	vadd.f32 $0.0e+00, v0  }
0x2a7: {  	v38 =	vmul.f32 v19, v18;
	v39 =	vld [tilespmem:s15+$0x4B0];
	v4 =	vadd.f32 v24, v4;
	v5 =	vadd.f32 v10, v5  }
0x2a8: {  	v47 =	vld [tilespmem:$0x1FF80];
	v32 =	vmul.f32 v11, v9;
	v1 =	vadd.f32 v22, v1;
	v0 =	vadd.f32 v2, v0  }
0x2a9: {  	(xrf2) =	vadd.scan.msk.f32 $0xffff, v40;
	v3 =	vadd.f32 $0.0e+00, v30;
	v37 =	vmul.f32 v26, v12;
	v45 =	vld [tilespmem:s15+$0x4620];
	v5 =	vadd.f32 v13, v5  }
0x2aa: {  	(xrf2) =	vadd.scan.msk.f32 $0xffff, v8;
	v41 =	vmul.f32 v28, v20;
	v20 =	vld [tilespmem:$0x1FF50];
	v1 =	vadd.f32 v25, v1;
	v0 =	vadd.f32 v32, v0  }
0x2ab: {  	v44 =	vmul.f32 v16, v15;
	v26 =	vld [tilespmem:$0x1FF20];
	(xrf2) =	vadd.scan.msk.f32 $0xffff, v4;
	v3 =	vadd.f32 v35, v3;
	v40 =	vadd.f32 v34, v5  }
0x2ac: {  	v43 =	vadd.f32 $0.0e+00, v38;
	v46 =	vmul.f32 v33, v31;
	v33 =	vld [tilespmem:$0x1FEE0];
	(xrf2) =	vadd.scan.msk.f32 $0xffff, v1;
	v0 =	vadd.f32 v37, v0  }
0x2ad: {  	v3 =	vadd.f32 v41, v3;
	v25 =	vld [tilespmem:$0x1FF10];
	v5 =	vmul.f32 v48, v47;
	(xrf2) =	vadd.scan.msk.f32 $0xffff, v40  }
0x2ae: {  	v2 =	vmul.f32 v36, v50;
	v1 =	vadd.f32 v44, v43;
	v32 =	vld [tilespmem:$0x1FF00];
	(xrf2) =	vadd.scan.msk.f32 $0xffff, v0  }
0x2af: {  	v4 =	vmul.f32 v56, v55;
	v53 =	vadd.f32 v46, v3;
	v34 =	vld [tilespmem:$0x1FEF0];
	v54 =	vadd.f32 $0.0e+00, v5  }
0x2b0: {  	v58, _, _ =	vpop (xrf2);
	v6 =	vmul.f32 v61, v60;
	v22 =	vld [tilespmem:s15+$0x47B0];
	v59 =	vmul.f32 v42, v39;
	v1 =	vadd.f32 v2, v1  }
0x2b1: {  	v63, _, _ =	vpop (xrf2);
	v37 =	vld [tilespmem:$0x1FED0];
	v3 =	vadd.f32 v4, v54;
	v4 =	vmul.f32 v45, v20;
	(xrf2) =	vadd.scan.msk.f32 $0xffff, v53  }
0x2b2: {  	v27 =	vld [tilespmem:s15+$0x8A0];
	v24 =	vadd.f32 $0.0e+00, v6;
	v23, _, _ =	vpop (xrf2);
	v6 =	vmul.f32 v26, v25;
	v1 =	vadd.f32 v59, v1  }
0x2b3: {  	v30 =	vld [tilespmem:s15+$0x48A0];
	v29 =	vmul.f32 v51, v49;
	v28, _, _ =	vpop (xrf2);
	v3 =	vadd.f32 v4, v3  }
0x2b4: {  	v38 =	vld [tilespmem:s15+$0x48B0];
	v31, _, _ =	vpop (xrf2);
	v2 =	vadd.f32 v6, v24;
	v5 =	vmul.f32 v57, v32;
	v6 =	vmul.f32 v34, v33;
	(xrf2) =	vadd.scan.msk.f32 $0xffff, v1  }
0x2b5: {  	v35 =	vld [tilespmem:s15+$0x8B0];
	v40 =	vmul.f32 v22, v62;
	v36, _, _ =	vpop (xrf2);
	v3 =	vadd.f32 v29, v3  }
0x2b6: {  	v4 =	vmul.f32 v37, v17;
	v2 =	vadd.f32 v5, v2;
	v6 =	vadd.f32 $0.0e+00, v6;
	v39, _, _ =	vpop (xrf2)  }
0x2b7: {  	(xrf2) =	vadd.scan.msk.f32 $0xffff, v3;
	v41, _, _ =	vpop (xrf2)  }
0x2b8: {  	v43 =	vmul.f32 v30, v27;
	v2 =	vadd.f32 v40, v2;
	v42 =	vadd.f32 v4, v6;
	v44, _, _ =	vpop (xrf2)  }
0x2b9: {  	v45 =	vbroadcast v41, $0xF;
	v5 =	vbroadcast v44, $0xF  }
0x2ba: {  	v47 =	vmul.f32 v38, v35;
	v46 =	vbroadcast v39, $0xF;
	v3 =	vadd.f32 v43, v42;
	(xrf2) =	vadd.scan.msk.f32 $0xffff, v2  }
0x2bb: {  	v1 =	vbroadcast v36, $0xF;
	v49, _, _ =	vpop (xrf2);
	v48 =	vsel vm0, v45, v5  }
0x2bc: {  	v3 =	vadd.f32 v47, v3;
	v5 =	vbroadcast v49, $0xF;
	v2 =	vsel vm1, v48, v46  }
0x2bd: {  	v50 =	vbroadcast v31, $0xF;
	v1 =	vsel vm2, v2, v1  }
0x2be: {  	v51 =	vbroadcast v28, $0xF;
	v53, _, _ =	vpop (xrf2);
	(xrf2) =	vadd.scan.msk.f32 $0xffff, v3;
	v1 =	vsel vm3, v1, v5  }
0x2bf: {  	v54 =	vbroadcast v53, $0xF;
	v1 =	vsel vm4, v1, v50  }
0x2c0: {  	v0 =	vbroadcast v23, $0xF;
	v1 =	vsel vm5, v1, v51  }
0x2c1: {  	v55 =	vbroadcast v63, $0xF;
	v56, _, _ =	vpop (xrf2);
	v1 =	vsel vm6, v1, v54  }
0x2c2: {  	v57 =	vbroadcast v56, $0xF;
	v0 =	vsel vm7, v1, v0  }
0x2c3: {  	v58 =	vbroadcast v58, $0xF;
	v0 =	vsel vm8, v0, v55  }
0x2c4: {  	v59 =	vbroadcast v21, $0xF;
	v60, _, _ =	vpop (xrf2);
	v0 =	vsel vm9, v0, v57  }
0x2c5: {  	v61 =	vbroadcast v60, $0xF;
	v0 =	vsel vm10, v0, v58  }
0x2c6: {  	v62 =	vbroadcast v52, $0xF;
	v0 =	vsel vm11, v0, v59  }
0x2c7: {  	v0 =	vsel vm12, v0, v61  }
0x2c8: {  	v63, _, _ =	vpop (xrf2);
	v0 =	vsel vm13, v0, v62  }
0x2c9: {  	s0 =	sadd.s32 $0x10, s14;
	v0 =	vsel vm14, v0, v63  }
0x2ca: {  	s28 =	rddreg [dreg:$0x10];
	s1 =	simm.s32 $0x8100;
	s2 =	simm.s32 $0x3;
	[tilespmem:s0+$0x0] =	vst v0  }
0x2cb: {  	[hbm4b:s28+s11] =	stream.linear.scatter [tilespmem:s1], [sflag:$0x3], $0x80, $0x38;
	[tilespmem:$0x8180] =	vst v63  }
0x2cc: {  	_ =	swait.ge [sflag:s2], $0x80  }
0x2cd: {  	s29 =	rddreg [dreg:$0x12]  }
0x2ce: {  	s30 =	rddreg [dreg:$0x11];
	s1 =	sadd.s32 $0x1, s29  }
0x2cf: {  	p0 =	sne.s32 s1, s30  }
.Ltmp2:
0x2d0: {  	_ = 	snop;
	(pc) =	sbr.rel @p0 .LBB2_1-.Ltmp2, $3  }
0x2d1: {  	_ =	sdelay $0x1  }
0x2d2: {  	[sflag:s2] =	ssyncset.done $0x0  }
0x2d3: {  	[sflag:s2] =	ssyncadd.s32 $0xFFFFFF80  }
0x2d4: {  	_ =	sfence.sel $0x180000  }
0x2d5: {  	[bflag:$0x0] =	sbarrier.arrive $0xFFFF  }
0x2d6: {  	_ =	strace $0x90000047  }
0x2d7: {  	s0 =	stileid.u32;
	[bflag:$0x2] =	sbarrier.arrive $0xFFFF  }
0x2d8: {  	p0 =	sne.s32 s0, $0x0;
	s0 =	rddreg [dreg:$0x4]  }
0x2d9: {  	s0 =	sadd.s32 @!p0 $0x100000, s0  }
0x2da: {  	[sflag:s0] =	ssyncadd.tile.s32 @!p0 $0x1;
	_ =	shalt  }
.Lfunc_end2:
_tile_overlayer_lowered:
.L_overlay_start_2:
0x2db: {  	(tag) =	ssettag $0x2  }
0x2dc: {  	s0 =	rddreg [dreg:$0x0];
	s2 =	stileid.u32  }
0x2dd: {  	s1 =	rddreg [dreg:$0x1];
	p0 =	sne.s32 s2, $0x0  }
0x2de: {  	s3 =	rddreg [dreg:$0x2];
	[bflag:$0x3] =	sbarrier.arrive $0xFFFF;
	s2 =	simm.s32 @!p0 $0x1C03  }
0x2df: {  	[timem:s3], [sflag:s2] =	dma.local @!p0 [hbm:s0], s1  }
0x2e0: {  	s0 =	simm.s32 @!p0 $0x3  }
0x2e1: {  	_ =	swait.ge @!p0 [sflag:s0], s1  }
0x2e2: {  	s1 =	ssub.s32 @!p0 $0x0, s1;
	[sflag:s0] =	ssyncset.done @!p0 $0x0  }
0x2e3: {  	[sflag:s0] =	ssyncadd.s32 @!p0 s1  }
0x2e4: {  	[bflag:$0x3] =	sbarrier.arrive $0xFFFF  }
0x2e5: {  	_ =	shalt  }

</sc_bundles>
